<compile_context>
chip_gen: v7x
topology: tpu7x:2x2x1
jax: 0.10.2.dev20260603
libtpu: 0.0.44.dev20260713+nightly
codegen_flags: <defaults>
</compile_context>

<pallas_src>
import functools

import jax
import jax.numpy as jnp
from jax import lax
from jax.experimental import pallas as pl
from jax.experimental.pallas import tpu as pltpu
from jax.experimental.pallas import tpu_sc as plsc

N = 10000
E = 320000
F_IN = 128
H = 64
C = 40

NC = 2
NS = 16
NW = NC * NS
CK = 125
EW = E // NW
NCHUNK = EW // CK
N_PAD = 10240
RPT = N_PAD // NS
DEGW = 16

BR = 512



def _lin1_body(x_ref, wl_ref, wr_ref, b_ref, l_ref, r_ref):
    x = x_ref[...]
    l_ref[...] = jnp.dot(x, wl_ref[...], preferred_element_type=jnp.float32)
    r_ref[...] = jnp.dot(
        x, wr_ref[...], preferred_element_type=jnp.float32) + b_ref[...]


def _lin1(x, wl, wr, b):
    return pl.pallas_call(
        _lin1_body,
        grid=(pl.cdiv(N, BR),),
        in_specs=[
            pl.BlockSpec((BR, F_IN), lambda i: (i, 0)),
            pl.BlockSpec((F_IN, H), lambda i: (0, 0)),
            pl.BlockSpec((F_IN, H), lambda i: (0, 0)),
            pl.BlockSpec((1, H), lambda i: (0, 0)),
        ],
        out_specs=[
            pl.BlockSpec((BR, H), lambda i: (i, 0)),
            pl.BlockSpec((BR, H), lambda i: (i, 0)),
        ],
        out_shape=[
            jax.ShapeDtypeStruct((N, H), jnp.float32),
            jax.ShapeDtypeStruct((N, H), jnp.float32),
        ],
    )(x, wl, wr, b)


def _mid_body(a_ref, d_ref, xr_ref, wl_ref, wr_ref, b_ref, l_ref, r_ref):
    deg = jnp.maximum(d_ref[0, :, :1] + d_ref[1, :, :1], 1.0)
    h = jnp.maximum((a_ref[0] + a_ref[1]) / deg + xr_ref[...], 0.0)
    l_ref[...] = jnp.dot(h, wl_ref[...], preferred_element_type=jnp.float32)
    r_ref[...] = jnp.dot(
        h, wr_ref[...], preferred_element_type=jnp.float32) + b_ref[...]


def _mid(acc, deg, xr, wl, wr, b):
    return pl.pallas_call(
        _mid_body,
        grid=(pl.cdiv(N, BR),),
        in_specs=[
            pl.BlockSpec((NC, BR, H), lambda i: (0, i, 0)),
            pl.BlockSpec((NC, BR, DEGW), lambda i: (0, i, 0)),
            pl.BlockSpec((BR, H), lambda i: (i, 0)),
            pl.BlockSpec((H, H), lambda i: (0, 0)),
            pl.BlockSpec((H, H), lambda i: (0, 0)),
            pl.BlockSpec((1, H), lambda i: (0, 0)),
        ],
        out_specs=[
            pl.BlockSpec((BR, H), lambda i: (i, 0)),
            pl.BlockSpec((BR, H), lambda i: (i, 0)),
        ],
        out_shape=[
            jax.ShapeDtypeStruct((N, H), jnp.float32),
            jax.ShapeDtypeStruct((N, H), jnp.float32),
        ],
    )(acc, deg, xr, wl, wr, b)


def _fin_body(a_ref, d_ref, hr_ref, w_ref, b_ref, o_ref):
    deg = jnp.maximum(d_ref[0, :, :1] + d_ref[1, :, :1], 1.0)
    h = jnp.maximum((a_ref[0] + a_ref[1]) / deg + hr_ref[...], 0.0)
    o_ref[...] = jnp.dot(h, w_ref[...],
                         preferred_element_type=jnp.float32) + b_ref[...]


def _fin(acc, deg, hr, w, b):
    return pl.pallas_call(
        _fin_body,
        grid=(pl.cdiv(N, BR),),
        in_specs=[
            pl.BlockSpec((NC, BR, H), lambda i: (0, i, 0)),
            pl.BlockSpec((NC, BR, DEGW), lambda i: (0, i, 0)),
            pl.BlockSpec((BR, H), lambda i: (i, 0)),
            pl.BlockSpec((H, C), lambda i: (0, 0)),
            pl.BlockSpec((1, C), lambda i: (0, 0)),
        ],
        out_specs=pl.BlockSpec((BR, C), lambda i: (i, 0)),
        out_shape=jax.ShapeDtypeStruct((N, C), jnp.float32),
    )(acc, deg, hr, w, b)



NBUF = 2
GLEAD = 1
SLAG = NBUF - GLEAD
NOUTER = NCHUNK // NBUF
RPT_T = N // NS


def _pipeline(table, src_v, dst_v, rows_v, acc_s, gsem, ssem,
              ones_v=None, deg_s=None, dsem=None):
    with_deg = deg_s is not None

    def gstart(j, b):
        pltpu.async_copy(table.at[src_v.at[j]], rows_v.at[b], gsem.at[b])

    def step(j, b):
        if with_deg:
            pltpu.async_copy(ones_v, deg_s.at[dst_v.at[j]], dsem, add=True)
        pltpu.make_async_copy(
            table.at[src_v.at[j]], rows_v.at[b], gsem.at[b]).wait()
        pltpu.async_copy(
            rows_v.at[b], acc_s.at[dst_v.at[j]], ssem.at[b], add=True)

    def swait(j, b):
        pltpu.make_async_copy(
            rows_v.at[b], acc_s.at[dst_v.at[j]], ssem.at[b]).wait()

    def dwait(j):
        pltpu.make_async_copy(ones_v, deg_s.at[dst_v.at[j]], dsem).wait()

    for j in range(GLEAD):
        gstart(j, j % NBUF)
    for j in range(NBUF):
        if j >= SLAG:
            swait(j - SLAG, (j - SLAG) % NBUF)
        gstart(j + GLEAD, (j + GLEAD) % NBUF)
        step(j, j % NBUF)
        if with_deg and j >= 1:
            dwait(j - 1)

    def outer(i, carry):
        base = i * NBUF
        for b in range(NBUF):
            j = base + b
            swait(j - SLAG, (b - SLAG) % NBUF)
            gstart(j + GLEAD, (b + GLEAD) % NBUF)
            step(j, b)
            if with_deg:
                dwait(j - 1)
        return carry

    lax.fori_loop(1, NOUTER - 1, outer, 0)

    base = NCHUNK - NBUF
    for b in range(NBUF):
        j = base + b
        swait(j - SLAG, (j - SLAG) % NBUF)
        if j + GLEAD < NCHUNK:
            gstart(j + GLEAD, (j + GLEAD) % NBUF)
        step(j, b)
        if with_deg:
            dwait(j - 1)
    for j in range(NCHUNK - SLAG, NCHUNK):
        swait(j, j % NBUF)
    if with_deg:
        dwait(NCHUNK - 1)


def _agg_deg_body(table, ei_h, zrow_h, zdeg_h, acc_out, deg_out,
                  src_v, dst_v, rows_v, ones_v, table_s, acc_s, deg_s,
                  gsem, ssem, dsem):
    cid = lax.axis_index("c")
    sid = lax.axis_index("s")
    wid = sid * NC + cid
    pltpu.sync_copy(ei_h.at[0, wid], src_v)
    pltpu.sync_copy(ei_h.at[1, wid], dst_v)
    t0 = sid * RPT_T
    pltpu.sync_copy(table.at[pl.ds(t0, RPT_T)], table_s.at[pl.ds(t0, RPT_T)])
    r0 = sid * RPT
    pltpu.sync_copy(zrow_h, acc_s.at[pl.ds(r0, RPT)])
    pltpu.sync_copy(zdeg_h, deg_s.at[pl.ds(r0, RPT)])
    one = jnp.ones((DEGW,), jnp.float32)
    for r in range(CK):
        ones_v[r, :] = one
    plsc.subcore_barrier()
    _pipeline(table_s, src_v, dst_v, rows_v, acc_s, gsem, ssem,
              ones_v, deg_s, dsem)
    plsc.subcore_barrier()
    pltpu.sync_copy(acc_s.at[pl.ds(r0, RPT)], acc_out.at[cid, pl.ds(r0, RPT)])
    pltpu.sync_copy(deg_s.at[pl.ds(r0, RPT)], deg_out.at[cid, pl.ds(r0, RPT)])


def _agg_body(table, ei_h, zrow_h, acc_out,
              src_v, dst_v, rows_v, table_s, acc_s, gsem, ssem):
    cid = lax.axis_index("c")
    sid = lax.axis_index("s")
    wid = sid * NC + cid
    pltpu.sync_copy(ei_h.at[0, wid], src_v)
    pltpu.sync_copy(ei_h.at[1, wid], dst_v)
    t0 = sid * RPT_T
    pltpu.sync_copy(table.at[pl.ds(t0, RPT_T)], table_s.at[pl.ds(t0, RPT_T)])
    r0 = sid * RPT
    pltpu.sync_copy(zrow_h, acc_s.at[pl.ds(r0, RPT)])
    plsc.subcore_barrier()
    _pipeline(table_s, src_v, dst_v, rows_v, acc_s, gsem, ssem)
    plsc.subcore_barrier()
    pltpu.sync_copy(acc_s.at[pl.ds(r0, RPT)], acc_out.at[cid, pl.ds(r0, RPT)])


_SC_MESH = dict(core_axis_name="c", subcore_axis_name="s")


def _agg_deg(table, ei, zrow, zdeg):
    return pl.kernel(
        _agg_deg_body,
        out_type=(
            jax.ShapeDtypeStruct((NC, N_PAD, H), jnp.float32),
            jax.ShapeDtypeStruct((NC, N_PAD, DEGW), jnp.float32),
        ),
        mesh=plsc.VectorSubcoreMesh(**_SC_MESH),
        compiler_params=pltpu.CompilerParams(use_tc_tiling_on_sc=False),
        scratch_types=[
            pltpu.VMEM((NCHUNK, CK), jnp.int32),
            pltpu.VMEM((NCHUNK, CK), jnp.int32),
            pltpu.VMEM((NBUF, CK, H), jnp.float32),
            pltpu.VMEM((CK, DEGW), jnp.float32),
            pltpu.VMEM_SHARED((N, H), jnp.float32),
            pltpu.VMEM_SHARED((N_PAD, H), jnp.float32),
            pltpu.VMEM_SHARED((N_PAD, DEGW), jnp.float32),
            pltpu.SemaphoreType.DMA((NBUF,)),
            pltpu.SemaphoreType.DMA((NBUF,)),
            pltpu.SemaphoreType.DMA,
        ],
    )(table, ei, zrow, zdeg)


def _agg(table, ei, zrow):
    return pl.kernel(
        _agg_body,
        out_type=jax.ShapeDtypeStruct((NC, N_PAD, H), jnp.float32),
        mesh=plsc.VectorSubcoreMesh(**_SC_MESH),
        compiler_params=pltpu.CompilerParams(use_tc_tiling_on_sc=False),
        scratch_types=[
            pltpu.VMEM((NCHUNK, CK), jnp.int32),
            pltpu.VMEM((NCHUNK, CK), jnp.int32),
            pltpu.VMEM((NBUF, CK, H), jnp.float32),
            pltpu.VMEM_SHARED((N, H), jnp.float32),
            pltpu.VMEM_SHARED((N_PAD, H), jnp.float32),
            pltpu.SemaphoreType.DMA((NBUF,)),
            pltpu.SemaphoreType.DMA((NBUF,)),
        ],
    )(table, ei, zrow)



def kernel(x, edge_index, batch, W1l, b1, W1r, W2l, b2, W2r, Wlin, blin):
    ei = edge_index.reshape(2, NW, NCHUNK, CK)
    zrow = jnp.zeros((RPT, H), jnp.float32)
    zdeg = jnp.zeros((RPT, DEGW), jnp.float32)

    xl, xr1 = _lin1(x, W1l, W1r, b1.reshape(1, H))
    acc1, deg1 = _agg_deg(xl, ei, zrow, zdeg)
    hl, hr2 = _mid(acc1, deg1, xr1, W2l, W2r, b2.reshape(1, H))
    acc2 = _agg(hl, ei, zrow)
    return _fin(acc2, deg1, hr2, Wlin, blin.reshape(1, C))

# --- scband reference (transcript-rebuilt; emitter-appended) ---
"""Pipeline reference for scband-rl-gcn-37744172597441 (READ-ONLY COPY).

The authoritative reference and input builder live on the scoring server;
editing this copy changes nothing except your own understanding.
"""

import jax, jax.numpy as jnp
import numpy as np

N = 10000
E = 320000
F_IN = 128
H = 64
C = 40


def setup_inputs(seed: int = 0) -> dict:
    key = jax.random.key(seed)
    ks = jax.random.split(key, 12)
    x = jax.random.normal(ks[0], (N, F_IN), dtype=jnp.float32)
    edge_index = jax.random.randint(ks[1], (2, E), 0, N, dtype=jnp.int32)
    batch = jnp.zeros((N,), dtype=jnp.int32)
    # SAGEConv layer 1 params (PyG convention: lin_l on aggregated msgs w/ bias, lin_r on root no bias)
    W1l = jax.random.normal(ks[2], (F_IN, H), dtype=jnp.float32) * 0.05
    b1 = jnp.zeros((H,), dtype=jnp.float32)
    W1r = jax.random.normal(ks[3], (F_IN, H), dtype=jnp.float32) * 0.05
    # SAGEConv layer 2 params
    W2l = jax.random.normal(ks[4], (H, H), dtype=jnp.float32) * 0.05
    b2 = jnp.zeros((H,), dtype=jnp.float32)
    W2r = jax.random.normal(ks[5], (H, H), dtype=jnp.float32) * 0.05
    # Final linear classifier
    Wlin = jax.random.normal(ks[6], (H, C), dtype=jnp.float32) * 0.05
    blin = jnp.zeros((C,), dtype=jnp.float32)
    return {"x": x, "edge_index": edge_index, "batch": batch,
            "W1l": W1l, "b1": b1, "W1r": W1r,
            "W2l": W2l, "b2": b2, "W2r": W2r,
            "Wlin": Wlin, "blin": blin}


def _sage_conv(x, edge_index, Wl, bl, Wr):
    src = edge_index[0]
    dst = edge_index[1]
    msgs = x[src]  # gather: [E, d]
    agg = jax.ops.segment_sum(msgs, dst, num_segments=N)  # scatter-add
    deg = jax.ops.segment_sum(jnp.ones((edge_index.shape[1],), dtype=jnp.float32), dst, num_segments=N)
    mean = agg / jnp.maximum(deg, 1.0)[:, None]
    return mean @ Wl + bl + x @ Wr


def reference(x, edge_index, batch, W1l, b1, W1r, W2l, b2, W2r, Wlin, blin):
    # sampler is identity pass-through: edge_index used unchanged (RL sampler is an
    # external injected callable; faithful graph propagation path is SAGEConv stack)
    h = jax.nn.relu(_sage_conv(x, edge_index, W1l, b1, W1r))
    h = jax.nn.relu(_sage_conv(h, edge_index, W2l, b2, W2r))
    out = h @ Wlin + blin
    return out

if __name__ == "__main__":
    import jax
    _d = setup_inputs()
    print(jax.jit(kernel)(*tuple(_d.values())))

</pallas_src>

<mosaic_0001>
#map = affine_map<(d0, d1) -> (0, 0)>
#map1 = affine_map<(d0, d1) -> (0, 0, 0, 0)>
#map2 = affine_map<(d0, d1) -> (0, 0, 0)>
module attributes {stable_mosaic.version = 14 : i64} {
  func.func @_agg_deg_body(%arg0: i32, %arg1: i32, %arg2: memref<10000x64xf32, #tpu.memory_space<hbm>>, %arg3: memref<2x32x80x125xi32, #tpu.memory_space<hbm>>, %arg4: memref<640x64xf32, #tpu.memory_space<hbm>>, %arg5: memref<640x16xf32, #tpu.memory_space<hbm>>, %arg6: memref<2x10240x64xf32, #tpu.memory_space<hbm>>, %arg7: memref<2x10240x16xf32, #tpu.memory_space<hbm>>, %arg8: memref<80x125xi32, #tpu.memory_space<vmem>>, %arg9: memref<80x125xi32, #tpu.memory_space<vmem>>, %arg10: memref<2x125x64xf32, #tpu.memory_space<vmem>>, %arg11: memref<125x16xf32, #tpu.memory_space<vmem>>, %arg12: memref<10000x64xf32, #tpu.memory_space<vmem_shared>>, %arg13: memref<10240x64xf32, #tpu.memory_space<vmem_shared>>, %arg14: memref<10240x16xf32, #tpu.memory_space<vmem_shared>>, %arg15: memref<2x!tpu.dma_semaphore, #tpu.memory_space<semaphore_mem>>, %arg16: memref<2x!tpu.dma_semaphore, #tpu.memory_space<semaphore_mem>>, %arg17: memref<!tpu.dma_semaphore, #tpu.memory_space<semaphore_mem>>) attributes {dimension_semantics = [#tpu.dimension_semantics<core_parallel>, #tpu.dimension_semantics<subcore_parallel>], iteration_bounds = array<i64: 2, 16>, scalar_prefetch = 0 : i64, scratch_operands = 10 : i64, tpu.core_type = #tpu.core_type<sc_vector_subcore>, window_params = [{transform_indices = #map}, {transform_indices = #map1}, {transform_indices = #map}, {transform_indices = #map}, {transform_indices = #map2}, {transform_indices = #map2}]} {
    %mul3A = arith.constant 2 : i32
    %mul3A_0 = arith.muli %arg1, %mul3A : i32
    %add3A = arith.addi %mul3A_0, %arg0 : i32
    %run_scoped3A = arith.constant 0 : i32
    "tpu.region"() ({
      %run_scoped3A_1056 = tpu.sem_alloc : memref<!tpu.dma_semaphore, #tpu.memory_space<semaphore_mem>>
      %dma_start3A_1057 = arith.constant 0 : i32
      %dma_start3A_1058 = arith.constant 0 : i32
      %dma_start3A_1059 = tpu.memref_slice %arg3[%run_scoped3A, %add3A, %dma_start3A_1057, %dma_start3A_1058] : memref<2x32x80x125xi32, #tpu.memory_space<hbm>> -> memref<1x1x80x125xi32, #tpu.memory_space<hbm>>
      %dma_start3A_1060 = tpu.memref_squeeze %dma_start3A_1059 : memref<1x1x80x125xi32, #tpu.memory_space<hbm>> -> memref<80x125xi32, #tpu.memory_space<hbm>>
      %dma_start3A_1061 = arith.constant 0 : i32
      %dma_start3A_1062 = arith.constant 0 : i32
      %dma_start3A_1063 = tpu.memref_slice %arg3[%run_scoped3A, %add3A, %dma_start3A_1061, %dma_start3A_1062] : memref<2x32x80x125xi32, #tpu.memory_space<hbm>> -> memref<1x1x80x125xi32, #tpu.memory_space<hbm>>
      %dma_start3A_1064 = tpu.memref_squeeze %dma_start3A_1063 : memref<1x1x80x125xi32, #tpu.memory_space<hbm>> -> memref<80x125xi32, #tpu.memory_space<hbm>>
      tpu.enqueue_dma source(%dma_start3A_1064 : memref<80x125xi32, #tpu.memory_space<hbm>>) target(%arg8 : memref<80x125xi32, #tpu.memory_space<vmem>>) target_semaphore(%run_scoped3A_1056 : memref<!tpu.dma_semaphore, #tpu.memory_space<semaphore_mem>>)
      %dma_wait3A_1065 = arith.constant 0 : i32
      %dma_wait3A_1066 = arith.constant 0 : i32
      %dma_wait3A_1067 = tpu.memref_slice %arg3[%run_scoped3A, %add3A, %dma_wait3A_1065, %dma_wait3A_1066] : memref<2x32x80x125xi32, #tpu.memory_space<hbm>> -> memref<1x1x80x125xi32, #tpu.memory_space<hbm>>
      %dma_wait3A_1068 = tpu.memref_squeeze %dma_wait3A_1067 : memref<1x1x80x125xi32, #tpu.memory_space<hbm>> -> memref<80x125xi32, #tpu.memory_space<hbm>>
      %dma_wait3A_1069 = arith.constant 0 : i32
      %dma_wait3A_1070 = arith.constant 0 : i32
      %dma_wait3A_1071 = tpu.memref_slice %arg3[%run_scoped3A, %add3A, %dma_wait3A_1069, %dma_wait3A_1070] : memref<2x32x80x125xi32, #tpu.memory_space<hbm>> -> memref<1x1x80x125xi32, #tpu.memory_space<hbm>>
      %dma_wait3A_1072 = tpu.memref_squeeze %dma_wait3A_1071 : memref<1x1x80x125xi32, #tpu.memory_space<hbm>> -> memref<80x125xi32, #tpu.memory_space<hbm>>
      tpu.wait_dma2 semaphore(%run_scoped3A_1056 : memref<!tpu.dma_semaphore, #tpu.memory_space<semaphore_mem>>) src(%dma_wait3A_1072 : memref<80x125xi32, #tpu.memory_space<hbm>>) dst(%arg8 : memref<80x125xi32, #tpu.memory_space<vmem>>)
      tpu.yield
    }) : () -> ()
    %run_scoped3A_1 = arith.constant 1 : i32
    "tpu.region"() ({
      %run_scoped3A_1056 = tpu.sem_alloc : memref<!tpu.dma_semaphore, #tpu.memory_space<semaphore_mem>>
      %dma_start3A_1057 = arith.constant 0 : i32
      %dma_start3A_1058 = arith.constant 0 : i32
      %dma_start3A_1059 = tpu.memref_slice %arg3[%run_scoped3A_1, %add3A, %dma_start3A_1057, %dma_start3A_1058] : memref<2x32x80x125xi32, #tpu.memory_space<hbm>> -> memref<1x1x80x125xi32, #tpu.memory_space<hbm>>
      %dma_start3A_1060 = tpu.memref_squeeze %dma_start3A_1059 : memref<1x1x80x125xi32, #tpu.memory_space<hbm>> -> memref<80x125xi32, #tpu.memory_space<hbm>>
      %dma_start3A_1061 = arith.constant 0 : i32
      %dma_start3A_1062 = arith.constant 0 : i32
      %dma_start3A_1063 = tpu.memref_slice %arg3[%run_scoped3A_1, %add3A, %dma_start3A_1061, %dma_start3A_1062] : memref<2x32x80x125xi32, #tpu.memory_space<hbm>> -> memref<1x1x80x125xi32, #tpu.memory_space<hbm>>
      %dma_start3A_1064 = tpu.memref_squeeze %dma_start3A_1063 : memref<1x1x80x125xi32, #tpu.memory_space<hbm>> -> memref<80x125xi32, #tpu.memory_space<hbm>>
      tpu.enqueue_dma source(%dma_start3A_1064 : memref<80x125xi32, #tpu.memory_space<hbm>>) target(%arg9 : memref<80x125xi32, #tpu.memory_space<vmem>>) target_semaphore(%run_scoped3A_1056 : memref<!tpu.dma_semaphore, #tpu.memory_space<semaphore_mem>>)
      %dma_wait3A_1065 = arith.constant 0 : i32
      %dma_wait3A_1066 = arith.constant 0 : i32
      %dma_wait3A_1067 = tpu.memref_slice %arg3[%run_scoped3A_1, %add3A, %dma_wait3A_1065, %dma_wait3A_1066] : memref<2x32x80x125xi32, #tpu.memory_space<hbm>> -> memref<1x1x80x125xi32, #tpu.memory_space<hbm>>
      %dma_wait3A_1068 = tpu.memref_squeeze %dma_wait3A_1067 : memref<1x1x80x125xi32, #tpu.memory_space<hbm>> -> memref<80x125xi32, #tpu.memory_space<hbm>>
      %dma_wait3A_1069 = arith.constant 0 : i32
      %dma_wait3A_1070 = arith.constant 0 : i32
      %dma_wait3A_1071 = tpu.memref_slice %arg3[%run_scoped3A_1, %add3A, %dma_wait3A_1069, %dma_wait3A_1070] : memref<2x32x80x125xi32, #tpu.memory_space<hbm>> -> memref<1x1x80x125xi32, #tpu.memory_space<hbm>>
      %dma_wait3A_1072 = tpu.memref_squeeze %dma_wait3A_1071 : memref<1x1x80x125xi32, #tpu.memory_space<hbm>> -> memref<80x125xi32, #tpu.memory_space<hbm>>
      tpu.wait_dma2 semaphore(%run_scoped3A_1056 : memref<!tpu.dma_semaphore, #tpu.memory_space<semaphore_mem>>) src(%dma_wait3A_1072 : memref<80x125xi32, #tpu.memory_space<hbm>>) dst(%arg9 : memref<80x125xi32, #tpu.memory_space<vmem>>)
      tpu.yield
    }) : () -> ()
    %mul3A_2 = arith.constant 625 : i32
    %mul3A_3 = arith.muli %arg1, %mul3A_2 : i32
    "tpu.region"() ({
      %run_scoped3A_1056 = tpu.sem_alloc : memref<!tpu.dma_semaphore, #tpu.memory_space<semaphore_mem>>
      %dma_start3A_1057 = arith.constant 0 : i32
      %dma_start3A_1058 = tpu.memref_slice %arg12[%mul3A_3, %dma_start3A_1057] : memref<10000x64xf32, #tpu.memory_space<vmem_shared>> -> memref<625x64xf32, #tpu.memory_space<vmem_shared>>
      %dma_start3A_1059 = arith.constant 0 : i32
      %dma_start3A_1060 = tpu.memref_slice %arg2[%mul3A_3, %dma_start3A_1059] : memref<10000x64xf32, #tpu.memory_space<hbm>> -> memref<625x64xf32, #tpu.memory_space<hbm>>
      tpu.enqueue_dma source(%dma_start3A_1060 : memref<625x64xf32, #tpu.memory_space<hbm>>) target(%dma_start3A_1058 : memref<625x64xf32, #tpu.memory_space<vmem_shared>>) target_semaphore(%run_scoped3A_1056 : memref<!tpu.dma_semaphore, #tpu.memory_space<semaphore_mem>>)
      %dma_wait3A_1061 = arith.constant 0 : i32
      %dma_wait3A_1062 = tpu.memref_slice %arg12[%mul3A_3, %dma_wait3A_1061] : memref<10000x64xf32, #tpu.memory_space<vmem_shared>> -> memref<625x64xf32, #tpu.memory_space<vmem_shared>>
      %dma_wait3A_1063 = arith.constant 0 : i32
      %dma_wait3A_1064 = tpu.memref_slice %arg2[%mul3A_3, %dma_wait3A_1063] : memref<10000x64xf32, #tpu.memory_space<hbm>> -> memref<625x64xf32, #tpu.memory_space<hbm>>
      tpu.wait_dma2 semaphore(%run_scoped3A_1056 : memref<!tpu.dma_semaphore, #tpu.memory_space<semaphore_mem>>) src(%dma_wait3A_1064 : memref<625x64xf32, #tpu.memory_space<hbm>>) dst(%dma_wait3A_1062 : memref<625x64xf32, #tpu.memory_space<vmem_shared>>)
      tpu.yield
    }) : () -> ()
    %mul3A_4 = arith.constant 640 : i32
    %mul3A_5 = arith.muli %arg1, %mul3A_4 : i32
    "tpu.region"() ({
      %run_scoped3A_1056 = tpu.sem_alloc : memref<!tpu.dma_semaphore, #tpu.memory_space<semaphore_mem>>
      %dma_start3A_1057 = arith.constant 0 : i32
      %dma_start3A_1058 = tpu.memref_slice %arg13[%mul3A_5, %dma_start3A_1057] : memref<10240x64xf32, #tpu.memory_space<vmem_shared>> -> memref<640x64xf32, #tpu.memory_space<vmem_shared>>
      tpu.enqueue_dma source(%arg4 : memref<640x64xf32, #tpu.memory_space<hbm>>) target(%dma_start3A_1058 : memref<640x64xf32, #tpu.memory_space<vmem_shared>>) target_semaphore(%run_scoped3A_1056 : memref<!tpu.dma_semaphore, #tpu.memory_space<semaphore_mem>>)
      %dma_wait3A_1059 = arith.constant 0 : i32
      %dma_wait3A_1060 = tpu.memref_slice %arg13[%mul3A_5, %dma_wait3A_1059] : memref<10240x64xf32, #tpu.memory_space<vmem_shared>> -> memref<640x64xf32, #tpu.memory_space<vmem_shared>>
      tpu.wait_dma2 semaphore(%run_scoped3A_1056 : memref<!tpu.dma_semaphore, #tpu.memory_space<semaphore_mem>>) src(%arg4 : memref<640x64xf32, #tpu.memory_space<hbm>>) dst(%dma_wait3A_1060 : memref<640x64xf32, #tpu.memory_space<vmem_shared>>)
      tpu.yield
    }) : () -> ()
    "tpu.region"() ({
      %run_scoped3A_1056 = tpu.sem_alloc : memref<!tpu.dma_semaphore, #tpu.memory_space<semaphore_mem>>
      %dma_start3A_1057 = arith.constant 0 : i32
      %dma_start3A_1058 = tpu.memref_slice %arg14[%mul3A_5, %dma_start3A_1057] : memref<10240x16xf32, #tpu.memory_space<vmem_shared>> -> memref<640x16xf32, #tpu.memory_space<vmem_shared>>
      tpu.enqueue_dma source(%arg5 : memref<640x16xf32, #tpu.memory_space<hbm>>) target(%dma_start3A_1058 : memref<640x16xf32, #tpu.memory_space<vmem_shared>>) target_semaphore(%run_scoped3A_1056 : memref<!tpu.dma_semaphore, #tpu.memory_space<semaphore_mem>>)
      %dma_wait3A_1059 = arith.constant 0 : i32
      %dma_wait3A_1060 = tpu.memref_slice %arg14[%mul3A_5, %dma_wait3A_1059] : memref<10240x16xf32, #tpu.memory_space<vmem_shared>> -> memref<640x16xf32, #tpu.memory_space<vmem_shared>>
      tpu.wait_dma2 semaphore(%run_scoped3A_1056 : memref<!tpu.dma_semaphore, #tpu.memory_space<semaphore_mem>>) src(%arg5 : memref<640x16xf32, #tpu.memory_space<hbm>>) dst(%dma_wait3A_1060 : memref<640x16xf32, #tpu.memory_space<vmem_shared>>)
      tpu.yield
    }) : () -> ()
    %broadcast_in_dim3A = arith.constant 1.000000e+00 : f32
    %broadcast_in_dim3A_6 = vector.broadcast %broadcast_in_dim3A : f32 to vector<16xf32>
    %swap3A = arith.constant 0 : i32
    %swap3A_7 = arith.index_cast %swap3A : i32 to index
    %swap3A_8 = arith.constant 0 : index
    %swap3A_9 = tpu.vector_load %arg11[%swap3A_7, %swap3A_8] {strides = array<i32>} : memref<125x16xf32, #tpu.memory_space<vmem>>, vector<1x16xf32>,
    %swap3A_10 = vector.shape_cast %swap3A_9 : vector<1x16xf32> to vector<16xf32>
    %swap3A_11 = vector.shape_cast %broadcast_in_dim3A_6 : vector<16xf32> to vector<1x16xf32>
    tpu.vector_store %arg11[%swap3A_7, %swap3A_8], %swap3A_11 {strides = array<i32>} : memref<125x16xf32, #tpu.memory_space<vmem>>, vector<1x16xf32>,
    %swap3A_12 = arith.constant 1 : i32
    %swap3A_13 = arith.index_cast %swap3A_12 : i32 to index
    %swap3A_14 = arith.constant 0 : index
    %swap3A_15 = tpu.vector_load %arg11[%swap3A_13, %swap3A_14] {strides = array<i32>} : memref<125x16xf32, #tpu.memory_space<vmem>>, vector<1x16xf32>,
    %swap3A_16 = vector.shape_cast %swap3A_15 : vector<1x16xf32> to vector<16xf32>
    %swap3A_17 = vector.shape_cast %broadcast_in_dim3A_6 : vector<16xf32> to vector<1x16xf32>
    tpu.vector_store %arg11[%swap3A_13, %swap3A_14], %swap3A_17 {strides = array<i32>} : memref<125x16xf32, #tpu.memory_space<vmem>>, vector<1x16xf32>,
    %swap3A_18 = arith.constant 2 : i32
    %swap3A_19 = arith.index_cast %swap3A_18 : i32 to index
    %swap3A_20 = arith.constant 0 : index
    %swap3A_21 = tpu.vector_load %arg11[%swap3A_19, %swap3A_20] {strides = array<i32>} : memref<125x16xf32, #tpu.memory_space<vmem>>, vector<1x16xf32>,
    %swap3A_22 = vector.shape_cast %swap3A_21 : vector<1x16xf32> to vector<16xf32>
    %swap3A_23 = vector.shape_cast %broadcast_in_dim3A_6 : vector<16xf32> to vector<1x16xf32>
    tpu.vector_store %arg11[%swap3A_19, %swap3A_20], %swap3A_23 {strides = array<i32>} : memref<125x16xf32, #tpu.memory_space<vmem>>, vector<1x16xf32>,
    %swap3A_24 = arith.constant 3 : i32
    %swap3A_25 = arith.index_cast %swap3A_24 : i32 to index
    %swap3A_26 = arith.constant 0 : index
    %swap3A_27 = tpu.vector_load %arg11[%swap3A_25, %swap3A_26] {strides = array<i32>} : memref<125x16xf32, #tpu.memory_space<vmem>>, vector<1x16xf32>,
    %swap3A_28 = vector.shape_cast %swap3A_27 : vector<1x16xf32> to vector<16xf32>
    %swap3A_29 = vector.shape_cast %broadcast_in_dim3A_6 : vector<16xf32> to vector<1x16xf32>
    tpu.vector_store %arg11[%swap3A_25, %swap3A_26], %swap3A_29 {strides = array<i32>} : memref<125x16xf32, #tpu.memory_space<vmem>>, vector<1x16xf32>,
    %swap3A_30 = arith.constant 4 : i32
    %swap3A_31 = arith.index_cast %swap3A_30 : i32 to index
    %swap3A_32 = arith.constant 0 : index
    %swap3A_33 = tpu.vector_load %arg11[%swap3A_31, %swap3A_32] {strides = array<i32>} : memref<125x16xf32, #tpu.memory_space<vmem>>, vector<1x16xf32>,
    %swap3A_34 = vector.shape_cast %swap3A_33 : vector<1x16xf32> to vector<16xf32>
    %swap3A_35 = vector.shape_cast %broadcast_in_dim3A_6 : vector<16xf32> to vector<1x16xf32>
    tpu.vector_store %arg11[%swap3A_31, %swap3A_32], %swap3A_35 {strides = array<i32>} : memref<125x16xf32, #tpu.memory_space<vmem>>, vector<1x16xf32>,
    %swap3A_36 = arith.constant 5 : i32
    %swap3A_37 = arith.index_cast %swap3A_36 : i32 to index
    %swap3A_38 = arith.constant 0 : index
    %swap3A_39 = tpu.vector_load %arg11[%swap3A_37, %swap3A_38] {strides = array<i32>} : memref<125x16xf32, #tpu.memory_space<vmem>>, vector<1x16xf32>,
    %swap3A_40 = vector.shape_cast %swap3A_39 : vector<1x16xf32> to vector<16xf32>
    %swap3A_41 = vector.shape_cast %broadcast_in_dim3A_6 : vector<16xf32> to vector<1x16xf32>
    tpu.vector_store %arg11[%swap3A_37, %swap3A_38], %swap3A_41 {strides = array<i32>} : memref<125x16xf32, #tpu.memory_space<vmem>>, vector<1x16xf32>,
    %swap3A_42 = arith.constant 6 : i32
    %swap3A_43 = arith.index_cast %swap3A_42 : i32 to index
    %swap3A_44 = arith.constant 0 : index
    %swap3A_45 = tpu.vector_load %arg11[%swap3A_43, %swap3A_44] {strides = array<i32>} : memref<125x16xf32, #tpu.memory_space<vmem>>, vector<1x16xf32>,
    %swap3A_46 = vector.shape_cast %swap3A_45 : vector<1x16xf32> to vector<16xf32>
    %swap3A_47 = vector.shape_cast %broadcast_in_dim3A_6 : vector<16xf32> to vector<1x16xf32>
    tpu.vector_store %arg11[%swap3A_43, %swap3A_44], %swap3A_47 {strides = array<i32>} : memref<125x16xf32, #tpu.memory_space<vmem>>, vector<1x16xf32>,
    %swap3A_48 = arith.constant 7 : i32
    %swap3A_49 = arith.index_cast %swap3A_48 : i32 to index
    %swap3A_50 = arith.constant 0 : index
    %swap3A_51 = tpu.vector_load %arg11[%swap3A_49, %swap3A_50] {strides = array<i32>} : memref<125x16xf32, #tpu.memory_space<vmem>>, vector<1x16xf32>,
    %swap3A_52 = vector.shape_cast %swap3A_51 : vector<1x16xf32> to vector<16xf32>
    %swap3A_53 = vector.shape_cast %broadcast_in_dim3A_6 : vector<16xf32> to vector<1x16xf32>
    tpu.vector_store %arg11[%swap3A_49, %swap3A_50], %swap3A_53 {strides = array<i32>} : memref<125x16xf32, #tpu.memory_space<vmem>>, vector<1x16xf32>,
    %swap3A_54 = arith.constant 8 : i32
    %swap3A_55 = arith.index_cast %swap3A_54 : i32 to index
    %swap3A_56 = arith.constant 0 : index
    %swap3A_57 = tpu.vector_load %arg11[%swap3A_55, %swap3A_56] {strides = array<i32>} : memref<125x16xf32, #tpu.memory_space<vmem>>, vector<1x16xf32>,
    %swap3A_58 = vector.shape_cast %swap3A_57 : vector<1x16xf32> to vector<16xf32>
    %swap3A_59 = vector.shape_cast %broadcast_in_dim3A_6 : vector<16xf32> to vector<1x16xf32>
    tpu.vector_store %arg11[%swap3A_55, %swap3A_56], %swap3A_59 {strides = array<i32>} : memref<125x16xf32, #tpu.memory_space<vmem>>, vector<1x16xf32>,
    %swap3A_60 = arith.constant 9 : i32
    %swap3A_61 = arith.index_cast %swap3A_60 : i32 to index
    %swap3A_62 = arith.constant 0 : index
    %swap3A_63 = tpu.vector_load %arg11[%swap3A_61, %swap3A_62] {strides = array<i32>} : memref<125x16xf32, #tpu.memory_space<vmem>>, vector<1x16xf32>,
    %swap3A_64 = vector.shape_cast %swap3A_63 : vector<1x16xf32> to vector<16xf32>
    %swap3A_65 = vector.shape_cast %broadcast_in_dim3A_6 : vector<16xf32> to vector<1x16xf32>
    tpu.vector_store %arg11[%swap3A_61, %swap3A_62], %swap3A_65 {strides = array<i32>} : memref<125x16xf32, #tpu.memory_space<vmem>>, vector<1x16xf32>,
    %swap3A_66 = arith.constant 10 : i32
    %swap3A_67 = arith.index_cast %swap3A_66 : i32 to index
    %swap3A_68 = arith.constant 0 : index
    %swap3A_69 = tpu.vector_load %arg11[%swap3A_67, %swap3A_68] {strides = array<i32>} : memref<125x16xf32, #tpu.memory_space<vmem>>, vector<1x16xf32>,
    %swap3A_70 = vector.shape_cast %swap3A_69 : vector<1x16xf32> to vector<16xf32>
    %swap3A_71 = vector.shape_cast %broadcast_in_dim3A_6 : vector<16xf32> to vector<1x16xf32>
    tpu.vector_store %arg11[%swap3A_67, %swap3A_68], %swap3A_71 {strides = array<i32>} : memref<125x16xf32, #tpu.memory_space<vmem>>, vector<1x16xf32>,
    %swap3A_72 = arith.constant 11 : i32
    %swap3A_73 = arith.index_cast %swap3A_72 : i32 to index
    %swap3A_74 = arith.constant 0 : index
    %swap3A_75 = tpu.vector_load %arg11[%swap3A_73, %swap3A_74] {strides = array<i32>} : memref<125x16xf32, #tpu.memory_space<vmem>>, vector<1x16xf32>,
    %swap3A_76 = vector.shape_cast %swap3A_75 : vector<1x16xf32> to vector<16xf32>
    %swap3A_77 = vector.shape_cast %broadcast_in_dim3A_6 : vector<16xf32> to vector<1x16xf32>
    tpu.vector_store %arg11[%swap3A_73, %swap3A_74], %swap3A_77 {strides = array<i32>} : memref<125x16xf32, #tpu.memory_space<vmem>>, vector<1x16xf32>,
    %swap3A_78 = arith.constant 12 : i32
    %swap3A_79 = arith.index_cast %swap3A_78 : i32 to index
    %swap3A_80 = arith.constant 0 : index
    %swap3A_81 = tpu.vector_load %arg11[%swap3A_79, %swap3A_80] {strides = array<i32>} : memref<125x16xf32, #tpu.memory_space<vmem>>, vector<1x16xf32>,
    %swap3A_82 = vector.shape_cast %swap3A_81 : vector<1x16xf32> to vector<16xf32>
    %swap3A_83 = vector.shape_cast %broadcast_in_dim3A_6 : vector<16xf32> to vector<1x16xf32>
    tpu.vector_store %arg11[%swap3A_79, %swap3A_80], %swap3A_83 {strides = array<i32>} : memref<125x16xf32, #tpu.memory_space<vmem>>, vector<1x16xf32>,
    %swap3A_84 = arith.constant 13 : i32
    %swap3A_85 = arith.index_cast %swap3A_84 : i32 to index
    %swap3A_86 = arith.constant 0 : index
    %swap3A_87 = tpu.vector_load %arg11[%swap3A_85, %swap3A_86] {strides = array<i32>} : memref<125x16xf32, #tpu.memory_space<vmem>>, vector<1x16xf32>,
    %swap3A_88 = vector.shape_cast %swap3A_87 : vector<1x16xf32> to vector<16xf32>
    %swap3A_89 = vector.shape_cast %broadcast_in_dim3A_6 : vector<16xf32> to vector<1x16xf32>
    tpu.vector_store %arg11[%swap3A_85, %swap3A_86], %swap3A_89 {strides = array<i32>} : memref<125x16xf32, #tpu.memory_space<vmem>>, vector<1x16xf32>,
    %swap3A_90 = arith.constant 14 : i32
    %swap3A_91 = arith.index_cast %swap3A_90 : i32 to index
    %swap3A_92 = arith.constant 0 : index
    %swap3A_93 = tpu.vector_load %arg11[%swap3A_91, %swap3A_92] {strides = array<i32>} : memref<125x16xf32, #tpu.memory_space<vmem>>, vector<1x16xf32>,
    %swap3A_94 = vector.shape_cast %swap3A_93 : vector<1x16xf32> to vector<16xf32>
    %swap3A_95 = vector.shape_cast %broadcast_in_dim3A_6 : vector<16xf32> to vector<1x16xf32>
    tpu.vector_store %arg11[%swap3A_91, %swap3A_92], %swap3A_95 {strides = array<i32>} : memref<125x16xf32, #tpu.memory_space<vmem>>, vector<1x16xf32>,
    %swap3A_96 = arith.constant 15 : i32
    %swap3A_97 = arith.index_cast %swap3A_96 : i32 to index
    %swap3A_98 = arith.constant 0 : index
    %swap3A_99 = tpu.vector_load %arg11[%swap3A_97, %swap3A_98] {strides = array<i32>} : memref<125x16xf32, #tpu.memory_space<vmem>>, vector<1x16xf32>,
    %swap3A_100 = vector.shape_cast %swap3A_99 : vector<1x16xf32> to vector<16xf32>
    %swap3A_101 = vector.shape_cast %broadcast_in_dim3A_6 : vector<16xf32> to vector<1x16xf32>
    tpu.vector_store %arg11[%swap3A_97, %swap3A_98], %swap3A_101 {strides = array<i32>} : memref<125x16xf32, #tpu.memory_space<vmem>>, vector<1x16xf32>,
    %swap3A_102 = arith.constant 16 : i32
    %swap3A_103 = arith.index_cast %swap3A_102 : i32 to index
    %swap3A_104 = arith.constant 0 : index
    %swap3A_105 = tpu.vector_load %arg11[%swap3A_103, %swap3A_104] {strides = array<i32>} : memref<125x16xf32, #tpu.memory_space<vmem>>, vector<1x16xf32>,
    %swap3A_106 = vector.shape_cast %swap3A_105 : vector<1x16xf32> to vector<16xf32>
    %swap3A_107 = vector.shape_cast %broadcast_in_dim3A_6 : vector<16xf32> to vector<1x16xf32>
    tpu.vector_store %arg11[%swap3A_103, %swap3A_104], %swap3A_107 {strides = array<i32>} : memref<125x16xf32, #tpu.memory_space<vmem>>, vector<1x16xf32>,
    %swap3A_108 = arith.constant 17 : i32
    %swap3A_109 = arith.index_cast %swap3A_108 : i32 to index
    %swap3A_110 = arith.constant 0 : index
    %swap3A_111 = tpu.vector_load %arg11[%swap3A_109, %swap3A_110] {strides = array<i32>} : memref<125x16xf32, #tpu.memory_space<vmem>>, vector<1x16xf32>,
    %swap3A_112 = vector.shape_cast %swap3A_111 : vector<1x16xf32> to vector<16xf32>
    %swap3A_113 = vector.shape_cast %broadcast_in_dim3A_6 : vector<16xf32> to vector<1x16xf32>
    tpu.vector_store %arg11[%swap3A_109, %swap3A_110], %swap3A_113 {strides = array<i32>} : memref<125x16xf32, #tpu.memory_space<vmem>>, vector<1x16xf32>,
    %swap3A_114 = arith.constant 18 : i32
    %swap3A_115 = arith.index_cast %swap3A_114 : i32 to index
    %swap3A_116 = arith.constant 0 : index
    %swap3A_117 = tpu.vector_load %arg11[%swap3A_115, %swap3A_116] {strides = array<i32>} : memref<125x16xf32, #tpu.memory_space<vmem>>, vector<1x16xf32>,
    %swap3A_118 = vector.shape_cast %swap3A_117 : vector<1x16xf32> to vector<16xf32>
    %swap3A_119 = vector.shape_cast %broadcast_in_dim3A_6 : vector<16xf32> to vector<1x16xf32>
    tpu.vector_store %arg11[%swap3A_115, %swap3A_116], %swap3A_119 {strides = array<i32>} : memref<125x16xf32, #tpu.memory_space<vmem>>, vector<1x16xf32>,
    %swap3A_120 = arith.constant 19 : i32
    %swap3A_121 = arith.index_cast %swap3A_120 : i32 to index
    %swap3A_122 = arith.constant 0 : index
    %swap3A_123 = tpu.vector_load %arg11[%swap3A_121, %swap3A_122] {strides = array<i32>} : memref<125x16xf32, #tpu.memory_space<vmem>>, vector<1x16xf32>,
    %swap3A_124 = vector.shape_cast %swap3A_123 : vector<1x16xf32> to vector<16xf32>
    %swap3A_125 = vector.shape_cast %broadcast_in_dim3A_6 : vector<16xf32> to vector<1x16xf32>
    tpu.vector_store %arg11[%swap3A_121, %swap3A_122], %swap3A_125 {strides = array<i32>} : memref<125x16xf32, #tpu.memory_space<vmem>>, vector<1x16xf32>,
    %swap3A_126 = arith.constant 20 : i32
    %swap3A_127 = arith.index_cast %swap3A_126 : i32 to index
    %swap3A_128 = arith.constant 0 : index
    %swap3A_129 = tpu.vector_load %arg11[%swap3A_127, %swap3A_128] {strides = array<i32>} : memref<125x16xf32, #tpu.memory_space<vmem>>, vector<1x16xf32>,
    %swap3A_130 = vector.shape_cast %swap3A_129 : vector<1x16xf32> to vector<16xf32>
    %swap3A_131 = vector.shape_cast %broadcast_in_dim3A_6 : vector<16xf32> to vector<1x16xf32>
    tpu.vector_store %arg11[%swap3A_127, %swap3A_128], %swap3A_131 {strides = array<i32>} : memref<125x16xf32, #tpu.memory_space<vmem>>, vector<1x16xf32>,
    %swap3A_132 = arith.constant 21 : i32
    %swap3A_133 = arith.index_cast %swap3A_132 : i32 to index
    %swap3A_134 = arith.constant 0 : index
    %swap3A_135 = tpu.vector_load %arg11[%swap3A_133, %swap3A_134] {strides = array<i32>} : memref<125x16xf32, #tpu.memory_space<vmem>>, vector<1x16xf32>,
    %swap3A_136 = vector.shape_cast %swap3A_135 : vector<1x16xf32> to vector<16xf32>
    %swap3A_137 = vector.shape_cast %broadcast_in_dim3A_6 : vector<16xf32> to vector<1x16xf32>
    tpu.vector_store %arg11[%swap3A_133, %swap3A_134], %swap3A_137 {strides = array<i32>} : memref<125x16xf32, #tpu.memory_space<vmem>>, vector<1x16xf32>,
    %swap3A_138 = arith.constant 22 : i32
    %swap3A_139 = arith.index_cast %swap3A_138 : i32 to index
    %swap3A_140 = arith.constant 0 : index
    %swap3A_141 = tpu.vector_load %arg11[%swap3A_139, %swap3A_140] {strides = array<i32>} : memref<125x16xf32, #tpu.memory_space<vmem>>, vector<1x16xf32>,
    %swap3A_142 = vector.shape_cast %swap3A_141 : vector<1x16xf32> to vector<16xf32>
    %swap3A_143 = vector.shape_cast %broadcast_in_dim3A_6 : vector<16xf32> to vector<1x16xf32>
    tpu.vector_store %arg11[%swap3A_139, %swap3A_140], %swap3A_143 {strides = array<i32>} : memref<125x16xf32, #tpu.memory_space<vmem>>, vector<1x16xf32>,
    %swap3A_144 = arith.constant 23 : i32
    %swap3A_145 = arith.index_cast %swap3A_144 : i32 to index
    %swap3A_146 = arith.constant 0 : index
    %swap3A_147 = tpu.vector_load %arg11[%swap3A_145, %swap3A_146] {strides = array<i32>} : memref<125x16xf32, #tpu.memory_space<vmem>>, vector<1x16xf32>,
    %swap3A_148 = vector.shape_cast %swap3A_147 : vector<1x16xf32> to vector<16xf32>
    %swap3A_149 = vector.shape_cast %broadcast_in_dim3A_6 : vector<16xf32> to vector<1x16xf32>
    tpu.vector_store %arg11[%swap3A_145, %swap3A_146], %swap3A_149 {strides = array<i32>} : memref<125x16xf32, #tpu.memory_space<vmem>>, vector<1x16xf32>,
    %swap3A_150 = arith.constant 24 : i32
    %swap3A_151 = arith.index_cast %swap3A_150 : i32 to index
    %swap3A_152 = arith.constant 0 : index
    %swap3A_153 = tpu.vector_load %arg11[%swap3A_151, %swap3A_152] {strides = array<i32>} : memref<125x16xf32, #tpu.memory_space<vmem>>, vector<1x16xf32>,
    %swap3A_154 = vector.shape_cast %swap3A_153 : vector<1x16xf32> to vector<16xf32>
    %swap3A_155 = vector.shape_cast %broadcast_in_dim3A_6 : vector<16xf32> to vector<1x16xf32>
    tpu.vector_store %arg11[%swap3A_151, %swap3A_152], %swap3A_155 {strides = array<i32>} : memref<125x16xf32, #tpu.memory_space<vmem>>, vector<1x16xf32>,
    %swap3A_156 = arith.constant 25 : i32
    %swap3A_157 = arith.index_cast %swap3A_156 : i32 to index
    %swap3A_158 = arith.constant 0 : index
    %swap3A_159 = tpu.vector_load %arg11[%swap3A_157, %swap3A_158] {strides = array<i32>} : memref<125x16xf32, #tpu.memory_space<vmem>>, vector<1x16xf32>,
    %swap3A_160 = vector.shape_cast %swap3A_159 : vector<1x16xf32> to vector<16xf32>
    %swap3A_161 = vector.shape_cast %broadcast_in_dim3A_6 : vector<16xf32> to vector<1x16xf32>
    tpu.vector_store %arg11[%swap3A_157, %swap3A_158], %swap3A_161 {strides = array<i32>} : memref<125x16xf32, #tpu.memory_space<vmem>>, vector<1x16xf32>,
    %swap3A_162 = arith.constant 26 : i32
    %swap3A_163 = arith.index_cast %swap3A_162 : i32 to index
    %swap3A_164 = arith.constant 0 : index
    %swap3A_165 = tpu.vector_load %arg11[%swap3A_163, %swap3A_164] {strides = array<i32>} : memref<125x16xf32, #tpu.memory_space<vmem>>, vector<1x16xf32>,
    %swap3A_166 = vector.shape_cast %swap3A_165 : vector<1x16xf32> to vector<16xf32>
    %swap3A_167 = vector.shape_cast %broadcast_in_dim3A_6 : vector<16xf32> to vector<1x16xf32>
    tpu.vector_store %arg11[%swap3A_163, %swap3A_164], %swap3A_167 {strides = array<i32>} : memref<125x16xf32, #tpu.memory_space<vmem>>, vector<1x16xf32>,
    %swap3A_168 = arith.constant 27 : i32
    %swap3A_169 = arith.index_cast %swap3A_168 : i32 to index
    %swap3A_170 = arith.constant 0 : index
    %swap3A_171 = tpu.vector_load %arg11[%swap3A_169, %swap3A_170] {strides = array<i32>} : memref<125x16xf32, #tpu.memory_space<vmem>>, vector<1x16xf32>,
    %swap3A_172 = vector.shape_cast %swap3A_171 : vector<1x16xf32> to vector<16xf32>
    %swap3A_173 = vector.shape_cast %broadcast_in_dim3A_6 : vector<16xf32> to vector<1x16xf32>
    tpu.vector_store %arg11[%swap3A_169, %swap3A_170], %swap3A_173 {strides = array<i32>} : memref<125x16xf32, #tpu.memory_space<vmem>>, vector<1x16xf32>,
    %swap3A_174 = arith.constant 28 : i32
    %swap3A_175 = arith.index_cast %swap3A_174 : i32 to index
    %swap3A_176 = arith.constant 0 : index
    %swap3A_177 = tpu.vector_load %arg11[%swap3A_175, %swap3A_176] {strides = array<i32>} : memref<125x16xf32, #tpu.memory_space<vmem>>, vector<1x16xf32>,
    %swap3A_178 = vector.shape_cast %swap3A_177 : vector<1x16xf32> to vector<16xf32>
    %swap3A_179 = vector.shape_cast %broadcast_in_dim3A_6 : vector<16xf32> to vector<1x16xf32>
    tpu.vector_store %arg11[%swap3A_175, %swap3A_176], %swap3A_179 {strides = array<i32>} : memref<125x16xf32, #tpu.memory_space<vmem>>, vector<1x16xf32>,
    %swap3A_180 = arith.constant 29 : i32
    %swap3A_181 = arith.index_cast %swap3A_180 : i32 to index
    %swap3A_182 = arith.constant 0 : index
    %swap3A_183 = tpu.vector_load %arg11[%swap3A_181, %swap3A_182] {strides = array<i32>} : memref<125x16xf32, #tpu.memory_space<vmem>>, vector<1x16xf32>,
    %swap3A_184 = vector.shape_cast %swap3A_183 : vector<1x16xf32> to vector<16xf32>
    %swap3A_185 = vector.shape_cast %broadcast_in_dim3A_6 : vector<16xf32> to vector<1x16xf32>
    tpu.vector_store %arg11[%swap3A_181, %swap3A_182], %swap3A_185 {strides = array<i32>} : memref<125x16xf32, #tpu.memory_space<vmem>>, vector<1x16xf32>,
    %swap3A_186 = arith.constant 30 : i32
    %swap3A_187 = arith.index_cast %swap3A_186 : i32 to index
    %swap3A_188 = arith.constant 0 : index
    %swap3A_189 = tpu.vector_load %arg11[%swap3A_187, %swap3A_188] {strides = array<i32>} : memref<125x16xf32, #tpu.memory_space<vmem>>, vector<1x16xf32>,
    %swap3A_190 = vector.shape_cast %swap3A_189 : vector<1x16xf32> to vector<16xf32>
    %swap3A_191 = vector.shape_cast %broadcast_in_dim3A_6 : vector<16xf32> to vector<1x16xf32>
    tpu.vector_store %arg11[%swap3A_187, %swap3A_188], %swap3A_191 {strides = array<i32>} : memref<125x16xf32, #tpu.memory_space<vmem>>, vector<1x16xf32>,
    %swap3A_192 = arith.constant 31 : i32
    %swap3A_193 = arith.index_cast %swap3A_192 : i32 to index
    %swap3A_194 = arith.constant 0 : index
    %swap3A_195 = tpu.vector_load %arg11[%swap3A_193, %swap3A_194] {strides = array<i32>} : memref<125x16xf32, #tpu.memory_space<vmem>>, vector<1x16xf32>,
    %swap3A_196 = vector.shape_cast %swap3A_195 : vector<1x16xf32> to vector<16xf32>
    %swap3A_197 = vector.shape_cast %broadcast_in_dim3A_6 : vector<16xf32> to vector<1x16xf32>
    tpu.vector_store %arg11[%swap3A_193, %swap3A_194], %swap3A_197 {strides = array<i32>} : memref<125x16xf32, #tpu.memory_space<vmem>>, vector<1x16xf32>,
    %swap3A_198 = arith.constant 32 : i32
    %swap3A_199 = arith.index_cast %swap3A_198 : i32 to index
    %swap3A_200 = arith.constant 0 : index
    %swap3A_201 = tpu.vector_load %arg11[%swap3A_199, %swap3A_200] {strides = array<i32>} : memref<125x16xf32, #tpu.memory_space<vmem>>, vector<1x16xf32>,
    %swap3A_202 = vector.shape_cast %swap3A_201 : vector<1x16xf32> to vector<16xf32>
    %swap3A_203 = vector.shape_cast %broadcast_in_dim3A_6 : vector<16xf32> to vector<1x16xf32>
    tpu.vector_store %arg11[%swap3A_199, %swap3A_200], %swap3A_203 {strides = array<i32>} : memref<125x16xf32, #tpu.memory_space<vmem>>, vector<1x16xf32>,
    %swap3A_204 = arith.constant 33 : i32
    %swap3A_205 = arith.index_cast %swap3A_204 : i32 to index
    %swap3A_206 = arith.constant 0 : index
    %swap3A_207 = tpu.vector_load %arg11[%swap3A_205, %swap3A_206] {strides = array<i32>} : memref<125x16xf32, #tpu.memory_space<vmem>>, vector<1x16xf32>,
    %swap3A_208 = vector.shape_cast %swap3A_207 : vector<1x16xf32> to vector<16xf32>
    %swap3A_209 = vector.shape_cast %broadcast_in_dim3A_6 : vector<16xf32> to vector<1x16xf32>
    tpu.vector_store %arg11[%swap3A_205, %swap3A_206], %swap3A_209 {strides = array<i32>} : memref<125x16xf32, #tpu.memory_space<vmem>>, vector<1x16xf32>,
    %swap3A_210 = arith.constant 34 : i32
    %swap3A_211 = arith.index_cast %swap3A_210 : i32 to index
    %swap3A_212 = arith.constant 0 : index
    %swap3A_213 = tpu.vector_load %arg11[%swap3A_211, %swap3A_212] {strides = array<i32>} : memref<125x16xf32, #tpu.memory_space<vmem>>, vector<1x16xf32>,
    %swap3A_214 = vector.shape_cast %swap3A_213 : vector<1x16xf32> to vector<16xf32>
    %swap3A_215 = vector.shape_cast %broadcast_in_dim3A_6 : vector<16xf32> to vector<1x16xf32>
    tpu.vector_store %arg11[%swap3A_211, %swap3A_212], %swap3A_215 {strides = array<i32>} : memref<125x16xf32, #tpu.memory_space<vmem>>, vector<1x16xf32>,
    %swap3A_216 = arith.constant 35 : i32
    %swap3A_217 = arith.index_cast %swap3A_216 : i32 to index
    %swap3A_218 = arith.constant 0 : index
    %swap3A_219 = tpu.vector_load %arg11[%swap3A_217, %swap3A_218] {strides = array<i32>} : memref<125x16xf32, #tpu.memory_space<vmem>>, vector<1x16xf32>,
    %swap3A_220 = vector.shape_cast %swap3A_219 : vector<1x16xf32> to vector<16xf32>
    %swap3A_221 = vector.shape_cast %broadcast_in_dim3A_6 : vector<16xf32> to vector<1x16xf32>
    tpu.vector_store %arg11[%swap3A_217, %swap3A_218], %swap3A_221 {strides = array<i32>} : memref<125x16xf32, #tpu.memory_space<vmem>>, vector<1x16xf32>,
    %swap3A_222 = arith.constant 36 : i32
    %swap3A_223 = arith.index_cast %swap3A_222 : i32 to index
    %swap3A_224 = arith.constant 0 : index
    %swap3A_225 = tpu.vector_load %arg11[%swap3A_223, %swap3A_224] {strides = array<i32>} : memref<125x16xf32, #tpu.memory_space<vmem>>, vector<1x16xf32>,
    %swap3A_226 = vector.shape_cast %swap3A_225 : vector<1x16xf32> to vector<16xf32>
    %swap3A_227 = vector.shape_cast %broadcast_in_dim3A_6 : vector<16xf32> to vector<1x16xf32>
    tpu.vector_store %arg11[%swap3A_223, %swap3A_224], %swap3A_227 {strides = array<i32>} : memref<125x16xf32, #tpu.memory_space<vmem>>, vector<1x16xf32>,
    %swap3A_228 = arith.constant 37 : i32
    %swap3A_229 = arith.index_cast %swap3A_228 : i32 to index
    %swap3A_230 = arith.constant 0 : index
    %swap3A_231 = tpu.vector_load %arg11[%swap3A_229, %swap3A_230] {strides = array<i32>} : memref<125x16xf32, #tpu.memory_space<vmem>>, vector<1x16xf32>,
    %swap3A_232 = vector.shape_cast %swap3A_231 : vector<1x16xf32> to vector<16xf32>
    %swap3A_233 = vector.shape_cast %broadcast_in_dim3A_6 : vector<16xf32> to vector<1x16xf32>
    tpu.vector_store %arg11[%swap3A_229, %swap3A_230], %swap3A_233 {strides = array<i32>} : memref<125x16xf32, #tpu.memory_space<vmem>>, vector<1x16xf32>,
    %swap3A_234 = arith.constant 38 : i32
    %swap3A_235 = arith.index_cast %swap3A_234 : i32 to index
    %swap3A_236 = arith.constant 0 : index
    %swap3A_237 = tpu.vector_load %arg11[%swap3A_235, %swap3A_236] {strides = array<i32>} : memref<125x16xf32, #tpu.memory_space<vmem>>, vector<1x16xf32>,
    %swap3A_238 = vector.shape_cast %swap3A_237 : vector<1x16xf32> to vector<16xf32>
    %swap3A_239 = vector.shape_cast %broadcast_in_dim3A_6 : vector<16xf32> to vector<1x16xf32>
    tpu.vector_store %arg11[%swap3A_235, %swap3A_236], %swap3A_239 {strides = array<i32>} : memref<125x16xf32, #tpu.memory_space<vmem>>, vector<1x16xf32>,
    %swap3A_240 = arith.constant 39 : i32
    %swap3A_241 = arith.index_cast %swap3A_240 : i32 to index
    %swap3A_242 = arith.constant 0 : index
    %swap3A_243 = tpu.vector_load %arg11[%swap3A_241, %swap3A_242] {strides = array<i32>} : memref<125x16xf32, #tpu.memory_space<vmem>>, vector<1x16xf32>,
    %swap3A_244 = vector.shape_cast %swap3A_243 : vector<1x16xf32> to vector<16xf32>
    %swap3A_245 = vector.shape_cast %broadcast_in_dim3A_6 : vector<16xf32> to vector<1x16xf32>
    tpu.vector_store %arg11[%swap3A_241, %swap3A_242], %swap3A_245 {strides = array<i32>} : memref<125x16xf32, #tpu.memory_space<vmem>>, vector<1x16xf32>,
    %swap3A_246 = arith.constant 40 : i32
    %swap3A_247 = arith.index_cast %swap3A_246 : i32 to index
    %swap3A_248 = arith.constant 0 : index
    %swap3A_249 = tpu.vector_load %arg11[%swap3A_247, %swap3A_248] {strides = array<i32>} : memref<125x16xf32, #tpu.memory_space<vmem>>, vector<1x16xf32>,
    %swap3A_250 = vector.shape_cast %swap3A_249 : vector<1x16xf32> to vector<16xf32>
    %swap3A_251 = vector.shape_cast %broadcast_in_dim3A_6 : vector<16xf32> to vector<1x16xf32>
    tpu.vector_store %arg11[%swap3A_247, %swap3A_248], %swap3A_251 {strides = array<i32>} : memref<125x16xf32, #tpu.memory_space<vmem>>, vector<1x16xf32>,
    %swap3A_252 = arith.constant 41 : i32
    %swap3A_253 = arith.index_cast %swap3A_252 : i32 to index
    %swap3A_254 = arith.constant 0 : index
    %swap3A_255 = tpu.vector_load %arg11[%swap3A_253, %swap3A_254] {strides = array<i32>} : memref<125x16xf32, #tpu.memory_space<vmem>>, vector<1x16xf32>,
    %swap3A_256 = vector.shape_cast %swap3A_255 : vector<1x16xf32> to vector<16xf32>
    %swap3A_257 = vector.shape_cast %broadcast_in_dim3A_6 : vector<16xf32> to vector<1x16xf32>
    tpu.vector_store %arg11[%swap3A_253, %swap3A_254], %swap3A_257 {strides = array<i32>} : memref<125x16xf32, #tpu.memory_space<vmem>>, vector<1x16xf32>,
    %swap3A_258 = arith.constant 42 : i32
    %swap3A_259 = arith.index_cast %swap3A_258 : i32 to index
    %swap3A_260 = arith.constant 0 : index
    %swap3A_261 = tpu.vector_load %arg11[%swap3A_259, %swap3A_260] {strides = array<i32>} : memref<125x16xf32, #tpu.memory_space<vmem>>, vector<1x16xf32>,
    %swap3A_262 = vector.shape_cast %swap3A_261 : vector<1x16xf32> to vector<16xf32>
    %swap3A_263 = vector.shape_cast %broadcast_in_dim3A_6 : vector<16xf32> to vector<1x16xf32>
    tpu.vector_store %arg11[%swap3A_259, %swap3A_260], %swap3A_263 {strides = array<i32>} : memref<125x16xf32, #tpu.memory_space<vmem>>, vector<1x16xf32>,
    %swap3A_264 = arith.constant 43 : i32
    %swap3A_265 = arith.index_cast %swap3A_264 : i32 to index
    %swap3A_266 = arith.constant 0 : index
    %swap3A_267 = tpu.vector_load %arg11[%swap3A_265, %swap3A_266] {strides = array<i32>} : memref<125x16xf32, #tpu.memory_space<vmem>>, vector<1x16xf32>,
    %swap3A_268 = vector.shape_cast %swap3A_267 : vector<1x16xf32> to vector<16xf32>
    %swap3A_269 = vector.shape_cast %broadcast_in_dim3A_6 : vector<16xf32> to vector<1x16xf32>
    tpu.vector_store %arg11[%swap3A_265, %swap3A_266], %swap3A_269 {strides = array<i32>} : memref<125x16xf32, #tpu.memory_space<vmem>>, vector<1x16xf32>,
    %swap3A_270 = arith.constant 44 : i32
    %swap3A_271 = arith.index_cast %swap3A_270 : i32 to index
    %swap3A_272 = arith.constant 0 : index
    %swap3A_273 = tpu.vector_load %arg11[%swap3A_271, %swap3A_272] {strides = array<i32>} : memref<125x16xf32, #tpu.memory_space<vmem>>, vector<1x16xf32>,
    %swap3A_274 = vector.shape_cast %swap3A_273 : vector<1x16xf32> to vector<16xf32>
    %swap3A_275 = vector.shape_cast %broadcast_in_dim3A_6 : vector<16xf32> to vector<1x16xf32>
    tpu.vector_store %arg11[%swap3A_271, %swap3A_272], %swap3A_275 {strides = array<i32>} : memref<125x16xf32, #tpu.memory_space<vmem>>, vector<1x16xf32>,
    %swap3A_276 = arith.constant 45 : i32
    %swap3A_277 = arith.index_cast %swap3A_276 : i32 to index
    %swap3A_278 = arith.constant 0 : index
    %swap3A_279 = tpu.vector_load %arg11[%swap3A_277, %swap3A_278] {strides = array<i32>} : memref<125x16xf32, #tpu.memory_space<vmem>>, vector<1x16xf32>,
    %swap3A_280 = vector.shape_cast %swap3A_279 : vector<1x16xf32> to vector<16xf32>
    %swap3A_281 = vector.shape_cast %broadcast_in_dim3A_6 : vector<16xf32> to vector<1x16xf32>
    tpu.vector_store %arg11[%swap3A_277, %swap3A_278], %swap3A_281 {strides = array<i32>} : memref<125x16xf32, #tpu.memory_space<vmem>>, vector<1x16xf32>,
    %swap3A_282 = arith.constant 46 : i32
    %swap3A_283 = arith.index_cast %swap3A_282 : i32 to index
    %swap3A_284 = arith.constant 0 : index
    %swap3A_285 = tpu.vector_load %arg11[%swap3A_283, %swap3A_284] {strides = array<i32>} : memref<125x16xf32, #tpu.memory_space<vmem>>, vector<1x16xf32>,
    %swap3A_286 = vector.shape_cast %swap3A_285 : vector<1x16xf32> to vector<16xf32>
    %swap3A_287 = vector.shape_cast %broadcast_in_dim3A_6 : vector<16xf32> to vector<1x16xf32>
    tpu.vector_store %arg11[%swap3A_283, %swap3A_284], %swap3A_287 {strides = array<i32>} : memref<125x16xf32, #tpu.memory_space<vmem>>, vector<1x16xf32>,
    %swap3A_288 = arith.constant 47 : i32
    %swap3A_289 = arith.index_cast %swap3A_288 : i32 to index
    %swap3A_290 = arith.constant 0 : index
    %swap3A_291 = tpu.vector_load %arg11[%swap3A_289, %swap3A_290] {strides = array<i32>} : memref<125x16xf32, #tpu.memory_space<vmem>>, vector<1x16xf32>,
    %swap3A_292 = vector.shape_cast %swap3A_291 : vector<1x16xf32> to vector<16xf32>
    %swap3A_293 = vector.shape_cast %broadcast_in_dim3A_6 : vector<16xf32> to vector<1x16xf32>
    tpu.vector_store %arg11[%swap3A_289, %swap3A_290], %swap3A_293 {strides = array<i32>} : memref<125x16xf32, #tpu.memory_space<vmem>>, vector<1x16xf32>,
    %swap3A_294 = arith.constant 48 : i32
    %swap3A_295 = arith.index_cast %swap3A_294 : i32 to index
    %swap3A_296 = arith.constant 0 : index
    %swap3A_297 = tpu.vector_load %arg11[%swap3A_295, %swap3A_296] {strides = array<i32>} : memref<125x16xf32, #tpu.memory_space<vmem>>, vector<1x16xf32>,
    %swap3A_298 = vector.shape_cast %swap3A_297 : vector<1x16xf32> to vector<16xf32>
    %swap3A_299 = vector.shape_cast %broadcast_in_dim3A_6 : vector<16xf32> to vector<1x16xf32>
    tpu.vector_store %arg11[%swap3A_295, %swap3A_296], %swap3A_299 {strides = array<i32>} : memref<125x16xf32, #tpu.memory_space<vmem>>, vector<1x16xf32>,
    %swap3A_300 = arith.constant 49 : i32
    %swap3A_301 = arith.index_cast %swap3A_300 : i32 to index
    %swap3A_302 = arith.constant 0 : index
    %swap3A_303 = tpu.vector_load %arg11[%swap3A_301, %swap3A_302] {strides = array<i32>} : memref<125x16xf32, #tpu.memory_space<vmem>>, vector<1x16xf32>,
    %swap3A_304 = vector.shape_cast %swap3A_303 : vector<1x16xf32> to vector<16xf32>
    %swap3A_305 = vector.shape_cast %broadcast_in_dim3A_6 : vector<16xf32> to vector<1x16xf32>
    tpu.vector_store %arg11[%swap3A_301, %swap3A_302], %swap3A_305 {strides = array<i32>} : memref<125x16xf32, #tpu.memory_space<vmem>>, vector<1x16xf32>,
    %swap3A_306 = arith.constant 50 : i32
    %swap3A_307 = arith.index_cast %swap3A_306 : i32 to index
    %swap3A_308 = arith.constant 0 : index
    %swap3A_309 = tpu.vector_load %arg11[%swap3A_307, %swap3A_308] {strides = array<i32>} : memref<125x16xf32, #tpu.memory_space<vmem>>, vector<1x16xf32>,
    %swap3A_310 = vector.shape_cast %swap3A_309 : vector<1x16xf32> to vector<16xf32>
    %swap3A_311 = vector.shape_cast %broadcast_in_dim3A_6 : vector<16xf32> to vector<1x16xf32>
    tpu.vector_store %arg11[%swap3A_307, %swap3A_308], %swap3A_311 {strides = array<i32>} : memref<125x16xf32, #tpu.memory_space<vmem>>, vector<1x16xf32>,
    %swap3A_312 = arith.constant 51 : i32
    %swap3A_313 = arith.index_cast %swap3A_312 : i32 to index
    %swap3A_314 = arith.constant 0 : index
    %swap3A_315 = tpu.vector_load %arg11[%swap3A_313, %swap3A_314] {strides = array<i32>} : memref<125x16xf32, #tpu.memory_space<vmem>>, vector<1x16xf32>,
    %swap3A_316 = vector.shape_cast %swap3A_315 : vector<1x16xf32> to vector<16xf32>
    %swap3A_317 = vector.shape_cast %broadcast_in_dim3A_6 : vector<16xf32> to vector<1x16xf32>
    tpu.vector_store %arg11[%swap3A_313, %swap3A_314], %swap3A_317 {strides = array<i32>} : memref<125x16xf32, #tpu.memory_space<vmem>>, vector<1x16xf32>,
    %swap3A_318 = arith.constant 52 : i32
    %swap3A_319 = arith.index_cast %swap3A_318 : i32 to index
    %swap3A_320 = arith.constant 0 : index
    %swap3A_321 = tpu.vector_load %arg11[%swap3A_319, %swap3A_320] {strides = array<i32>} : memref<125x16xf32, #tpu.memory_space<vmem>>, vector<1x16xf32>,
    %swap3A_322 = vector.shape_cast %swap3A_321 : vector<1x16xf32> to vector<16xf32>
    %swap3A_323 = vector.shape_cast %broadcast_in_dim3A_6 : vector<16xf32> to vector<1x16xf32>
    tpu.vector_store %arg11[%swap3A_319, %swap3A_320], %swap3A_323 {strides = array<i32>} : memref<125x16xf32, #tpu.memory_space<vmem>>, vector<1x16xf32>,
    %swap3A_324 = arith.constant 53 : i32
    %swap3A_325 = arith.index_cast %swap3A_324 : i32 to index
    %swap3A_326 = arith.constant 0 : index
    %swap3A_327 = tpu.vector_load %arg11[%swap3A_325, %swap3A_326] {strides = array<i32>} : memref<125x16xf32, #tpu.memory_space<vmem>>, vector<1x16xf32>,
    %swap3A_328 = vector.shape_cast %swap3A_327 : vector<1x16xf32> to vector<16xf32>
    %swap3A_329 = vector.shape_cast %broadcast_in_dim3A_6 : vector<16xf32> to vector<1x16xf32>
    tpu.vector_store %arg11[%swap3A_325, %swap3A_326], %swap3A_329 {strides = array<i32>} : memref<125x16xf32, #tpu.memory_space<vmem>>, vector<1x16xf32>,
    %swap3A_330 = arith.constant 54 : i32
    %swap3A_331 = arith.index_cast %swap3A_330 : i32 to index
    %swap3A_332 = arith.constant 0 : index
    %swap3A_333 = tpu.vector_load %arg11[%swap3A_331, %swap3A_332] {strides = array<i32>} : memref<125x16xf32, #tpu.memory_space<vmem>>, vector<1x16xf32>,
    %swap3A_334 = vector.shape_cast %swap3A_333 : vector<1x16xf32> to vector<16xf32>
    %swap3A_335 = vector.shape_cast %broadcast_in_dim3A_6 : vector<16xf32> to vector<1x16xf32>
    tpu.vector_store %arg11[%swap3A_331, %swap3A_332], %swap3A_335 {strides = array<i32>} : memref<125x16xf32, #tpu.memory_space<vmem>>, vector<1x16xf32>,
    %swap3A_336 = arith.constant 55 : i32
    %swap3A_337 = arith.index_cast %swap3A_336 : i32 to index
    %swap3A_338 = arith.constant 0 : index
    %swap3A_339 = tpu.vector_load %arg11[%swap3A_337, %swap3A_338] {strides = array<i32>} : memref<125x16xf32, #tpu.memory_space<vmem>>, vector<1x16xf32>,
    %swap3A_340 = vector.shape_cast %swap3A_339 : vector<1x16xf32> to vector<16xf32>
    %swap3A_341 = vector.shape_cast %broadcast_in_dim3A_6 : vector<16xf32> to vector<1x16xf32>
    tpu.vector_store %arg11[%swap3A_337, %swap3A_338], %swap3A_341 {strides = array<i32>} : memref<125x16xf32, #tpu.memory_space<vmem>>, vector<1x16xf32>,
    %swap3A_342 = arith.constant 56 : i32
    %swap3A_343 = arith.index_cast %swap3A_342 : i32 to index
    %swap3A_344 = arith.constant 0 : index
    %swap3A_345 = tpu.vector_load %arg11[%swap3A_343, %swap3A_344] {strides = array<i32>} : memref<125x16xf32, #tpu.memory_space<vmem>>, vector<1x16xf32>,
    %swap3A_346 = vector.shape_cast %swap3A_345 : vector<1x16xf32> to vector<16xf32>
    %swap3A_347 = vector.shape_cast %broadcast_in_dim3A_6 : vector<16xf32> to vector<1x16xf32>
    tpu.vector_store %arg11[%swap3A_343, %swap3A_344], %swap3A_347 {strides = array<i32>} : memref<125x16xf32, #tpu.memory_space<vmem>>, vector<1x16xf32>,
    %swap3A_348 = arith.constant 57 : i32
    %swap3A_349 = arith.index_cast %swap3A_348 : i32 to index
    %swap3A_350 = arith.constant 0 : index
    %swap3A_351 = tpu.vector_load %arg11[%swap3A_349, %swap3A_350] {strides = array<i32>} : memref<125x16xf32, #tpu.memory_space<vmem>>, vector<1x16xf32>,
    %swap3A_352 = vector.shape_cast %swap3A_351 : vector<1x16xf32> to vector<16xf32>
    %swap3A_353 = vector.shape_cast %broadcast_in_dim3A_6 : vector<16xf32> to vector<1x16xf32>
    tpu.vector_store %arg11[%swap3A_349, %swap3A_350], %swap3A_353 {strides = array<i32>} : memref<125x16xf32, #tpu.memory_space<vmem>>, vector<1x16xf32>,
    %swap3A_354 = arith.constant 58 : i32
    %swap3A_355 = arith.index_cast %swap3A_354 : i32 to index
    %swap3A_356 = arith.constant 0 : index
    %swap3A_357 = tpu.vector_load %arg11[%swap3A_355, %swap3A_356] {strides = array<i32>} : memref<125x16xf32, #tpu.memory_space<vmem>>, vector<1x16xf32>,
    %swap3A_358 = vector.shape_cast %swap3A_357 : vector<1x16xf32> to vector<16xf32>
    %swap3A_359 = vector.shape_cast %broadcast_in_dim3A_6 : vector<16xf32> to vector<1x16xf32>
    tpu.vector_store %arg11[%swap3A_355, %swap3A_356], %swap3A_359 {strides = array<i32>} : memref<125x16xf32, #tpu.memory_space<vmem>>, vector<1x16xf32>,
    %swap3A_360 = arith.constant 59 : i32
    %swap3A_361 = arith.index_cast %swap3A_360 : i32 to index
    %swap3A_362 = arith.constant 0 : index
    %swap3A_363 = tpu.vector_load %arg11[%swap3A_361, %swap3A_362] {strides = array<i32>} : memref<125x16xf32, #tpu.memory_space<vmem>>, vector<1x16xf32>,
    %swap3A_364 = vector.shape_cast %swap3A_363 : vector<1x16xf32> to vector<16xf32>
    %swap3A_365 = vector.shape_cast %broadcast_in_dim3A_6 : vector<16xf32> to vector<1x16xf32>
    tpu.vector_store %arg11[%swap3A_361, %swap3A_362], %swap3A_365 {strides = array<i32>} : memref<125x16xf32, #tpu.memory_space<vmem>>, vector<1x16xf32>,
    %swap3A_366 = arith.constant 60 : i32
    %swap3A_367 = arith.index_cast %swap3A_366 : i32 to index
    %swap3A_368 = arith.constant 0 : index
    %swap3A_369 = tpu.vector_load %arg11[%swap3A_367, %swap3A_368] {strides = array<i32>} : memref<125x16xf32, #tpu.memory_space<vmem>>, vector<1x16xf32>,
    %swap3A_370 = vector.shape_cast %swap3A_369 : vector<1x16xf32> to vector<16xf32>
    %swap3A_371 = vector.shape_cast %broadcast_in_dim3A_6 : vector<16xf32> to vector<1x16xf32>
    tpu.vector_store %arg11[%swap3A_367, %swap3A_368], %swap3A_371 {strides = array<i32>} : memref<125x16xf32, #tpu.memory_space<vmem>>, vector<1x16xf32>,
    %swap3A_372 = arith.constant 61 : i32
    %swap3A_373 = arith.index_cast %swap3A_372 : i32 to index
    %swap3A_374 = arith.constant 0 : index
    %swap3A_375 = tpu.vector_load %arg11[%swap3A_373, %swap3A_374] {strides = array<i32>} : memref<125x16xf32, #tpu.memory_space<vmem>>, vector<1x16xf32>,
    %swap3A_376 = vector.shape_cast %swap3A_375 : vector<1x16xf32> to vector<16xf32>
    %swap3A_377 = vector.shape_cast %broadcast_in_dim3A_6 : vector<16xf32> to vector<1x16xf32>
    tpu.vector_store %arg11[%swap3A_373, %swap3A_374], %swap3A_377 {strides = array<i32>} : memref<125x16xf32, #tpu.memory_space<vmem>>, vector<1x16xf32>,
    %swap3A_378 = arith.constant 62 : i32
    %swap3A_379 = arith.index_cast %swap3A_378 : i32 to index
    %swap3A_380 = arith.constant 0 : index
    %swap3A_381 = tpu.vector_load %arg11[%swap3A_379, %swap3A_380] {strides = array<i32>} : memref<125x16xf32, #tpu.memory_space<vmem>>, vector<1x16xf32>,
    %swap3A_382 = vector.shape_cast %swap3A_381 : vector<1x16xf32> to vector<16xf32>
    %swap3A_383 = vector.shape_cast %broadcast_in_dim3A_6 : vector<16xf32> to vector<1x16xf32>
    tpu.vector_store %arg11[%swap3A_379, %swap3A_380], %swap3A_383 {strides = array<i32>} : memref<125x16xf32, #tpu.memory_space<vmem>>, vector<1x16xf32>,
    %swap3A_384 = arith.constant 63 : i32
    %swap3A_385 = arith.index_cast %swap3A_384 : i32 to index
    %swap3A_386 = arith.constant 0 : index
    %swap3A_387 = tpu.vector_load %arg11[%swap3A_385, %swap3A_386] {strides = array<i32>} : memref<125x16xf32, #tpu.memory_space<vmem>>, vector<1x16xf32>,
    %swap3A_388 = vector.shape_cast %swap3A_387 : vector<1x16xf32> to vector<16xf32>
    %swap3A_389 = vector.shape_cast %broadcast_in_dim3A_6 : vector<16xf32> to vector<1x16xf32>
    tpu.vector_store %arg11[%swap3A_385, %swap3A_386], %swap3A_389 {strides = array<i32>} : memref<125x16xf32, #tpu.memory_space<vmem>>, vector<1x16xf32>,
    %swap3A_390 = arith.constant 64 : i32
    %swap3A_391 = arith.index_cast %swap3A_390 : i32 to index
    %swap3A_392 = arith.constant 0 : index
    %swap3A_393 = tpu.vector_load %arg11[%swap3A_391, %swap3A_392] {strides = array<i32>} : memref<125x16xf32, #tpu.memory_space<vmem>>, vector<1x16xf32>,
    %swap3A_394 = vector.shape_cast %swap3A_393 : vector<1x16xf32> to vector<16xf32>
    %swap3A_395 = vector.shape_cast %broadcast_in_dim3A_6 : vector<16xf32> to vector<1x16xf32>
    tpu.vector_store %arg11[%swap3A_391, %swap3A_392], %swap3A_395 {strides = array<i32>} : memref<125x16xf32, #tpu.memory_space<vmem>>, vector<1x16xf32>,
    %swap3A_396 = arith.constant 65 : i32
    %swap3A_397 = arith.index_cast %swap3A_396 : i32 to index
    %swap3A_398 = arith.constant 0 : index
    %swap3A_399 = tpu.vector_load %arg11[%swap3A_397, %swap3A_398] {strides = array<i32>} : memref<125x16xf32, #tpu.memory_space<vmem>>, vector<1x16xf32>,
    %swap3A_400 = vector.shape_cast %swap3A_399 : vector<1x16xf32> to vector<16xf32>
    %swap3A_401 = vector.shape_cast %broadcast_in_dim3A_6 : vector<16xf32> to vector<1x16xf32>
    tpu.vector_store %arg11[%swap3A_397, %swap3A_398], %swap3A_401 {strides = array<i32>} : memref<125x16xf32, #tpu.memory_space<vmem>>, vector<1x16xf32>,
    %swap3A_402 = arith.constant 66 : i32
    %swap3A_403 = arith.index_cast %swap3A_402 : i32 to index
    %swap3A_404 = arith.constant 0 : index
    %swap3A_405 = tpu.vector_load %arg11[%swap3A_403, %swap3A_404] {strides = array<i32>} : memref<125x16xf32, #tpu.memory_space<vmem>>, vector<1x16xf32>,
    %swap3A_406 = vector.shape_cast %swap3A_405 : vector<1x16xf32> to vector<16xf32>
    %swap3A_407 = vector.shape_cast %broadcast_in_dim3A_6 : vector<16xf32> to vector<1x16xf32>
    tpu.vector_store %arg11[%swap3A_403, %swap3A_404], %swap3A_407 {strides = array<i32>} : memref<125x16xf32, #tpu.memory_space<vmem>>, vector<1x16xf32>,
    %swap3A_408 = arith.constant 67 : i32
    %swap3A_409 = arith.index_cast %swap3A_408 : i32 to index
    %swap3A_410 = arith.constant 0 : index
    %swap3A_411 = tpu.vector_load %arg11[%swap3A_409, %swap3A_410] {strides = array<i32>} : memref<125x16xf32, #tpu.memory_space<vmem>>, vector<1x16xf32>,
    %swap3A_412 = vector.shape_cast %swap3A_411 : vector<1x16xf32> to vector<16xf32>
    %swap3A_413 = vector.shape_cast %broadcast_in_dim3A_6 : vector<16xf32> to vector<1x16xf32>
    tpu.vector_store %arg11[%swap3A_409, %swap3A_410], %swap3A_413 {strides = array<i32>} : memref<125x16xf32, #tpu.memory_space<vmem>>, vector<1x16xf32>,
    %swap3A_414 = arith.constant 68 : i32
    %swap3A_415 = arith.index_cast %swap3A_414 : i32 to index
    %swap3A_416 = arith.constant 0 : index
    %swap3A_417 = tpu.vector_load %arg11[%swap3A_415, %swap3A_416] {strides = array<i32>} : memref<125x16xf32, #tpu.memory_space<vmem>>, vector<1x16xf32>,
    %swap3A_418 = vector.shape_cast %swap3A_417 : vector<1x16xf32> to vector<16xf32>
    %swap3A_419 = vector.shape_cast %broadcast_in_dim3A_6 : vector<16xf32> to vector<1x16xf32>
    tpu.vector_store %arg11[%swap3A_415, %swap3A_416], %swap3A_419 {strides = array<i32>} : memref<125x16xf32, #tpu.memory_space<vmem>>, vector<1x16xf32>,
    %swap3A_420 = arith.constant 69 : i32
    %swap3A_421 = arith.index_cast %swap3A_420 : i32 to index
    %swap3A_422 = arith.constant 0 : index
    %swap3A_423 = tpu.vector_load %arg11[%swap3A_421, %swap3A_422] {strides = array<i32>} : memref<125x16xf32, #tpu.memory_space<vmem>>, vector<1x16xf32>,
    %swap3A_424 = vector.shape_cast %swap3A_423 : vector<1x16xf32> to vector<16xf32>
    %swap3A_425 = vector.shape_cast %broadcast_in_dim3A_6 : vector<16xf32> to vector<1x16xf32>
    tpu.vector_store %arg11[%swap3A_421, %swap3A_422], %swap3A_425 {strides = array<i32>} : memref<125x16xf32, #tpu.memory_space<vmem>>, vector<1x16xf32>,
    %swap3A_426 = arith.constant 70 : i32
    %swap3A_427 = arith.index_cast %swap3A_426 : i32 to index
    %swap3A_428 = arith.constant 0 : index
    %swap3A_429 = tpu.vector_load %arg11[%swap3A_427, %swap3A_428] {strides = array<i32>} : memref<125x16xf32, #tpu.memory_space<vmem>>, vector<1x16xf32>,
    %swap3A_430 = vector.shape_cast %swap3A_429 : vector<1x16xf32> to vector<16xf32>
    %swap3A_431 = vector.shape_cast %broadcast_in_dim3A_6 : vector<16xf32> to vector<1x16xf32>
    tpu.vector_store %arg11[%swap3A_427, %swap3A_428], %swap3A_431 {strides = array<i32>} : memref<125x16xf32, #tpu.memory_space<vmem>>, vector<1x16xf32>,
    %swap3A_432 = arith.constant 71 : i32
    %swap3A_433 = arith.index_cast %swap3A_432 : i32 to index
    %swap3A_434 = arith.constant 0 : index
    %swap3A_435 = tpu.vector_load %arg11[%swap3A_433, %swap3A_434] {strides = array<i32>} : memref<125x16xf32, #tpu.memory_space<vmem>>, vector<1x16xf32>,
    %swap3A_436 = vector.shape_cast %swap3A_435 : vector<1x16xf32> to vector<16xf32>
    %swap3A_437 = vector.shape_cast %broadcast_in_dim3A_6 : vector<16xf32> to vector<1x16xf32>
    tpu.vector_store %arg11[%swap3A_433, %swap3A_434], %swap3A_437 {strides = array<i32>} : memref<125x16xf32, #tpu.memory_space<vmem>>, vector<1x16xf32>,
    %swap3A_438 = arith.constant 72 : i32
    %swap3A_439 = arith.index_cast %swap3A_438 : i32 to index
    %swap3A_440 = arith.constant 0 : index
    %swap3A_441 = tpu.vector_load %arg11[%swap3A_439, %swap3A_440] {strides = array<i32>} : memref<125x16xf32, #tpu.memory_space<vmem>>, vector<1x16xf32>,
    %swap3A_442 = vector.shape_cast %swap3A_441 : vector<1x16xf32> to vector<16xf32>
    %swap3A_443 = vector.shape_cast %broadcast_in_dim3A_6 : vector<16xf32> to vector<1x16xf32>
    tpu.vector_store %arg11[%swap3A_439, %swap3A_440], %swap3A_443 {strides = array<i32>} : memref<125x16xf32, #tpu.memory_space<vmem>>, vector<1x16xf32>,
    %swap3A_444 = arith.constant 73 : i32
    %swap3A_445 = arith.index_cast %swap3A_444 : i32 to index
    %swap3A_446 = arith.constant 0 : index
    %swap3A_447 = tpu.vector_load %arg11[%swap3A_445, %swap3A_446] {strides = array<i32>} : memref<125x16xf32, #tpu.memory_space<vmem>>, vector<1x16xf32>,
    %swap3A_448 = vector.shape_cast %swap3A_447 : vector<1x16xf32> to vector<16xf32>
    %swap3A_449 = vector.shape_cast %broadcast_in_dim3A_6 : vector<16xf32> to vector<1x16xf32>
    tpu.vector_store %arg11[%swap3A_445, %swap3A_446], %swap3A_449 {strides = array<i32>} : memref<125x16xf32, #tpu.memory_space<vmem>>, vector<1x16xf32>,
    %swap3A_450 = arith.constant 74 : i32
    %swap3A_451 = arith.index_cast %swap3A_450 : i32 to index
    %swap3A_452 = arith.constant 0 : index
    %swap3A_453 = tpu.vector_load %arg11[%swap3A_451, %swap3A_452] {strides = array<i32>} : memref<125x16xf32, #tpu.memory_space<vmem>>, vector<1x16xf32>,
    %swap3A_454 = vector.shape_cast %swap3A_453 : vector<1x16xf32> to vector<16xf32>
    %swap3A_455 = vector.shape_cast %broadcast_in_dim3A_6 : vector<16xf32> to vector<1x16xf32>
    tpu.vector_store %arg11[%swap3A_451, %swap3A_452], %swap3A_455 {strides = array<i32>} : memref<125x16xf32, #tpu.memory_space<vmem>>, vector<1x16xf32>,
    %swap3A_456 = arith.constant 75 : i32
    %swap3A_457 = arith.index_cast %swap3A_456 : i32 to index
    %swap3A_458 = arith.constant 0 : index
    %swap3A_459 = tpu.vector_load %arg11[%swap3A_457, %swap3A_458] {strides = array<i32>} : memref<125x16xf32, #tpu.memory_space<vmem>>, vector<1x16xf32>,
    %swap3A_460 = vector.shape_cast %swap3A_459 : vector<1x16xf32> to vector<16xf32>
    %swap3A_461 = vector.shape_cast %broadcast_in_dim3A_6 : vector<16xf32> to vector<1x16xf32>
    tpu.vector_store %arg11[%swap3A_457, %swap3A_458], %swap3A_461 {strides = array<i32>} : memref<125x16xf32, #tpu.memory_space<vmem>>, vector<1x16xf32>,
    %swap3A_462 = arith.constant 76 : i32
    %swap3A_463 = arith.index_cast %swap3A_462 : i32 to index
    %swap3A_464 = arith.constant 0 : index
    %swap3A_465 = tpu.vector_load %arg11[%swap3A_463, %swap3A_464] {strides = array<i32>} : memref<125x16xf32, #tpu.memory_space<vmem>>, vector<1x16xf32>,
    %swap3A_466 = vector.shape_cast %swap3A_465 : vector<1x16xf32> to vector<16xf32>
    %swap3A_467 = vector.shape_cast %broadcast_in_dim3A_6 : vector<16xf32> to vector<1x16xf32>
    tpu.vector_store %arg11[%swap3A_463, %swap3A_464], %swap3A_467 {strides = array<i32>} : memref<125x16xf32, #tpu.memory_space<vmem>>, vector<1x16xf32>,
    %swap3A_468 = arith.constant 77 : i32
    %swap3A_469 = arith.index_cast %swap3A_468 : i32 to index
    %swap3A_470 = arith.constant 0 : index
    %swap3A_471 = tpu.vector_load %arg11[%swap3A_469, %swap3A_470] {strides = array<i32>} : memref<125x16xf32, #tpu.memory_space<vmem>>, vector<1x16xf32>,
    %swap3A_472 = vector.shape_cast %swap3A_471 : vector<1x16xf32> to vector<16xf32>
    %swap3A_473 = vector.shape_cast %broadcast_in_dim3A_6 : vector<16xf32> to vector<1x16xf32>
    tpu.vector_store %arg11[%swap3A_469, %swap3A_470], %swap3A_473 {strides = array<i32>} : memref<125x16xf32, #tpu.memory_space<vmem>>, vector<1x16xf32>,
    %swap3A_474 = arith.constant 78 : i32
    %swap3A_475 = arith.index_cast %swap3A_474 : i32 to index
    %swap3A_476 = arith.constant 0 : index
    %swap3A_477 = tpu.vector_load %arg11[%swap3A_475, %swap3A_476] {strides = array<i32>} : memref<125x16xf32, #tpu.memory_space<vmem>>, vector<1x16xf32>,
    %swap3A_478 = vector.shape_cast %swap3A_477 : vector<1x16xf32> to vector<16xf32>
    %swap3A_479 = vector.shape_cast %broadcast_in_dim3A_6 : vector<16xf32> to vector<1x16xf32>
    tpu.vector_store %arg11[%swap3A_475, %swap3A_476], %swap3A_479 {strides = array<i32>} : memref<125x16xf32, #tpu.memory_space<vmem>>, vector<1x16xf32>,
    %swap3A_480 = arith.constant 79 : i32
    %swap3A_481 = arith.index_cast %swap3A_480 : i32 to index
    %swap3A_482 = arith.constant 0 : index
    %swap3A_483 = tpu.vector_load %arg11[%swap3A_481, %swap3A_482] {strides = array<i32>} : memref<125x16xf32, #tpu.memory_space<vmem>>, vector<1x16xf32>,
    %swap3A_484 = vector.shape_cast %swap3A_483 : vector<1x16xf32> to vector<16xf32>
    %swap3A_485 = vector.shape_cast %broadcast_in_dim3A_6 : vector<16xf32> to vector<1x16xf32>
    tpu.vector_store %arg11[%swap3A_481, %swap3A_482], %swap3A_485 {strides = array<i32>} : memref<125x16xf32, #tpu.memory_space<vmem>>, vector<1x16xf32>,
    %swap3A_486 = arith.constant 80 : i32
    %swap3A_487 = arith.index_cast %swap3A_486 : i32 to index
    %swap3A_488 = arith.constant 0 : index
    %swap3A_489 = tpu.vector_load %arg11[%swap3A_487, %swap3A_488] {strides = array<i32>} : memref<125x16xf32, #tpu.memory_space<vmem>>, vector<1x16xf32>,
    %swap3A_490 = vector.shape_cast %swap3A_489 : vector<1x16xf32> to vector<16xf32>
    %swap3A_491 = vector.shape_cast %broadcast_in_dim3A_6 : vector<16xf32> to vector<1x16xf32>
    tpu.vector_store %arg11[%swap3A_487, %swap3A_488], %swap3A_491 {strides = array<i32>} : memref<125x16xf32, #tpu.memory_space<vmem>>, vector<1x16xf32>,
    %swap3A_492 = arith.constant 81 : i32
    %swap3A_493 = arith.index_cast %swap3A_492 : i32 to index
    %swap3A_494 = arith.constant 0 : index
    %swap3A_495 = tpu.vector_load %arg11[%swap3A_493, %swap3A_494] {strides = array<i32>} : memref<125x16xf32, #tpu.memory_space<vmem>>, vector<1x16xf32>,
    %swap3A_496 = vector.shape_cast %swap3A_495 : vector<1x16xf32> to vector<16xf32>
    %swap3A_497 = vector.shape_cast %broadcast_in_dim3A_6 : vector<16xf32> to vector<1x16xf32>
    tpu.vector_store %arg11[%swap3A_493, %swap3A_494], %swap3A_497 {strides = array<i32>} : memref<125x16xf32, #tpu.memory_space<vmem>>, vector<1x16xf32>,
    %swap3A_498 = arith.constant 82 : i32
    %swap3A_499 = arith.index_cast %swap3A_498 : i32 to index
    %swap3A_500 = arith.constant 0 : index
    %swap3A_501 = tpu.vector_load %arg11[%swap3A_499, %swap3A_500] {strides = array<i32>} : memref<125x16xf32, #tpu.memory_space<vmem>>, vector<1x16xf32>,
    %swap3A_502 = vector.shape_cast %swap3A_501 : vector<1x16xf32> to vector<16xf32>
    %swap3A_503 = vector.shape_cast %broadcast_in_dim3A_6 : vector<16xf32> to vector<1x16xf32>
    tpu.vector_store %arg11[%swap3A_499, %swap3A_500], %swap3A_503 {strides = array<i32>} : memref<125x16xf32, #tpu.memory_space<vmem>>, vector<1x16xf32>,
    %swap3A_504 = arith.constant 83 : i32
    %swap3A_505 = arith.index_cast %swap3A_504 : i32 to index
    %swap3A_506 = arith.constant 0 : index
    %swap3A_507 = tpu.vector_load %arg11[%swap3A_505, %swap3A_506] {strides = array<i32>} : memref<125x16xf32, #tpu.memory_space<vmem>>, vector<1x16xf32>,
    %swap3A_508 = vector.shape_cast %swap3A_507 : vector<1x16xf32> to vector<16xf32>
    %swap3A_509 = vector.shape_cast %broadcast_in_dim3A_6 : vector<16xf32> to vector<1x16xf32>
    tpu.vector_store %arg11[%swap3A_505, %swap3A_506], %swap3A_509 {strides = array<i32>} : memref<125x16xf32, #tpu.memory_space<vmem>>, vector<1x16xf32>,
    %swap3A_510 = arith.constant 84 : i32
    %swap3A_511 = arith.index_cast %swap3A_510 : i32 to index
    %swap3A_512 = arith.constant 0 : index
    %swap3A_513 = tpu.vector_load %arg11[%swap3A_511, %swap3A_512] {strides = array<i32>} : memref<125x16xf32, #tpu.memory_space<vmem>>, vector<1x16xf32>,
    %swap3A_514 = vector.shape_cast %swap3A_513 : vector<1x16xf32> to vector<16xf32>
    %swap3A_515 = vector.shape_cast %broadcast_in_dim3A_6 : vector<16xf32> to vector<1x16xf32>
    tpu.vector_store %arg11[%swap3A_511, %swap3A_512], %swap3A_515 {strides = array<i32>} : memref<125x16xf32, #tpu.memory_space<vmem>>, vector<1x16xf32>,
    %swap3A_516 = arith.constant 85 : i32
    %swap3A_517 = arith.index_cast %swap3A_516 : i32 to index
    %swap3A_518 = arith.constant 0 : index
    %swap3A_519 = tpu.vector_load %arg11[%swap3A_517, %swap3A_518] {strides = array<i32>} : memref<125x16xf32, #tpu.memory_space<vmem>>, vector<1x16xf32>,
    %swap3A_520 = vector.shape_cast %swap3A_519 : vector<1x16xf32> to vector<16xf32>
    %swap3A_521 = vector.shape_cast %broadcast_in_dim3A_6 : vector<16xf32> to vector<1x16xf32>
    tpu.vector_store %arg11[%swap3A_517, %swap3A_518], %swap3A_521 {strides = array<i32>} : memref<125x16xf32, #tpu.memory_space<vmem>>, vector<1x16xf32>,
    %swap3A_522 = arith.constant 86 : i32
    %swap3A_523 = arith.index_cast %swap3A_522 : i32 to index
    %swap3A_524 = arith.constant 0 : index
    %swap3A_525 = tpu.vector_load %arg11[%swap3A_523, %swap3A_524] {strides = array<i32>} : memref<125x16xf32, #tpu.memory_space<vmem>>, vector<1x16xf32>,
    %swap3A_526 = vector.shape_cast %swap3A_525 : vector<1x16xf32> to vector<16xf32>
    %swap3A_527 = vector.shape_cast %broadcast_in_dim3A_6 : vector<16xf32> to vector<1x16xf32>
    tpu.vector_store %arg11[%swap3A_523, %swap3A_524], %swap3A_527 {strides = array<i32>} : memref<125x16xf32, #tpu.memory_space<vmem>>, vector<1x16xf32>,
    %swap3A_528 = arith.constant 87 : i32
    %swap3A_529 = arith.index_cast %swap3A_528 : i32 to index
    %swap3A_530 = arith.constant 0 : index
    %swap3A_531 = tpu.vector_load %arg11[%swap3A_529, %swap3A_530] {strides = array<i32>} : memref<125x16xf32, #tpu.memory_space<vmem>>, vector<1x16xf32>,
    %swap3A_532 = vector.shape_cast %swap3A_531 : vector<1x16xf32> to vector<16xf32>
    %swap3A_533 = vector.shape_cast %broadcast_in_dim3A_6 : vector<16xf32> to vector<1x16xf32>
    tpu.vector_store %arg11[%swap3A_529, %swap3A_530], %swap3A_533 {strides = array<i32>} : memref<125x16xf32, #tpu.memory_space<vmem>>, vector<1x16xf32>,
    %swap3A_534 = arith.constant 88 : i32
    %swap3A_535 = arith.index_cast %swap3A_534 : i32 to index
    %swap3A_536 = arith.constant 0 : index
    %swap3A_537 = tpu.vector_load %arg11[%swap3A_535, %swap3A_536] {strides = array<i32>} : memref<125x16xf32, #tpu.memory_space<vmem>>, vector<1x16xf32>,
    %swap3A_538 = vector.shape_cast %swap3A_537 : vector<1x16xf32> to vector<16xf32>
    %swap3A_539 = vector.shape_cast %broadcast_in_dim3A_6 : vector<16xf32> to vector<1x16xf32>
    tpu.vector_store %arg11[%swap3A_535, %swap3A_536], %swap3A_539 {strides = array<i32>} : memref<125x16xf32, #tpu.memory_space<vmem>>, vector<1x16xf32>,
    %swap3A_540 = arith.constant 89 : i32
    %swap3A_541 = arith.index_cast %swap3A_540 : i32 to index
    %swap3A_542 = arith.constant 0 : index
    %swap3A_543 = tpu.vector_load %arg11[%swap3A_541, %swap3A_542] {strides = array<i32>} : memref<125x16xf32, #tpu.memory_space<vmem>>, vector<1x16xf32>,
    %swap3A_544 = vector.shape_cast %swap3A_543 : vector<1x16xf32> to vector<16xf32>
    %swap3A_545 = vector.shape_cast %broadcast_in_dim3A_6 : vector<16xf32> to vector<1x16xf32>
    tpu.vector_store %arg11[%swap3A_541, %swap3A_542], %swap3A_545 {strides = array<i32>} : memref<125x16xf32, #tpu.memory_space<vmem>>, vector<1x16xf32>,
    %swap3A_546 = arith.constant 90 : i32
    %swap3A_547 = arith.index_cast %swap3A_546 : i32 to index
    %swap3A_548 = arith.constant 0 : index
    %swap3A_549 = tpu.vector_load %arg11[%swap3A_547, %swap3A_548] {strides = array<i32>} : memref<125x16xf32, #tpu.memory_space<vmem>>, vector<1x16xf32>,
    %swap3A_550 = vector.shape_cast %swap3A_549 : vector<1x16xf32> to vector<16xf32>
    %swap3A_551 = vector.shape_cast %broadcast_in_dim3A_6 : vector<16xf32> to vector<1x16xf32>
    tpu.vector_store %arg11[%swap3A_547, %swap3A_548], %swap3A_551 {strides = array<i32>} : memref<125x16xf32, #tpu.memory_space<vmem>>, vector<1x16xf32>,
    %swap3A_552 = arith.constant 91 : i32
    %swap3A_553 = arith.index_cast %swap3A_552 : i32 to index
    %swap3A_554 = arith.constant 0 : index
    %swap3A_555 = tpu.vector_load %arg11[%swap3A_553, %swap3A_554] {strides = array<i32>} : memref<125x16xf32, #tpu.memory_space<vmem>>, vector<1x16xf32>,
    %swap3A_556 = vector.shape_cast %swap3A_555 : vector<1x16xf32> to vector<16xf32>
    %swap3A_557 = vector.shape_cast %broadcast_in_dim3A_6 : vector<16xf32> to vector<1x16xf32>
    tpu.vector_store %arg11[%swap3A_553, %swap3A_554], %swap3A_557 {strides = array<i32>} : memref<125x16xf32, #tpu.memory_space<vmem>>, vector<1x16xf32>,
    %swap3A_558 = arith.constant 92 : i32
    %swap3A_559 = arith.index_cast %swap3A_558 : i32 to index
    %swap3A_560 = arith.constant 0 : index
    %swap3A_561 = tpu.vector_load %arg11[%swap3A_559, %swap3A_560] {strides = array<i32>} : memref<125x16xf32, #tpu.memory_space<vmem>>, vector<1x16xf32>,
    %swap3A_562 = vector.shape_cast %swap3A_561 : vector<1x16xf32> to vector<16xf32>
    %swap3A_563 = vector.shape_cast %broadcast_in_dim3A_6 : vector<16xf32> to vector<1x16xf32>
    tpu.vector_store %arg11[%swap3A_559, %swap3A_560], %swap3A_563 {strides = array<i32>} : memref<125x16xf32, #tpu.memory_space<vmem>>, vector<1x16xf32>,
    %swap3A_564 = arith.constant 93 : i32
    %swap3A_565 = arith.index_cast %swap3A_564 : i32 to index
    %swap3A_566 = arith.constant 0 : index
    %swap3A_567 = tpu.vector_load %arg11[%swap3A_565, %swap3A_566] {strides = array<i32>} : memref<125x16xf32, #tpu.memory_space<vmem>>, vector<1x16xf32>,
    %swap3A_568 = vector.shape_cast %swap3A_567 : vector<1x16xf32> to vector<16xf32>
    %swap3A_569 = vector.shape_cast %broadcast_in_dim3A_6 : vector<16xf32> to vector<1x16xf32>
    tpu.vector_store %arg11[%swap3A_565, %swap3A_566], %swap3A_569 {strides = array<i32>} : memref<125x16xf32, #tpu.memory_space<vmem>>, vector<1x16xf32>,
    %swap3A_570 = arith.constant 94 : i32
    %swap3A_571 = arith.index_cast %swap3A_570 : i32 to index
    %swap3A_572 = arith.constant 0 : index
    %swap3A_573 = tpu.vector_load %arg11[%swap3A_571, %swap3A_572] {strides = array<i32>} : memref<125x16xf32, #tpu.memory_space<vmem>>, vector<1x16xf32>,
    %swap3A_574 = vector.shape_cast %swap3A_573 : vector<1x16xf32> to vector<16xf32>
    %swap3A_575 = vector.shape_cast %broadcast_in_dim3A_6 : vector<16xf32> to vector<1x16xf32>
    tpu.vector_store %arg11[%swap3A_571, %swap3A_572], %swap3A_575 {strides = array<i32>} : memref<125x16xf32, #tpu.memory_space<vmem>>, vector<1x16xf32>,
    %swap3A_576 = arith.constant 95 : i32
    %swap3A_577 = arith.index_cast %swap3A_576 : i32 to index
    %swap3A_578 = arith.constant 0 : index
    %swap3A_579 = tpu.vector_load %arg11[%swap3A_577, %swap3A_578] {strides = array<i32>} : memref<125x16xf32, #tpu.memory_space<vmem>>, vector<1x16xf32>,
    %swap3A_580 = vector.shape_cast %swap3A_579 : vector<1x16xf32> to vector<16xf32>
    %swap3A_581 = vector.shape_cast %broadcast_in_dim3A_6 : vector<16xf32> to vector<1x16xf32>
    tpu.vector_store %arg11[%swap3A_577, %swap3A_578], %swap3A_581 {strides = array<i32>} : memref<125x16xf32, #tpu.memory_space<vmem>>, vector<1x16xf32>,
    %swap3A_582 = arith.constant 96 : i32
    %swap3A_583 = arith.index_cast %swap3A_582 : i32 to index
    %swap3A_584 = arith.constant 0 : index
    %swap3A_585 = tpu.vector_load %arg11[%swap3A_583, %swap3A_584] {strides = array<i32>} : memref<125x16xf32, #tpu.memory_space<vmem>>, vector<1x16xf32>,
    %swap3A_586 = vector.shape_cast %swap3A_585 : vector<1x16xf32> to vector<16xf32>
    %swap3A_587 = vector.shape_cast %broadcast_in_dim3A_6 : vector<16xf32> to vector<1x16xf32>
    tpu.vector_store %arg11[%swap3A_583, %swap3A_584], %swap3A_587 {strides = array<i32>} : memref<125x16xf32, #tpu.memory_space<vmem>>, vector<1x16xf32>,
    %swap3A_588 = arith.constant 97 : i32
    %swap3A_589 = arith.index_cast %swap3A_588 : i32 to index
    %swap3A_590 = arith.constant 0 : index
    %swap3A_591 = tpu.vector_load %arg11[%swap3A_589, %swap3A_590] {strides = array<i32>} : memref<125x16xf32, #tpu.memory_space<vmem>>, vector<1x16xf32>,
    %swap3A_592 = vector.shape_cast %swap3A_591 : vector<1x16xf32> to vector<16xf32>
    %swap3A_593 = vector.shape_cast %broadcast_in_dim3A_6 : vector<16xf32> to vector<1x16xf32>
    tpu.vector_store %arg11[%swap3A_589, %swap3A_590], %swap3A_593 {strides = array<i32>} : memref<125x16xf32, #tpu.memory_space<vmem>>, vector<1x16xf32>,
    %swap3A_594 = arith.constant 98 : i32
    %swap3A_595 = arith.index_cast %swap3A_594 : i32 to index
    %swap3A_596 = arith.constant 0 : index
    %swap3A_597 = tpu.vector_load %arg11[%swap3A_595, %swap3A_596] {strides = array<i32>} : memref<125x16xf32, #tpu.memory_space<vmem>>, vector<1x16xf32>,
    %swap3A_598 = vector.shape_cast %swap3A_597 : vector<1x16xf32> to vector<16xf32>
    %swap3A_599 = vector.shape_cast %broadcast_in_dim3A_6 : vector<16xf32> to vector<1x16xf32>
    tpu.vector_store %arg11[%swap3A_595, %swap3A_596], %swap3A_599 {strides = array<i32>} : memref<125x16xf32, #tpu.memory_space<vmem>>, vector<1x16xf32>,
    %swap3A_600 = arith.constant 99 : i32
    %swap3A_601 = arith.index_cast %swap3A_600 : i32 to index
    %swap3A_602 = arith.constant 0 : index
    %swap3A_603 = tpu.vector_load %arg11[%swap3A_601, %swap3A_602] {strides = array<i32>} : memref<125x16xf32, #tpu.memory_space<vmem>>, vector<1x16xf32>,
    %swap3A_604 = vector.shape_cast %swap3A_603 : vector<1x16xf32> to vector<16xf32>
    %swap3A_605 = vector.shape_cast %broadcast_in_dim3A_6 : vector<16xf32> to vector<1x16xf32>
    tpu.vector_store %arg11[%swap3A_601, %swap3A_602], %swap3A_605 {strides = array<i32>} : memref<125x16xf32, #tpu.memory_space<vmem>>, vector<1x16xf32>,
    %swap3A_606 = arith.constant 100 : i32
    %swap3A_607 = arith.index_cast %swap3A_606 : i32 to index
    %swap3A_608 = arith.constant 0 : index
    %swap3A_609 = tpu.vector_load %arg11[%swap3A_607, %swap3A_608] {strides = array<i32>} : memref<125x16xf32, #tpu.memory_space<vmem>>, vector<1x16xf32>,
    %swap3A_610 = vector.shape_cast %swap3A_609 : vector<1x16xf32> to vector<16xf32>
    %swap3A_611 = vector.shape_cast %broadcast_in_dim3A_6 : vector<16xf32> to vector<1x16xf32>
    tpu.vector_store %arg11[%swap3A_607, %swap3A_608], %swap3A_611 {strides = array<i32>} : memref<125x16xf32, #tpu.memory_space<vmem>>, vector<1x16xf32>,
    %swap3A_612 = arith.constant 101 : i32
    %swap3A_613 = arith.index_cast %swap3A_612 : i32 to index
    %swap3A_614 = arith.constant 0 : index
    %swap3A_615 = tpu.vector_load %arg11[%swap3A_613, %swap3A_614] {strides = array<i32>} : memref<125x16xf32, #tpu.memory_space<vmem>>, vector<1x16xf32>,
    %swap3A_616 = vector.shape_cast %swap3A_615 : vector<1x16xf32> to vector<16xf32>
    %swap3A_617 = vector.shape_cast %broadcast_in_dim3A_6 : vector<16xf32> to vector<1x16xf32>
    tpu.vector_store %arg11[%swap3A_613, %swap3A_614], %swap3A_617 {strides = array<i32>} : memref<125x16xf32, #tpu.memory_space<vmem>>, vector<1x16xf32>,
    %swap3A_618 = arith.constant 102 : i32
    %swap3A_619 = arith.index_cast %swap3A_618 : i32 to index
    %swap3A_620 = arith.constant 0 : index
    %swap3A_621 = tpu.vector_load %arg11[%swap3A_619, %swap3A_620] {strides = array<i32>} : memref<125x16xf32, #tpu.memory_space<vmem>>, vector<1x16xf32>,
    %swap3A_622 = vector.shape_cast %swap3A_621 : vector<1x16xf32> to vector<16xf32>
    %swap3A_623 = vector.shape_cast %broadcast_in_dim3A_6 : vector<16xf32> to vector<1x16xf32>
    tpu.vector_store %arg11[%swap3A_619, %swap3A_620], %swap3A_623 {strides = array<i32>} : memref<125x16xf32, #tpu.memory_space<vmem>>, vector<1x16xf32>,
    %swap3A_624 = arith.constant 103 : i32
    %swap3A_625 = arith.index_cast %swap3A_624 : i32 to index
    %swap3A_626 = arith.constant 0 : index
    %swap3A_627 = tpu.vector_load %arg11[%swap3A_625, %swap3A_626] {strides = array<i32>} : memref<125x16xf32, #tpu.memory_space<vmem>>, vector<1x16xf32>,
    %swap3A_628 = vector.shape_cast %swap3A_627 : vector<1x16xf32> to vector<16xf32>
    %swap3A_629 = vector.shape_cast %broadcast_in_dim3A_6 : vector<16xf32> to vector<1x16xf32>
    tpu.vector_store %arg11[%swap3A_625, %swap3A_626], %swap3A_629 {strides = array<i32>} : memref<125x16xf32, #tpu.memory_space<vmem>>, vector<1x16xf32>,
    %swap3A_630 = arith.constant 104 : i32
    %swap3A_631 = arith.index_cast %swap3A_630 : i32 to index
    %swap3A_632 = arith.constant 0 : index
    %swap3A_633 = tpu.vector_load %arg11[%swap3A_631, %swap3A_632] {strides = array<i32>} : memref<125x16xf32, #tpu.memory_space<vmem>>, vector<1x16xf32>,
    %swap3A_634 = vector.shape_cast %swap3A_633 : vector<1x16xf32> to vector<16xf32>
    %swap3A_635 = vector.shape_cast %broadcast_in_dim3A_6 : vector<16xf32> to vector<1x16xf32>
    tpu.vector_store %arg11[%swap3A_631, %swap3A_632], %swap3A_635 {strides = array<i32>} : memref<125x16xf32, #tpu.memory_space<vmem>>, vector<1x16xf32>,
    %swap3A_636 = arith.constant 105 : i32
    %swap3A_637 = arith.index_cast %swap3A_636 : i32 to index
    %swap3A_638 = arith.constant 0 : index
    %swap3A_639 = tpu.vector_load %arg11[%swap3A_637, %swap3A_638] {strides = array<i32>} : memref<125x16xf32, #tpu.memory_space<vmem>>, vector<1x16xf32>,
    %swap3A_640 = vector.shape_cast %swap3A_639 : vector<1x16xf32> to vector<16xf32>
    %swap3A_641 = vector.shape_cast %broadcast_in_dim3A_6 : vector<16xf32> to vector<1x16xf32>
    tpu.vector_store %arg11[%swap3A_637, %swap3A_638], %swap3A_641 {strides = array<i32>} : memref<125x16xf32, #tpu.memory_space<vmem>>, vector<1x16xf32>,
    %swap3A_642 = arith.constant 106 : i32
    %swap3A_643 = arith.index_cast %swap3A_642 : i32 to index
    %swap3A_644 = arith.constant 0 : index
    %swap3A_645 = tpu.vector_load %arg11[%swap3A_643, %swap3A_644] {strides = array<i32>} : memref<125x16xf32, #tpu.memory_space<vmem>>, vector<1x16xf32>,
    %swap3A_646 = vector.shape_cast %swap3A_645 : vector<1x16xf32> to vector<16xf32>
    %swap3A_647 = vector.shape_cast %broadcast_in_dim3A_6 : vector<16xf32> to vector<1x16xf32>
    tpu.vector_store %arg11[%swap3A_643, %swap3A_644], %swap3A_647 {strides = array<i32>} : memref<125x16xf32, #tpu.memory_space<vmem>>, vector<1x16xf32>,
    %swap3A_648 = arith.constant 107 : i32
    %swap3A_649 = arith.index_cast %swap3A_648 : i32 to index
    %swap3A_650 = arith.constant 0 : index
    %swap3A_651 = tpu.vector_load %arg11[%swap3A_649, %swap3A_650] {strides = array<i32>} : memref<125x16xf32, #tpu.memory_space<vmem>>, vector<1x16xf32>,
    %swap3A_652 = vector.shape_cast %swap3A_651 : vector<1x16xf32> to vector<16xf32>
    %swap3A_653 = vector.shape_cast %broadcast_in_dim3A_6 : vector<16xf32> to vector<1x16xf32>
    tpu.vector_store %arg11[%swap3A_649, %swap3A_650], %swap3A_653 {strides = array<i32>} : memref<125x16xf32, #tpu.memory_space<vmem>>, vector<1x16xf32>,
    %swap3A_654 = arith.constant 108 : i32
    %swap3A_655 = arith.index_cast %swap3A_654 : i32 to index
    %swap3A_656 = arith.constant 0 : index
    %swap3A_657 = tpu.vector_load %arg11[%swap3A_655, %swap3A_656] {strides = array<i32>} : memref<125x16xf32, #tpu.memory_space<vmem>>, vector<1x16xf32>,
    %swap3A_658 = vector.shape_cast %swap3A_657 : vector<1x16xf32> to vector<16xf32>
    %swap3A_659 = vector.shape_cast %broadcast_in_dim3A_6 : vector<16xf32> to vector<1x16xf32>
    tpu.vector_store %arg11[%swap3A_655, %swap3A_656], %swap3A_659 {strides = array<i32>} : memref<125x16xf32, #tpu.memory_space<vmem>>, vector<1x16xf32>,
    %swap3A_660 = arith.constant 109 : i32
    %swap3A_661 = arith.index_cast %swap3A_660 : i32 to index
    %swap3A_662 = arith.constant 0 : index
    %swap3A_663 = tpu.vector_load %arg11[%swap3A_661, %swap3A_662] {strides = array<i32>} : memref<125x16xf32, #tpu.memory_space<vmem>>, vector<1x16xf32>,
    %swap3A_664 = vector.shape_cast %swap3A_663 : vector<1x16xf32> to vector<16xf32>
    %swap3A_665 = vector.shape_cast %broadcast_in_dim3A_6 : vector<16xf32> to vector<1x16xf32>
    tpu.vector_store %arg11[%swap3A_661, %swap3A_662], %swap3A_665 {strides = array<i32>} : memref<125x16xf32, #tpu.memory_space<vmem>>, vector<1x16xf32>,
    %swap3A_666 = arith.constant 110 : i32
    %swap3A_667 = arith.index_cast %swap3A_666 : i32 to index
    %swap3A_668 = arith.constant 0 : index
    %swap3A_669 = tpu.vector_load %arg11[%swap3A_667, %swap3A_668] {strides = array<i32>} : memref<125x16xf32, #tpu.memory_space<vmem>>, vector<1x16xf32>,
    %swap3A_670 = vector.shape_cast %swap3A_669 : vector<1x16xf32> to vector<16xf32>
    %swap3A_671 = vector.shape_cast %broadcast_in_dim3A_6 : vector<16xf32> to vector<1x16xf32>
    tpu.vector_store %arg11[%swap3A_667, %swap3A_668], %swap3A_671 {strides = array<i32>} : memref<125x16xf32, #tpu.memory_space<vmem>>, vector<1x16xf32>,
    %swap3A_672 = arith.constant 111 : i32
    %swap3A_673 = arith.index_cast %swap3A_672 : i32 to index
    %swap3A_674 = arith.constant 0 : index
    %swap3A_675 = tpu.vector_load %arg11[%swap3A_673, %swap3A_674] {strides = array<i32>} : memref<125x16xf32, #tpu.memory_space<vmem>>, vector<1x16xf32>,
    %swap3A_676 = vector.shape_cast %swap3A_675 : vector<1x16xf32> to vector<16xf32>
    %swap3A_677 = vector.shape_cast %broadcast_in_dim3A_6 : vector<16xf32> to vector<1x16xf32>
    tpu.vector_store %arg11[%swap3A_673, %swap3A_674], %swap3A_677 {strides = array<i32>} : memref<125x16xf32, #tpu.memory_space<vmem>>, vector<1x16xf32>,
    %swap3A_678 = arith.constant 112 : i32
    %swap3A_679 = arith.index_cast %swap3A_678 : i32 to index
    %swap3A_680 = arith.constant 0 : index
    %swap3A_681 = tpu.vector_load %arg11[%swap3A_679, %swap3A_680] {strides = array<i32>} : memref<125x16xf32, #tpu.memory_space<vmem>>, vector<1x16xf32>,
    %swap3A_682 = vector.shape_cast %swap3A_681 : vector<1x16xf32> to vector<16xf32>
    %swap3A_683 = vector.shape_cast %broadcast_in_dim3A_6 : vector<16xf32> to vector<1x16xf32>
    tpu.vector_store %arg11[%swap3A_679, %swap3A_680], %swap3A_683 {strides = array<i32>} : memref<125x16xf32, #tpu.memory_space<vmem>>, vector<1x16xf32>,
    %swap3A_684 = arith.constant 113 : i32
    %swap3A_685 = arith.index_cast %swap3A_684 : i32 to index
    %swap3A_686 = arith.constant 0 : index
    %swap3A_687 = tpu.vector_load %arg11[%swap3A_685, %swap3A_686] {strides = array<i32>} : memref<125x16xf32, #tpu.memory_space<vmem>>, vector<1x16xf32>,
    %swap3A_688 = vector.shape_cast %swap3A_687 : vector<1x16xf32> to vector<16xf32>
    %swap3A_689 = vector.shape_cast %broadcast_in_dim3A_6 : vector<16xf32> to vector<1x16xf32>
    tpu.vector_store %arg11[%swap3A_685, %swap3A_686], %swap3A_689 {strides = array<i32>} : memref<125x16xf32, #tpu.memory_space<vmem>>, vector<1x16xf32>,
    %swap3A_690 = arith.constant 114 : i32
    %swap3A_691 = arith.index_cast %swap3A_690 : i32 to index
    %swap3A_692 = arith.constant 0 : index
    %swap3A_693 = tpu.vector_load %arg11[%swap3A_691, %swap3A_692] {strides = array<i32>} : memref<125x16xf32, #tpu.memory_space<vmem>>, vector<1x16xf32>,
    %swap3A_694 = vector.shape_cast %swap3A_693 : vector<1x16xf32> to vector<16xf32>
    %swap3A_695 = vector.shape_cast %broadcast_in_dim3A_6 : vector<16xf32> to vector<1x16xf32>
    tpu.vector_store %arg11[%swap3A_691, %swap3A_692], %swap3A_695 {strides = array<i32>} : memref<125x16xf32, #tpu.memory_space<vmem>>, vector<1x16xf32>,
    %swap3A_696 = arith.constant 115 : i32
    %swap3A_697 = arith.index_cast %swap3A_696 : i32 to index
    %swap3A_698 = arith.constant 0 : index
    %swap3A_699 = tpu.vector_load %arg11[%swap3A_697, %swap3A_698] {strides = array<i32>} : memref<125x16xf32, #tpu.memory_space<vmem>>, vector<1x16xf32>,
    %swap3A_700 = vector.shape_cast %swap3A_699 : vector<1x16xf32> to vector<16xf32>
    %swap3A_701 = vector.shape_cast %broadcast_in_dim3A_6 : vector<16xf32> to vector<1x16xf32>
    tpu.vector_store %arg11[%swap3A_697, %swap3A_698], %swap3A_701 {strides = array<i32>} : memref<125x16xf32, #tpu.memory_space<vmem>>, vector<1x16xf32>,
    %swap3A_702 = arith.constant 116 : i32
    %swap3A_703 = arith.index_cast %swap3A_702 : i32 to index
    %swap3A_704 = arith.constant 0 : index
    %swap3A_705 = tpu.vector_load %arg11[%swap3A_703, %swap3A_704] {strides = array<i32>} : memref<125x16xf32, #tpu.memory_space<vmem>>, vector<1x16xf32>,
    %swap3A_706 = vector.shape_cast %swap3A_705 : vector<1x16xf32> to vector<16xf32>
    %swap3A_707 = vector.shape_cast %broadcast_in_dim3A_6 : vector<16xf32> to vector<1x16xf32>
    tpu.vector_store %arg11[%swap3A_703, %swap3A_704], %swap3A_707 {strides = array<i32>} : memref<125x16xf32, #tpu.memory_space<vmem>>, vector<1x16xf32>,
    %swap3A_708 = arith.constant 117 : i32
    %swap3A_709 = arith.index_cast %swap3A_708 : i32 to index
    %swap3A_710 = arith.constant 0 : index
    %swap3A_711 = tpu.vector_load %arg11[%swap3A_709, %swap3A_710] {strides = array<i32>} : memref<125x16xf32, #tpu.memory_space<vmem>>, vector<1x16xf32>,
    %swap3A_712 = vector.shape_cast %swap3A_711 : vector<1x16xf32> to vector<16xf32>
    %swap3A_713 = vector.shape_cast %broadcast_in_dim3A_6 : vector<16xf32> to vector<1x16xf32>
    tpu.vector_store %arg11[%swap3A_709, %swap3A_710], %swap3A_713 {strides = array<i32>} : memref<125x16xf32, #tpu.memory_space<vmem>>, vector<1x16xf32>,
    %swap3A_714 = arith.constant 118 : i32
    %swap3A_715 = arith.index_cast %swap3A_714 : i32 to index
    %swap3A_716 = arith.constant 0 : index
    %swap3A_717 = tpu.vector_load %arg11[%swap3A_715, %swap3A_716] {strides = array<i32>} : memref<125x16xf32, #tpu.memory_space<vmem>>, vector<1x16xf32>,
    %swap3A_718 = vector.shape_cast %swap3A_717 : vector<1x16xf32> to vector<16xf32>
    %swap3A_719 = vector.shape_cast %broadcast_in_dim3A_6 : vector<16xf32> to vector<1x16xf32>
    tpu.vector_store %arg11[%swap3A_715, %swap3A_716], %swap3A_719 {strides = array<i32>} : memref<125x16xf32, #tpu.memory_space<vmem>>, vector<1x16xf32>,
    %swap3A_720 = arith.constant 119 : i32
    %swap3A_721 = arith.index_cast %swap3A_720 : i32 to index
    %swap3A_722 = arith.constant 0 : index
    %swap3A_723 = tpu.vector_load %arg11[%swap3A_721, %swap3A_722] {strides = array<i32>} : memref<125x16xf32, #tpu.memory_space<vmem>>, vector<1x16xf32>,
    %swap3A_724 = vector.shape_cast %swap3A_723 : vector<1x16xf32> to vector<16xf32>
    %swap3A_725 = vector.shape_cast %broadcast_in_dim3A_6 : vector<16xf32> to vector<1x16xf32>
    tpu.vector_store %arg11[%swap3A_721, %swap3A_722], %swap3A_725 {strides = array<i32>} : memref<125x16xf32, #tpu.memory_space<vmem>>, vector<1x16xf32>,
    %swap3A_726 = arith.constant 120 : i32
    %swap3A_727 = arith.index_cast %swap3A_726 : i32 to index
    %swap3A_728 = arith.constant 0 : index
    %swap3A_729 = tpu.vector_load %arg11[%swap3A_727, %swap3A_728] {strides = array<i32>} : memref<125x16xf32, #tpu.memory_space<vmem>>, vector<1x16xf32>,
    %swap3A_730 = vector.shape_cast %swap3A_729 : vector<1x16xf32> to vector<16xf32>
    %swap3A_731 = vector.shape_cast %broadcast_in_dim3A_6 : vector<16xf32> to vector<1x16xf32>
    tpu.vector_store %arg11[%swap3A_727, %swap3A_728], %swap3A_731 {strides = array<i32>} : memref<125x16xf32, #tpu.memory_space<vmem>>, vector<1x16xf32>,
    %swap3A_732 = arith.constant 121 : i32
    %swap3A_733 = arith.index_cast %swap3A_732 : i32 to index
    %swap3A_734 = arith.constant 0 : index
    %swap3A_735 = tpu.vector_load %arg11[%swap3A_733, %swap3A_734] {strides = array<i32>} : memref<125x16xf32, #tpu.memory_space<vmem>>, vector<1x16xf32>,
    %swap3A_736 = vector.shape_cast %swap3A_735 : vector<1x16xf32> to vector<16xf32>
    %swap3A_737 = vector.shape_cast %broadcast_in_dim3A_6 : vector<16xf32> to vector<1x16xf32>
    tpu.vector_store %arg11[%swap3A_733, %swap3A_734], %swap3A_737 {strides = array<i32>} : memref<125x16xf32, #tpu.memory_space<vmem>>, vector<1x16xf32>,
    %swap3A_738 = arith.constant 122 : i32
    %swap3A_739 = arith.index_cast %swap3A_738 : i32 to index
    %swap3A_740 = arith.constant 0 : index
    %swap3A_741 = tpu.vector_load %arg11[%swap3A_739, %swap3A_740] {strides = array<i32>} : memref<125x16xf32, #tpu.memory_space<vmem>>, vector<1x16xf32>,
    %swap3A_742 = vector.shape_cast %swap3A_741 : vector<1x16xf32> to vector<16xf32>
    %swap3A_743 = vector.shape_cast %broadcast_in_dim3A_6 : vector<16xf32> to vector<1x16xf32>
    tpu.vector_store %arg11[%swap3A_739, %swap3A_740], %swap3A_743 {strides = array<i32>} : memref<125x16xf32, #tpu.memory_space<vmem>>, vector<1x16xf32>,
    %swap3A_744 = arith.constant 123 : i32
    %swap3A_745 = arith.index_cast %swap3A_744 : i32 to index
    %swap3A_746 = arith.constant 0 : index
    %swap3A_747 = tpu.vector_load %arg11[%swap3A_745, %swap3A_746] {strides = array<i32>} : memref<125x16xf32, #tpu.memory_space<vmem>>, vector<1x16xf32>,
    %swap3A_748 = vector.shape_cast %swap3A_747 : vector<1x16xf32> to vector<16xf32>
    %swap3A_749 = vector.shape_cast %broadcast_in_dim3A_6 : vector<16xf32> to vector<1x16xf32>
    tpu.vector_store %arg11[%swap3A_745, %swap3A_746], %swap3A_749 {strides = array<i32>} : memref<125x16xf32, #tpu.memory_space<vmem>>, vector<1x16xf32>,
    %swap3A_750 = arith.constant 124 : i32
    %swap3A_751 = arith.index_cast %swap3A_750 : i32 to index
    %swap3A_752 = arith.constant 0 : index
    %swap3A_753 = tpu.vector_load %arg11[%swap3A_751, %swap3A_752] {strides = array<i32>} : memref<125x16xf32, #tpu.memory_space<vmem>>, vector<1x16xf32>,
    %swap3A_754 = vector.shape_cast %swap3A_753 : vector<1x16xf32> to vector<16xf32>
    %swap3A_755 = vector.shape_cast %broadcast_in_dim3A_6 : vector<16xf32> to vector<1x16xf32>
    tpu.vector_store %arg11[%swap3A_751, %swap3A_752], %swap3A_755 {strides = array<i32>} : memref<125x16xf32, #tpu.memory_space<vmem>>, vector<1x16xf32>,
    %barrier3A = arith.constant 0 : index
    tpu.barrier barrier_id(%barrier3A)
    %dma_start3A = arith.constant 0 : i32
    %dma_start3A_756 = arith.constant 0 : i32
    %dma_start3A_757 = arith.constant 0 : i32
    %dma_start3A_758 = arith.constant 0 : i32
    %dma_start3A_759 = arith.constant 0 : i32
    %dma_start3A_760 = tpu.memref_slice %arg10[%dma_start3A_756, %dma_start3A_758, %dma_start3A_759] : memref<2x125x64xf32, #tpu.memory_space<vmem>> -> memref<1x125x64xf32, #tpu.memory_space<vmem>>
    %dma_start3A_761 = tpu.memref_squeeze %dma_start3A_760 : memref<1x125x64xf32, #tpu.memory_space<vmem>> -> memref<125x64xf32, #tpu.memory_space<vmem>>
    %dma_start3A_762 = arith.constant 0 : i32
    %dma_start3A_763 = tpu.memref_slice %arg8[%dma_start3A, %dma_start3A_762] : memref<80x125xi32, #tpu.memory_space<vmem>> -> memref<1x125xi32, #tpu.memory_space<vmem>>
    %dma_start3A_764 = tpu.memref_squeeze %dma_start3A_763 : memref<1x125xi32, #tpu.memory_space<vmem>> -> memref<125xi32, #tpu.memory_space<vmem>>
    %dma_start3A_765 = arith.constant 0 : i32
    %dma_start3A_766 = arith.constant 0 : i32
    %dma_start3A_767 = tpu.memref_slice %arg12[%dma_start3A_765, %dma_start3A_766] : memref<10000x64xf32, #tpu.memory_space<vmem_shared>> -> memref<10000x64xf32, #tpu.memory_space<vmem_shared>>
    %dma_start3A_768 = tpu.memref_slice %arg15[%dma_start3A_757] : memref<2x!tpu.dma_semaphore, #tpu.memory_space<semaphore_mem>> -> memref<1x!tpu.dma_semaphore, #tpu.memory_space<semaphore_mem>>
    %dma_start3A_769 = tpu.memref_squeeze %dma_start3A_768 : memref<1x!tpu.dma_semaphore, #tpu.memory_space<semaphore_mem>> -> memref<!tpu.dma_semaphore, #tpu.memory_space<semaphore_mem>>
    tpu.enqueue_indirect_dma source(%dma_start3A_767 : memref<10000x64xf32, #tpu.memory_space<vmem_shared>>) target(%dma_start3A_761 : memref<125x64xf32, #tpu.memory_space<vmem>>) offsets(%dma_start3A_764 : memref<125xi32, #tpu.memory_space<vmem>>) semaphore(%dma_start3A_769 : memref<!tpu.dma_semaphore, #tpu.memory_space<semaphore_mem>>)
    %dma_start3A_770 = arith.constant 1 : i32
    %dma_start3A_771 = arith.constant 1 : i32
    %dma_start3A_772 = arith.constant 1 : i32
    %dma_start3A_773 = arith.constant 0 : i32
    %dma_start3A_774 = arith.constant 0 : i32
    %dma_start3A_775 = tpu.memref_slice %arg10[%dma_start3A_771, %dma_start3A_773, %dma_start3A_774] : memref<2x125x64xf32, #tpu.memory_space<vmem>> -> memref<1x125x64xf32, #tpu.memory_space<vmem>>
    %dma_start3A_776 = tpu.memref_squeeze %dma_start3A_775 : memref<1x125x64xf32, #tpu.memory_space<vmem>> -> memref<125x64xf32, #tpu.memory_space<vmem>>
    %dma_start3A_777 = arith.constant 0 : i32
    %dma_start3A_778 = tpu.memref_slice %arg8[%dma_start3A_770, %dma_start3A_777] : memref<80x125xi32, #tpu.memory_space<vmem>> -> memref<1x125xi32, #tpu.memory_space<vmem>>
    %dma_start3A_779 = tpu.memref_squeeze %dma_start3A_778 : memref<1x125xi32, #tpu.memory_space<vmem>> -> memref<125xi32, #tpu.memory_space<vmem>>
    %dma_start3A_780 = arith.constant 0 : i32
    %dma_start3A_781 = arith.constant 0 : i32
    %dma_start3A_782 = tpu.memref_slice %arg12[%dma_start3A_780, %dma_start3A_781] : memref<10000x64xf32, #tpu.memory_space<vmem_shared>> -> memref<10000x64xf32, #tpu.memory_space<vmem_shared>>
    %dma_start3A_783 = tpu.memref_slice %arg15[%dma_start3A_772] : memref<2x!tpu.dma_semaphore, #tpu.memory_space<semaphore_mem>> -> memref<1x!tpu.dma_semaphore, #tpu.memory_space<semaphore_mem>>
    %dma_start3A_784 = tpu.memref_squeeze %dma_start3A_783 : memref<1x!tpu.dma_semaphore, #tpu.memory_space<semaphore_mem>> -> memref<!tpu.dma_semaphore, #tpu.memory_space<semaphore_mem>>
    tpu.enqueue_indirect_dma source(%dma_start3A_782 : memref<10000x64xf32, #tpu.memory_space<vmem_shared>>) target(%dma_start3A_776 : memref<125x64xf32, #tpu.memory_space<vmem>>) offsets(%dma_start3A_779 : memref<125xi32, #tpu.memory_space<vmem>>) semaphore(%dma_start3A_784 : memref<!tpu.dma_semaphore, #tpu.memory_space<semaphore_mem>>)
    %dma_start3A_785 = arith.constant 0 : i32
    %dma_start3A_786 = arith.constant 0 : i32
    %dma_start3A_787 = tpu.memref_slice %arg9[%dma_start3A_785, %dma_start3A_786] : memref<80x125xi32, #tpu.memory_space<vmem>> -> memref<1x125xi32, #tpu.memory_space<vmem>>
    %dma_start3A_788 = tpu.memref_squeeze %dma_start3A_787 : memref<1x125xi32, #tpu.memory_space<vmem>> -> memref<125xi32, #tpu.memory_space<vmem>>
    %dma_start3A_789 = arith.constant 0 : i32
    %dma_start3A_790 = arith.constant 0 : i32
    %dma_start3A_791 = tpu.memref_slice %arg14[%dma_start3A_789, %dma_start3A_790] : memref<10240x16xf32, #tpu.memory_space<vmem_shared>> -> memref<10240x16xf32, #tpu.memory_space<vmem_shared>>
    tpu.enqueue_indirect_dma source(%arg11 : memref<125x16xf32, #tpu.memory_space<vmem>>) target(%dma_start3A_791 : memref<10240x16xf32, #tpu.memory_space<vmem_shared>>) offsets(%dma_start3A_788 : memref<125xi32, #tpu.memory_space<vmem>>) semaphore(%arg17 : memref<!tpu.dma_semaphore, #tpu.memory_space<semaphore_mem>>) {add = true}
    %dma_wait3A = arith.constant 0 : i32
    %dma_wait3A_792 = arith.constant 0 : i32
    %dma_wait3A_793 = arith.constant 0 : i32
    %dma_wait3A_794 = arith.constant 0 : i32
    %dma_wait3A_795 = arith.constant 0 : i32
    %dma_wait3A_796 = tpu.memref_slice %arg10[%dma_wait3A_792, %dma_wait3A_794, %dma_wait3A_795] : memref<2x125x64xf32, #tpu.memory_space<vmem>> -> memref<1x125x64xf32, #tpu.memory_space<vmem>>
    %dma_wait3A_797 = tpu.memref_squeeze %dma_wait3A_796 : memref<1x125x64xf32, #tpu.memory_space<vmem>> -> memref<125x64xf32, #tpu.memory_space<vmem>>
    %dma_wait3A_798 = arith.constant 0 : i32
    %dma_wait3A_799 = tpu.memref_slice %arg8[%dma_wait3A, %dma_wait3A_798] : memref<80x125xi32, #tpu.memory_space<vmem>> -> memref<1x125xi32, #tpu.memory_space<vmem>>
    %dma_wait3A_800 = tpu.memref_squeeze %dma_wait3A_799 : memref<1x125xi32, #tpu.memory_space<vmem>> -> memref<125xi32, #tpu.memory_space<vmem>>
    %dma_wait3A_801 = arith.constant 0 : i32
    %dma_wait3A_802 = arith.constant 0 : i32
    %dma_wait3A_803 = tpu.memref_slice %arg12[%dma_wait3A_801, %dma_wait3A_802] : memref<10000x64xf32, #tpu.memory_space<vmem_shared>> -> memref<10000x64xf32, #tpu.memory_space<vmem_shared>>
    %dma_wait3A_804 = tpu.memref_slice %arg15[%dma_wait3A_793] : memref<2x!tpu.dma_semaphore, #tpu.memory_space<semaphore_mem>> -> memref<1x!tpu.dma_semaphore, #tpu.memory_space<semaphore_mem>>
    %dma_wait3A_805 = tpu.memref_squeeze %dma_wait3A_804 : memref<1x!tpu.dma_semaphore, #tpu.memory_space<semaphore_mem>> -> memref<!tpu.dma_semaphore, #tpu.memory_space<semaphore_mem>>
    tpu.wait_indirect_dma semaphore(%dma_wait3A_805 : memref<!tpu.dma_semaphore, #tpu.memory_space<semaphore_mem>>) src(%dma_wait3A_803 : memref<10000x64xf32, #tpu.memory_space<vmem_shared>>) dst(%dma_wait3A_797 : memref<125x64xf32, #tpu.memory_space<vmem>>)
    %dma_start3A_806 = arith.constant 0 : i32
    %dma_start3A_807 = arith.constant 0 : i32
    %dma_start3A_808 = arith.constant 0 : i32
    %dma_start3A_809 = arith.constant 0 : i32
    %dma_start3A_810 = arith.constant 0 : i32
    %dma_start3A_811 = tpu.memref_slice %arg10[%dma_start3A_806, %dma_start3A_809, %dma_start3A_810] : memref<2x125x64xf32, #tpu.memory_space<vmem>> -> memref<1x125x64xf32, #tpu.memory_space<vmem>>
    %dma_start3A_812 = tpu.memref_squeeze %dma_start3A_811 : memref<1x125x64xf32, #tpu.memory_space<vmem>> -> memref<125x64xf32, #tpu.memory_space<vmem>>
    %dma_start3A_813 = arith.constant 0 : i32
    %dma_start3A_814 = tpu.memref_slice %arg9[%dma_start3A_807, %dma_start3A_813] : memref<80x125xi32, #tpu.memory_space<vmem>> -> memref<1x125xi32, #tpu.memory_space<vmem>>
    %dma_start3A_815 = tpu.memref_squeeze %dma_start3A_814 : memref<1x125xi32, #tpu.memory_space<vmem>> -> memref<125xi32, #tpu.memory_space<vmem>>
    %dma_start3A_816 = arith.constant 0 : i32
    %dma_start3A_817 = arith.constant 0 : i32
    %dma_start3A_818 = tpu.memref_slice %arg13[%dma_start3A_816, %dma_start3A_817] : memref<10240x64xf32, #tpu.memory_space<vmem_shared>> -> memref<10240x64xf32, #tpu.memory_space<vmem_shared>>
    %dma_start3A_819 = tpu.memref_slice %arg16[%dma_start3A_808] : memref<2x!tpu.dma_semaphore, #tpu.memory_space<semaphore_mem>> -> memref<1x!tpu.dma_semaphore, #tpu.memory_space<semaphore_mem>>
    %dma_start3A_820 = tpu.memref_squeeze %dma_start3A_819 : memref<1x!tpu.dma_semaphore, #tpu.memory_space<semaphore_mem>> -> memref<!tpu.dma_semaphore, #tpu.memory_space<semaphore_mem>>
    tpu.enqueue_indirect_dma source(%dma_start3A_812 : memref<125x64xf32, #tpu.memory_space<vmem>>) target(%dma_start3A_818 : memref<10240x64xf32, #tpu.memory_space<vmem_shared>>) offsets(%dma_start3A_815 : memref<125xi32, #tpu.memory_space<vmem>>) semaphore(%dma_start3A_820 : memref<!tpu.dma_semaphore, #tpu.memory_space<semaphore_mem>>) {add = true}
    %dma_wait3A_821 = arith.constant 0 : i32
    %dma_wait3A_822 = arith.constant 0 : i32
    %dma_wait3A_823 = arith.constant 0 : i32
    %dma_wait3A_824 = arith.constant 0 : i32
    %dma_wait3A_825 = arith.constant 0 : i32
    %dma_wait3A_826 = tpu.memref_slice %arg10[%dma_wait3A_821, %dma_wait3A_824, %dma_wait3A_825] : memref<2x125x64xf32, #tpu.memory_space<vmem>> -> memref<1x125x64xf32, #tpu.memory_space<vmem>>
    %dma_wait3A_827 = tpu.memref_squeeze %dma_wait3A_826 : memref<1x125x64xf32, #tpu.memory_space<vmem>> -> memref<125x64xf32, #tpu.memory_space<vmem>>
    %dma_wait3A_828 = arith.constant 0 : i32
    %dma_wait3A_829 = tpu.memref_slice %arg9[%dma_wait3A_822, %dma_wait3A_828] : memref<80x125xi32, #tpu.memory_space<vmem>> -> memref<1x125xi32, #tpu.memory_space<vmem>>
    %dma_wait3A_830 = tpu.memref_squeeze %dma_wait3A_829 : memref<1x125xi32, #tpu.memory_space<vmem>> -> memref<125xi32, #tpu.memory_space<vmem>>
    %dma_wait3A_831 = arith.constant 0 : i32
    %dma_wait3A_832 = arith.constant 0 : i32
    %dma_wait3A_833 = tpu.memref_slice %arg13[%dma_wait3A_831, %dma_wait3A_832] : memref<10240x64xf32, #tpu.memory_space<vmem_shared>> -> memref<10240x64xf32, #tpu.memory_space<vmem_shared>>
    %dma_wait3A_834 = tpu.memref_slice %arg16[%dma_wait3A_823] : memref<2x!tpu.dma_semaphore, #tpu.memory_space<semaphore_mem>> -> memref<1x!tpu.dma_semaphore, #tpu.memory_space<semaphore_mem>>
    %dma_wait3A_835 = tpu.memref_squeeze %dma_wait3A_834 : memref<1x!tpu.dma_semaphore, #tpu.memory_space<semaphore_mem>> -> memref<!tpu.dma_semaphore, #tpu.memory_space<semaphore_mem>>
    tpu.wait_indirect_dma semaphore(%dma_wait3A_835 : memref<!tpu.dma_semaphore, #tpu.memory_space<semaphore_mem>>) src(%dma_wait3A_827 : memref<125x64xf32, #tpu.memory_space<vmem>>) dst(%dma_wait3A_833 : memref<10240x64xf32, #tpu.memory_space<vmem_shared>>)
    %dma_start3A_836 = arith.constant 2 : i32
    %dma_start3A_837 = arith.constant 0 : i32
    %dma_start3A_838 = arith.constant 0 : i32
    %dma_start3A_839 = arith.constant 0 : i32
    %dma_start3A_840 = arith.constant 0 : i32
    %dma_start3A_841 = tpu.memref_slice %arg10[%dma_start3A_837, %dma_start3A_839, %dma_start3A_840] : memref<2x125x64xf32, #tpu.memory_space<vmem>> -> memref<1x125x64xf32, #tpu.memory_space<vmem>>
    %dma_start3A_842 = tpu.memref_squeeze %dma_start3A_841 : memref<1x125x64xf32, #tpu.memory_space<vmem>> -> memref<125x64xf32, #tpu.memory_space<vmem>>
    %dma_start3A_843 = arith.constant 0 : i32
    %dma_start3A_844 = tpu.memref_slice %arg8[%dma_start3A_836, %dma_start3A_843] : memref<80x125xi32, #tpu.memory_space<vmem>> -> memref<1x125xi32, #tpu.memory_space<vmem>>
    %dma_start3A_845 = tpu.memref_squeeze %dma_start3A_844 : memref<1x125xi32, #tpu.memory_space<vmem>> -> memref<125xi32, #tpu.memory_space<vmem>>
    %dma_start3A_846 = arith.constant 0 : i32
    %dma_start3A_847 = arith.constant 0 : i32
    %dma_start3A_848 = tpu.memref_slice %arg12[%dma_start3A_846, %dma_start3A_847] : memref<10000x64xf32, #tpu.memory_space<vmem_shared>> -> memref<10000x64xf32, #tpu.memory_space<vmem_shared>>
    %dma_start3A_849 = tpu.memref_slice %arg15[%dma_start3A_838] : memref<2x!tpu.dma_semaphore, #tpu.memory_space<semaphore_mem>> -> memref<1x!tpu.dma_semaphore, #tpu.memory_space<semaphore_mem>>
    %dma_start3A_850 = tpu.memref_squeeze %dma_start3A_849 : memref<1x!tpu.dma_semaphore, #tpu.memory_space<semaphore_mem>> -> memref<!tpu.dma_semaphore, #tpu.memory_space<semaphore_mem>>
    tpu.enqueue_indirect_dma source(%dma_start3A_848 : memref<10000x64xf32, #tpu.memory_space<vmem_shared>>) target(%dma_start3A_842 : memref<125x64xf32, #tpu.memory_space<vmem>>) offsets(%dma_start3A_845 : memref<125xi32, #tpu.memory_space<vmem>>) semaphore(%dma_start3A_850 : memref<!tpu.dma_semaphore, #tpu.memory_space<semaphore_mem>>)
    %dma_start3A_851 = arith.constant 1 : i32
    %dma_start3A_852 = arith.constant 0 : i32
    %dma_start3A_853 = tpu.memref_slice %arg9[%dma_start3A_851, %dma_start3A_852] : memref<80x125xi32, #tpu.memory_space<vmem>> -> memref<1x125xi32, #tpu.memory_space<vmem>>
    %dma_start3A_854 = tpu.memref_squeeze %dma_start3A_853 : memref<1x125xi32, #tpu.memory_space<vmem>> -> memref<125xi32, #tpu.memory_space<vmem>>
    %dma_start3A_855 = arith.constant 0 : i32
    %dma_start3A_856 = arith.constant 0 : i32
    %dma_start3A_857 = tpu.memref_slice %arg14[%dma_start3A_855, %dma_start3A_856] : memref<10240x16xf32, #tpu.memory_space<vmem_shared>> -> memref<10240x16xf32, #tpu.memory_space<vmem_shared>>
    tpu.enqueue_indirect_dma source(%arg11 : memref<125x16xf32, #tpu.memory_space<vmem>>) target(%dma_start3A_857 : memref<10240x16xf32, #tpu.memory_space<vmem_shared>>) offsets(%dma_start3A_854 : memref<125xi32, #tpu.memory_space<vmem>>) semaphore(%arg17 : memref<!tpu.dma_semaphore, #tpu.memory_space<semaphore_mem>>) {add = true}
    %dma_wait3A_858 = arith.constant 1 : i32
    %dma_wait3A_859 = arith.constant 1 : i32
    %dma_wait3A_860 = arith.constant 1 : i32
    %dma_wait3A_861 = arith.constant 0 : i32
    %dma_wait3A_862 = arith.constant 0 : i32
    %dma_wait3A_863 = tpu.memref_slice %arg10[%dma_wait3A_859, %dma_wait3A_861, %dma_wait3A_862] : memref<2x125x64xf32, #tpu.memory_space<vmem>> -> memref<1x125x64xf32, #tpu.memory_space<vmem>>
    %dma_wait3A_864 = tpu.memref_squeeze %dma_wait3A_863 : memref<1x125x64xf32, #tpu.memory_space<vmem>> -> memref<125x64xf32, #tpu.memory_space<vmem>>
    %dma_wait3A_865 = arith.constant 0 : i32
    %dma_wait3A_866 = tpu.memref_slice %arg8[%dma_wait3A_858, %dma_wait3A_865] : memref<80x125xi32, #tpu.memory_space<vmem>> -> memref<1x125xi32, #tpu.memory_space<vmem>>
    %dma_wait3A_867 = tpu.memref_squeeze %dma_wait3A_866 : memref<1x125xi32, #tpu.memory_space<vmem>> -> memref<125xi32, #tpu.memory_space<vmem>>
    %dma_wait3A_868 = arith.constant 0 : i32
    %dma_wait3A_869 = arith.constant 0 : i32
    %dma_wait3A_870 = tpu.memref_slice %arg12[%dma_wait3A_868, %dma_wait3A_869] : memref<10000x64xf32, #tpu.memory_space<vmem_shared>> -> memref<10000x64xf32, #tpu.memory_space<vmem_shared>>
    %dma_wait3A_871 = tpu.memref_slice %arg15[%dma_wait3A_860] : memref<2x!tpu.dma_semaphore, #tpu.memory_space<semaphore_mem>> -> memref<1x!tpu.dma_semaphore, #tpu.memory_space<semaphore_mem>>
    %dma_wait3A_872 = tpu.memref_squeeze %dma_wait3A_871 : memref<1x!tpu.dma_semaphore, #tpu.memory_space<semaphore_mem>> -> memref<!tpu.dma_semaphore, #tpu.memory_space<semaphore_mem>>
    tpu.wait_indirect_dma semaphore(%dma_wait3A_872 : memref<!tpu.dma_semaphore, #tpu.memory_space<semaphore_mem>>) src(%dma_wait3A_870 : memref<10000x64xf32, #tpu.memory_space<vmem_shared>>) dst(%dma_wait3A_864 : memref<125x64xf32, #tpu.memory_space<vmem>>)
    %dma_start3A_873 = arith.constant 1 : i32
    %dma_start3A_874 = arith.constant 1 : i32
    %dma_start3A_875 = arith.constant 1 : i32
    %dma_start3A_876 = arith.constant 0 : i32
    %dma_start3A_877 = arith.constant 0 : i32
    %dma_start3A_878 = tpu.memref_slice %arg10[%dma_start3A_873, %dma_start3A_876, %dma_start3A_877] : memref<2x125x64xf32, #tpu.memory_space<vmem>> -> memref<1x125x64xf32, #tpu.memory_space<vmem>>
    %dma_start3A_879 = tpu.memref_squeeze %dma_start3A_878 : memref<1x125x64xf32, #tpu.memory_space<vmem>> -> memref<125x64xf32, #tpu.memory_space<vmem>>
    %dma_start3A_880 = arith.constant 0 : i32
    %dma_start3A_881 = tpu.memref_slice %arg9[%dma_start3A_874, %dma_start3A_880] : memref<80x125xi32, #tpu.memory_space<vmem>> -> memref<1x125xi32, #tpu.memory_space<vmem>>
    %dma_start3A_882 = tpu.memref_squeeze %dma_start3A_881 : memref<1x125xi32, #tpu.memory_space<vmem>> -> memref<125xi32, #tpu.memory_space<vmem>>
    %dma_start3A_883 = arith.constant 0 : i32
    %dma_start3A_884 = arith.constant 0 : i32
    %dma_start3A_885 = tpu.memref_slice %arg13[%dma_start3A_883, %dma_start3A_884] : memref<10240x64xf32, #tpu.memory_space<vmem_shared>> -> memref<10240x64xf32, #tpu.memory_space<vmem_shared>>
    %dma_start3A_886 = tpu.memref_slice %arg16[%dma_start3A_875] : memref<2x!tpu.dma_semaphore, #tpu.memory_space<semaphore_mem>> -> memref<1x!tpu.dma_semaphore, #tpu.memory_space<semaphore_mem>>
    %dma_start3A_887 = tpu.memref_squeeze %dma_start3A_886 : memref<1x!tpu.dma_semaphore, #tpu.memory_space<semaphore_mem>> -> memref<!tpu.dma_semaphore, #tpu.memory_space<semaphore_mem>>
    tpu.enqueue_indirect_dma source(%dma_start3A_879 : memref<125x64xf32, #tpu.memory_space<vmem>>) target(%dma_start3A_885 : memref<10240x64xf32, #tpu.memory_space<vmem_shared>>) offsets(%dma_start3A_882 : memref<125xi32, #tpu.memory_space<vmem>>) semaphore(%dma_start3A_887 : memref<!tpu.dma_semaphore, #tpu.memory_space<semaphore_mem>>) {add = true}
    %dma_wait3A_888 = arith.constant 0 : i32
    %dma_wait3A_889 = arith.constant 0 : i32
    %dma_wait3A_890 = tpu.memref_slice %arg9[%dma_wait3A_888, %dma_wait3A_889] : memref<80x125xi32, #tpu.memory_space<vmem>> -> memref<1x125xi32, #tpu.memory_space<vmem>>
    %dma_wait3A_891 = tpu.memref_squeeze %dma_wait3A_890 : memref<1x125xi32, #tpu.memory_space<vmem>> -> memref<125xi32, #tpu.memory_space<vmem>>
    %dma_wait3A_892 = arith.constant 0 : i32
    %dma_wait3A_893 = arith.constant 0 : i32
    %dma_wait3A_894 = tpu.memref_slice %arg14[%dma_wait3A_892, %dma_wait3A_893] : memref<10240x16xf32, #tpu.memory_space<vmem_shared>> -> memref<10240x16xf32, #tpu.memory_space<vmem_shared>>
    tpu.wait_indirect_dma semaphore(%arg17 : memref<!tpu.dma_semaphore, #tpu.memory_space<semaphore_mem>>) src(%arg11 : memref<125x16xf32, #tpu.memory_space<vmem>>) dst(%dma_wait3A_894 : memref<10240x16xf32, #tpu.memory_space<vmem_shared>>)
    %scan3A = arith.constant 0 : i32
    %scan3A_895 = arith.constant 1 : i32
    %scan3A_896 = arith.constant 38 : i32
    %scan3A_897 = arith.addi %scan3A_895, %scan3A_896 : i32
    %scan3A_898 = arith.constant 1 : i32
    scf.for %scan3A_1056 = %scan3A_895 to %scan3A_897 step %scan3A_898  : i32 {
      %mul3A_1057 = arith.constant 2 : i32
      %mul3A_1058 = arith.muli %scan3A_1056, %mul3A_1057 : i32
      %add3A_1059 = arith.constant 0 : i32
      %add3A_1060 = arith.addi %mul3A_1058, %add3A_1059 : i32
      %sub3A = arith.constant 1 : i32
      %sub3A_1061 = arith.subi %add3A_1060, %sub3A : i32
      %dma_wait3A_1062 = arith.constant 1 : i32
      %dma_wait3A_1063 = arith.constant 1 : i32
      %dma_wait3A_1064 = arith.constant 0 : i32
      %dma_wait3A_1065 = arith.constant 0 : i32
      %dma_wait3A_1066 = tpu.memref_slice %arg10[%dma_wait3A_1062, %dma_wait3A_1064, %dma_wait3A_1065] : memref<2x125x64xf32, #tpu.memory_space<vmem>> -> memref<1x125x64xf32, #tpu.memory_space<vmem>>
      %dma_wait3A_1067 = tpu.memref_squeeze %dma_wait3A_1066 : memref<1x125x64xf32, #tpu.memory_space<vmem>> -> memref<125x64xf32, #tpu.memory_space<vmem>>
      %dma_wait3A_1068 = arith.constant 0 : i32
      %dma_wait3A_1069 = tpu.memref_slice %arg9[%sub3A_1061, %dma_wait3A_1068] : memref<80x125xi32, #tpu.memory_space<vmem>> -> memref<1x125xi32, #tpu.memory_space<vmem>>
      %dma_wait3A_1070 = tpu.memref_squeeze %dma_wait3A_1069 : memref<1x125xi32, #tpu.memory_space<vmem>> -> memref<125xi32, #tpu.memory_space<vmem>>
      %dma_wait3A_1071 = arith.constant 0 : i32
      %dma_wait3A_1072 = arith.constant 0 : i32
      %dma_wait3A_1073 = tpu.memref_slice %arg13[%dma_wait3A_1071, %dma_wait3A_1072] : memref<10240x64xf32, #tpu.memory_space<vmem_shared>> -> memref<10240x64xf32, #tpu.memory_space<vmem_shared>>
      %dma_wait3A_1074 = tpu.memref_slice %arg16[%dma_wait3A_1063] : memref<2x!tpu.dma_semaphore, #tpu.memory_space<semaphore_mem>> -> memref<1x!tpu.dma_semaphore, #tpu.memory_space<semaphore_mem>>
      %dma_wait3A_1075 = tpu.memref_squeeze %dma_wait3A_1074 : memref<1x!tpu.dma_semaphore, #tpu.memory_space<semaphore_mem>> -> memref<!tpu.dma_semaphore, #tpu.memory_space<semaphore_mem>>
      tpu.wait_indirect_dma semaphore(%dma_wait3A_1075 : memref<!tpu.dma_semaphore, #tpu.memory_space<semaphore_mem>>) src(%dma_wait3A_1067 : memref<125x64xf32, #tpu.memory_space<vmem>>) dst(%dma_wait3A_1073 : memref<10240x64xf32, #tpu.memory_space<vmem_shared>>)
      %add3A_1076 = arith.constant 1 : i32
      %add3A_1077 = arith.addi %add3A_1060, %add3A_1076 : i32
      %dma_start3A_1078 = arith.constant 1 : i32
      %dma_start3A_1079 = arith.constant 1 : i32
      %dma_start3A_1080 = arith.constant 0 : i32
      %dma_start3A_1081 = arith.constant 0 : i32
      %dma_start3A_1082 = tpu.memref_slice %arg10[%dma_start3A_1078, %dma_start3A_1080, %dma_start3A_1081] : memref<2x125x64xf32, #tpu.memory_space<vmem>> -> memref<1x125x64xf32, #tpu.memory_space<vmem>>
      %dma_start3A_1083 = tpu.memref_squeeze %dma_start3A_1082 : memref<1x125x64xf32, #tpu.memory_space<vmem>> -> memref<125x64xf32, #tpu.memory_space<vmem>>
      %dma_start3A_1084 = arith.constant 0 : i32
      %dma_start3A_1085 = tpu.memref_slice %arg8[%add3A_1077, %dma_start3A_1084] : memref<80x125xi32, #tpu.memory_space<vmem>> -> memref<1x125xi32, #tpu.memory_space<vmem>>
      %dma_start3A_1086 = tpu.memref_squeeze %dma_start3A_1085 : memref<1x125xi32, #tpu.memory_space<vmem>> -> memref<125xi32, #tpu.memory_space<vmem>>
      %dma_start3A_1087 = arith.constant 0 : i32
      %dma_start3A_1088 = arith.constant 0 : i32
      %dma_start3A_1089 = tpu.memref_slice %arg12[%dma_start3A_1087, %dma_start3A_1088] : memref<10000x64xf32, #tpu.memory_space<vmem_shared>> -> memref<10000x64xf32, #tpu.memory_space<vmem_shared>>
      %dma_start3A_1090 = tpu.memref_slice %arg15[%dma_start3A_1079] : memref<2x!tpu.dma_semaphore, #tpu.memory_space<semaphore_mem>> -> memref<1x!tpu.dma_semaphore, #tpu.memory_space<semaphore_mem>>
      %dma_start3A_1091 = tpu.memref_squeeze %dma_start3A_1090 : memref<1x!tpu.dma_semaphore, #tpu.memory_space<semaphore_mem>> -> memref<!tpu.dma_semaphore, #tpu.memory_space<semaphore_mem>>
      tpu.enqueue_indirect_dma source(%dma_start3A_1089 : memref<10000x64xf32, #tpu.memory_space<vmem_shared>>) target(%dma_start3A_1083 : memref<125x64xf32, #tpu.memory_space<vmem>>) offsets(%dma_start3A_1086 : memref<125xi32, #tpu.memory_space<vmem>>) semaphore(%dma_start3A_1091 : memref<!tpu.dma_semaphore, #tpu.memory_space<semaphore_mem>>)
      %dma_start3A_1092 = arith.constant 0 : i32
      %dma_start3A_1093 = tpu.memref_slice %arg9[%add3A_1060, %dma_start3A_1092] : memref<80x125xi32, #tpu.memory_space<vmem>> -> memref<1x125xi32, #tpu.memory_space<vmem>>
      %dma_start3A_1094 = tpu.memref_squeeze %dma_start3A_1093 : memref<1x125xi32, #tpu.memory_space<vmem>> -> memref<125xi32, #tpu.memory_space<vmem>>
      %dma_start3A_1095 = arith.constant 0 : i32
      %dma_start3A_1096 = arith.constant 0 : i32
      %dma_start3A_1097 = tpu.memref_slice %arg14[%dma_start3A_1095, %dma_start3A_1096] : memref<10240x16xf32, #tpu.memory_space<vmem_shared>> -> memref<10240x16xf32, #tpu.memory_space<vmem_shared>>
      tpu.enqueue_indirect_dma source(%arg11 : memref<125x16xf32, #tpu.memory_space<vmem>>) target(%dma_start3A_1097 : memref<10240x16xf32, #tpu.memory_space<vmem_shared>>) offsets(%dma_start3A_1094 : memref<125xi32, #tpu.memory_space<vmem>>) semaphore(%arg17 : memref<!tpu.dma_semaphore, #tpu.memory_space<semaphore_mem>>) {add = true}
      %dma_wait3A_1098 = arith.constant 0 : i32
      %dma_wait3A_1099 = arith.constant 0 : i32
      %dma_wait3A_1100 = arith.constant 0 : i32
      %dma_wait3A_1101 = arith.constant 0 : i32
      %dma_wait3A_1102 = tpu.memref_slice %arg10[%dma_wait3A_1098, %dma_wait3A_1100, %dma_wait3A_1101] : memref<2x125x64xf32, #tpu.memory_space<vmem>> -> memref<1x125x64xf32, #tpu.memory_space<vmem>>
      %dma_wait3A_1103 = tpu.memref_squeeze %dma_wait3A_1102 : memref<1x125x64xf32, #tpu.memory_space<vmem>> -> memref<125x64xf32, #tpu.memory_space<vmem>>
      %dma_wait3A_1104 = arith.constant 0 : i32
      %dma_wait3A_1105 = tpu.memref_slice %arg8[%add3A_1060, %dma_wait3A_1104] : memref<80x125xi32, #tpu.memory_space<vmem>> -> memref<1x125xi32, #tpu.memory_space<vmem>>
      %dma_wait3A_1106 = tpu.memref_squeeze %dma_wait3A_1105 : memref<1x125xi32, #tpu.memory_space<vmem>> -> memref<125xi32, #tpu.memory_space<vmem>>
      %dma_wait3A_1107 = arith.constant 0 : i32
      %dma_wait3A_1108 = arith.constant 0 : i32
      %dma_wait3A_1109 = tpu.memref_slice %arg12[%dma_wait3A_1107, %dma_wait3A_1108] : memref<10000x64xf32, #tpu.memory_space<vmem_shared>> -> memref<10000x64xf32, #tpu.memory_space<vmem_shared>>
      %dma_wait3A_1110 = tpu.memref_slice %arg15[%dma_wait3A_1099] : memref<2x!tpu.dma_semaphore, #tpu.memory_space<semaphore_mem>> -> memref<1x!tpu.dma_semaphore, #tpu.memory_space<semaphore_mem>>
      %dma_wait3A_1111 = tpu.memref_squeeze %dma_wait3A_1110 : memref<1x!tpu.dma_semaphore, #tpu.memory_space<semaphore_mem>> -> memref<!tpu.dma_semaphore, #tpu.memory_space<semaphore_mem>>
      tpu.wait_indirect_dma semaphore(%dma_wait3A_1111 : memref<!tpu.dma_semaphore, #tpu.memory_space<semaphore_mem>>) src(%dma_wait3A_1109 : memref<10000x64xf32, #tpu.memory_space<vmem_shared>>) dst(%dma_wait3A_1103 : memref<125x64xf32, #tpu.memory_space<vmem>>)
      %dma_start3A_1112 = arith.constant 0 : i32
      %dma_start3A_1113 = arith.constant 0 : i32
      %dma_start3A_1114 = arith.constant 0 : i32
      %dma_start3A_1115 = arith.constant 0 : i32
      %dma_start3A_1116 = tpu.memref_slice %arg10[%dma_start3A_1112, %dma_start3A_1114, %dma_start3A_1115] : memref<2x125x64xf32, #tpu.memory_space<vmem>> -> memref<1x125x64xf32, #tpu.memory_space<vmem>>
      %dma_start3A_1117 = tpu.memref_squeeze %dma_start3A_1116 : memref<1x125x64xf32, #tpu.memory_space<vmem>> -> memref<125x64xf32, #tpu.memory_space<vmem>>
      %dma_start3A_1118 = arith.constant 0 : i32
      %dma_start3A_1119 = tpu.memref_slice %arg9[%add3A_1060, %dma_start3A_1118] : memref<80x125xi32, #tpu.memory_space<vmem>> -> memref<1x125xi32, #tpu.memory_space<vmem>>
      %dma_start3A_1120 = tpu.memref_squeeze %dma_start3A_1119 : memref<1x125xi32, #tpu.memory_space<vmem>> -> memref<125xi32, #tpu.memory_space<vmem>>
      %dma_start3A_1121 = arith.constant 0 : i32
      %dma_start3A_1122 = arith.constant 0 : i32
      %dma_start3A_1123 = tpu.memref_slice %arg13[%dma_start3A_1121, %dma_start3A_1122] : memref<10240x64xf32, #tpu.memory_space<vmem_shared>> -> memref<10240x64xf32, #tpu.memory_space<vmem_shared>>
      %dma_start3A_1124 = tpu.memref_slice %arg16[%dma_start3A_1113] : memref<2x!tpu.dma_semaphore, #tpu.memory_space<semaphore_mem>> -> memref<1x!tpu.dma_semaphore, #tpu.memory_space<semaphore_mem>>
      %dma_start3A_1125 = tpu.memref_squeeze %dma_start3A_1124 : memref<1x!tpu.dma_semaphore, #tpu.memory_space<semaphore_mem>> -> memref<!tpu.dma_semaphore, #tpu.memory_space<semaphore_mem>>
      tpu.enqueue_indirect_dma source(%dma_start3A_1117 : memref<125x64xf32, #tpu.memory_space<vmem>>) target(%dma_start3A_1123 : memref<10240x64xf32, #tpu.memory_space<vmem_shared>>) offsets(%dma_start3A_1120 : memref<125xi32, #tpu.memory_space<vmem>>) semaphore(%dma_start3A_1125 : memref<!tpu.dma_semaphore, #tpu.memory_space<semaphore_mem>>) {add = true}
      %sub3A_1126 = arith.constant 1 : i32
      %sub3A_1127 = arith.subi %add3A_1060, %sub3A_1126 : i32
      %dma_wait3A_1128 = arith.constant 0 : i32
      %dma_wait3A_1129 = tpu.memref_slice %arg9[%sub3A_1127, %dma_wait3A_1128] : memref<80x125xi32, #tpu.memory_space<vmem>> -> memref<1x125xi32, #tpu.memory_space<vmem>>
      %dma_wait3A_1130 = tpu.memref_squeeze %dma_wait3A_1129 : memref<1x125xi32, #tpu.memory_space<vmem>> -> memref<125xi32, #tpu.memory_space<vmem>>
      %dma_wait3A_1131 = arith.constant 0 : i32
      %dma_wait3A_1132 = arith.constant 0 : i32
      %dma_wait3A_1133 = tpu.memref_slice %arg14[%dma_wait3A_1131, %dma_wait3A_1132] : memref<10240x16xf32, #tpu.memory_space<vmem_shared>> -> memref<10240x16xf32, #tpu.memory_space<vmem_shared>>
      tpu.wait_indirect_dma semaphore(%arg17 : memref<!tpu.dma_semaphore, #tpu.memory_space<semaphore_mem>>) src(%arg11 : memref<125x16xf32, #tpu.memory_space<vmem>>) dst(%dma_wait3A_1133 : memref<10240x16xf32, #tpu.memory_space<vmem_shared>>)
      %add3A_1134 = arith.constant 1 : i32
      %add3A_1135 = arith.addi %mul3A_1058, %add3A_1134 : i32
      %sub3A_1136 = arith.constant 1 : i32
      %sub3A_1137 = arith.subi %add3A_1135, %sub3A_1136 : i32
      %dma_wait3A_1138 = arith.constant 0 : i32
      %dma_wait3A_1139 = arith.constant 0 : i32
      %dma_wait3A_1140 = arith.constant 0 : i32
      %dma_wait3A_1141 = arith.constant 0 : i32
      %dma_wait3A_1142 = tpu.memref_slice %arg10[%dma_wait3A_1138, %dma_wait3A_1140, %dma_wait3A_1141] : memref<2x125x64xf32, #tpu.memory_space<vmem>> -> memref<1x125x64xf32, #tpu.memory_space<vmem>>
      %dma_wait3A_1143 = tpu.memref_squeeze %dma_wait3A_1142 : memref<1x125x64xf32, #tpu.memory_space<vmem>> -> memref<125x64xf32, #tpu.memory_space<vmem>>
      %dma_wait3A_1144 = arith.constant 0 : i32
      %dma_wait3A_1145 = tpu.memref_slice %arg9[%sub3A_1137, %dma_wait3A_1144] : memref<80x125xi32, #tpu.memory_space<vmem>> -> memref<1x125xi32, #tpu.memory_space<vmem>>
      %dma_wait3A_1146 = tpu.memref_squeeze %dma_wait3A_1145 : memref<1x125xi32, #tpu.memory_space<vmem>> -> memref<125xi32, #tpu.memory_space<vmem>>
      %dma_wait3A_1147 = arith.constant 0 : i32
      %dma_wait3A_1148 = arith.constant 0 : i32
      %dma_wait3A_1149 = tpu.memref_slice %arg13[%dma_wait3A_1147, %dma_wait3A_1148] : memref<10240x64xf32, #tpu.memory_space<vmem_shared>> -> memref<10240x64xf32, #tpu.memory_space<vmem_shared>>
      %dma_wait3A_1150 = tpu.memref_slice %arg16[%dma_wait3A_1139] : memref<2x!tpu.dma_semaphore, #tpu.memory_space<semaphore_mem>> -> memref<1x!tpu.dma_semaphore, #tpu.memory_space<semaphore_mem>>
      %dma_wait3A_1151 = tpu.memref_squeeze %dma_wait3A_1150 : memref<1x!tpu.dma_semaphore, #tpu.memory_space<semaphore_mem>> -> memref<!tpu.dma_semaphore, #tpu.memory_space<semaphore_mem>>
      tpu.wait_indirect_dma semaphore(%dma_wait3A_1151 : memref<!tpu.dma_semaphore, #tpu.memory_space<semaphore_mem>>) src(%dma_wait3A_1143 : memref<125x64xf32, #tpu.memory_space<vmem>>) dst(%dma_wait3A_1149 : memref<10240x64xf32, #tpu.memory_space<vmem_shared>>)
      %add3A_1152 = arith.constant 1 : i32
      %add3A_1153 = arith.addi %add3A_1135, %add3A_1152 : i32
      %dma_start3A_1154 = arith.constant 0 : i32
      %dma_start3A_1155 = arith.constant 0 : i32
      %dma_start3A_1156 = arith.constant 0 : i32
      %dma_start3A_1157 = arith.constant 0 : i32
      %dma_start3A_1158 = tpu.memref_slice %arg10[%dma_start3A_1154, %dma_start3A_1156, %dma_start3A_1157] : memref<2x125x64xf32, #tpu.memory_space<vmem>> -> memref<1x125x64xf32, #tpu.memory_space<vmem>>
      %dma_start3A_1159 = tpu.memref_squeeze %dma_start3A_1158 : memref<1x125x64xf32, #tpu.memory_space<vmem>> -> memref<125x64xf32, #tpu.memory_space<vmem>>
      %dma_start3A_1160 = arith.constant 0 : i32
      %dma_start3A_1161 = tpu.memref_slice %arg8[%add3A_1153, %dma_start3A_1160] : memref<80x125xi32, #tpu.memory_space<vmem>> -> memref<1x125xi32, #tpu.memory_space<vmem>>
      %dma_start3A_1162 = tpu.memref_squeeze %dma_start3A_1161 : memref<1x125xi32, #tpu.memory_space<vmem>> -> memref<125xi32, #tpu.memory_space<vmem>>
      %dma_start3A_1163 = arith.constant 0 : i32
      %dma_start3A_1164 = arith.constant 0 : i32
      %dma_start3A_1165 = tpu.memref_slice %arg12[%dma_start3A_1163, %dma_start3A_1164] : memref<10000x64xf32, #tpu.memory_space<vmem_shared>> -> memref<10000x64xf32, #tpu.memory_space<vmem_shared>>
      %dma_start3A_1166 = tpu.memref_slice %arg15[%dma_start3A_1155] : memref<2x!tpu.dma_semaphore, #tpu.memory_space<semaphore_mem>> -> memref<1x!tpu.dma_semaphore, #tpu.memory_space<semaphore_mem>>
      %dma_start3A_1167 = tpu.memref_squeeze %dma_start3A_1166 : memref<1x!tpu.dma_semaphore, #tpu.memory_space<semaphore_mem>> -> memref<!tpu.dma_semaphore, #tpu.memory_space<semaphore_mem>>
      tpu.enqueue_indirect_dma source(%dma_start3A_1165 : memref<10000x64xf32, #tpu.memory_space<vmem_shared>>) target(%dma_start3A_1159 : memref<125x64xf32, #tpu.memory_space<vmem>>) offsets(%dma_start3A_1162 : memref<125xi32, #tpu.memory_space<vmem>>) semaphore(%dma_start3A_1167 : memref<!tpu.dma_semaphore, #tpu.memory_space<semaphore_mem>>)
      %dma_start3A_1168 = arith.constant 0 : i32
      %dma_start3A_1169 = tpu.memref_slice %arg9[%add3A_1135, %dma_start3A_1168] : memref<80x125xi32, #tpu.memory_space<vmem>> -> memref<1x125xi32, #tpu.memory_space<vmem>>
      %dma_start3A_1170 = tpu.memref_squeeze %dma_start3A_1169 : memref<1x125xi32, #tpu.memory_space<vmem>> -> memref<125xi32, #tpu.memory_space<vmem>>
      %dma_start3A_1171 = arith.constant 0 : i32
      %dma_start3A_1172 = arith.constant 0 : i32
      %dma_start3A_1173 = tpu.memref_slice %arg14[%dma_start3A_1171, %dma_start3A_1172] : memref<10240x16xf32, #tpu.memory_space<vmem_shared>> -> memref<10240x16xf32, #tpu.memory_space<vmem_shared>>
      tpu.enqueue_indirect_dma source(%arg11 : memref<125x16xf32, #tpu.memory_space<vmem>>) target(%dma_start3A_1173 : memref<10240x16xf32, #tpu.memory_space<vmem_shared>>) offsets(%dma_start3A_1170 : memref<125xi32, #tpu.memory_space<vmem>>) semaphore(%arg17 : memref<!tpu.dma_semaphore, #tpu.memory_space<semaphore_mem>>) {add = true}
      %dma_wait3A_1174 = arith.constant 1 : i32
      %dma_wait3A_1175 = arith.constant 1 : i32
      %dma_wait3A_1176 = arith.constant 0 : i32
      %dma_wait3A_1177 = arith.constant 0 : i32
      %dma_wait3A_1178 = tpu.memref_slice %arg10[%dma_wait3A_1174, %dma_wait3A_1176, %dma_wait3A_1177] : memref<2x125x64xf32, #tpu.memory_space<vmem>> -> memref<1x125x64xf32, #tpu.memory_space<vmem>>
      %dma_wait3A_1179 = tpu.memref_squeeze %dma_wait3A_1178 : memref<1x125x64xf32, #tpu.memory_space<vmem>> -> memref<125x64xf32, #tpu.memory_space<vmem>>
      %dma_wait3A_1180 = arith.constant 0 : i32
      %dma_wait3A_1181 = tpu.memref_slice %arg8[%add3A_1135, %dma_wait3A_1180] : memref<80x125xi32, #tpu.memory_space<vmem>> -> memref<1x125xi32, #tpu.memory_space<vmem>>
      %dma_wait3A_1182 = tpu.memref_squeeze %dma_wait3A_1181 : memref<1x125xi32, #tpu.memory_space<vmem>> -> memref<125xi32, #tpu.memory_space<vmem>>
      %dma_wait3A_1183 = arith.constant 0 : i32
      %dma_wait3A_1184 = arith.constant 0 : i32
      %dma_wait3A_1185 = tpu.memref_slice %arg12[%dma_wait3A_1183, %dma_wait3A_1184] : memref<10000x64xf32, #tpu.memory_space<vmem_shared>> -> memref<10000x64xf32, #tpu.memory_space<vmem_shared>>
      %dma_wait3A_1186 = tpu.memref_slice %arg15[%dma_wait3A_1175] : memref<2x!tpu.dma_semaphore, #tpu.memory_space<semaphore_mem>> -> memref<1x!tpu.dma_semaphore, #tpu.memory_space<semaphore_mem>>
      %dma_wait3A_1187 = tpu.memref_squeeze %dma_wait3A_1186 : memref<1x!tpu.dma_semaphore, #tpu.memory_space<semaphore_mem>> -> memref<!tpu.dma_semaphore, #tpu.memory_space<semaphore_mem>>
      tpu.wait_indirect_dma semaphore(%dma_wait3A_1187 : memref<!tpu.dma_semaphore, #tpu.memory_space<semaphore_mem>>) src(%dma_wait3A_1185 : memref<10000x64xf32, #tpu.memory_space<vmem_shared>>) dst(%dma_wait3A_1179 : memref<125x64xf32, #tpu.memory_space<vmem>>)
      %dma_start3A_1188 = arith.constant 1 : i32
      %dma_start3A_1189 = arith.constant 1 : i32
      %dma_start3A_1190 = arith.constant 0 : i32
      %dma_start3A_1191 = arith.constant 0 : i32
      %dma_start3A_1192 = tpu.memref_slice %arg10[%dma_start3A_1188, %dma_start3A_1190, %dma_start3A_1191] : memref<2x125x64xf32, #tpu.memory_space<vmem>> -> memref<1x125x64xf32, #tpu.memory_space<vmem>>
      %dma_start3A_1193 = tpu.memref_squeeze %dma_start3A_1192 : memref<1x125x64xf32, #tpu.memory_space<vmem>> -> memref<125x64xf32, #tpu.memory_space<vmem>>
      %dma_start3A_1194 = arith.constant 0 : i32
      %dma_start3A_1195 = tpu.memref_slice %arg9[%add3A_1135, %dma_start3A_1194] : memref<80x125xi32, #tpu.memory_space<vmem>> -> memref<1x125xi32, #tpu.memory_space<vmem>>
      %dma_start3A_1196 = tpu.memref_squeeze %dma_start3A_1195 : memref<1x125xi32, #tpu.memory_space<vmem>> -> memref<125xi32, #tpu.memory_space<vmem>>
      %dma_start3A_1197 = arith.constant 0 : i32
      %dma_start3A_1198 = arith.constant 0 : i32
      %dma_start3A_1199 = tpu.memref_slice %arg13[%dma_start3A_1197, %dma_start3A_1198] : memref<10240x64xf32, #tpu.memory_space<vmem_shared>> -> memref<10240x64xf32, #tpu.memory_space<vmem_shared>>
      %dma_start3A_1200 = tpu.memref_slice %arg16[%dma_start3A_1189] : memref<2x!tpu.dma_semaphore, #tpu.memory_space<semaphore_mem>> -> memref<1x!tpu.dma_semaphore, #tpu.memory_space<semaphore_mem>>
      %dma_start3A_1201 = tpu.memref_squeeze %dma_start3A_1200 : memref<1x!tpu.dma_semaphore, #tpu.memory_space<semaphore_mem>> -> memref<!tpu.dma_semaphore, #tpu.memory_space<semaphore_mem>>
      tpu.enqueue_indirect_dma source(%dma_start3A_1193 : memref<125x64xf32, #tpu.memory_space<vmem>>) target(%dma_start3A_1199 : memref<10240x64xf32, #tpu.memory_space<vmem_shared>>) offsets(%dma_start3A_1196 : memref<125xi32, #tpu.memory_space<vmem>>) semaphore(%dma_start3A_1201 : memref<!tpu.dma_semaphore, #tpu.memory_space<semaphore_mem>>) {add = true}
      %sub3A_1202 = arith.constant 1 : i32
      %sub3A_1203 = arith.subi %add3A_1135, %sub3A_1202 : i32
      %dma_wait3A_1204 = arith.constant 0 : i32
      %dma_wait3A_1205 = tpu.memref_slice %arg9[%sub3A_1203, %dma_wait3A_1204] : memref<80x125xi32, #tpu.memory_space<vmem>> -> memref<1x125xi32, #tpu.memory_space<vmem>>
      %dma_wait3A_1206 = tpu.memref_squeeze %dma_wait3A_1205 : memref<1x125xi32, #tpu.memory_space<vmem>> -> memref<125xi32, #tpu.memory_space<vmem>>
      %dma_wait3A_1207 = arith.constant 0 : i32
      %dma_wait3A_1208 = arith.constant 0 : i32
      %dma_wait3A_1209 = tpu.memref_slice %arg14[%dma_wait3A_1207, %dma_wait3A_1208] : memref<10240x16xf32, #tpu.memory_space<vmem_shared>> -> memref<10240x16xf32, #tpu.memory_space<vmem_shared>>
      tpu.wait_indirect_dma semaphore(%arg17 : memref<!tpu.dma_semaphore, #tpu.memory_space<semaphore_mem>>) src(%arg11 : memref<125x16xf32, #tpu.memory_space<vmem>>) dst(%dma_wait3A_1209 : memref<10240x16xf32, #tpu.memory_space<vmem_shared>>)
    }
    %scan3A_899 = arith.constant 38 : i32
    %dma_wait3A_900 = arith.constant 1 : i32
    %dma_wait3A_901 = arith.constant 77 : i32
    %dma_wait3A_902 = arith.constant 1 : i32
    %dma_wait3A_903 = arith.constant 0 : i32
    %dma_wait3A_904 = arith.constant 0 : i32
    %dma_wait3A_905 = tpu.memref_slice %arg10[%dma_wait3A_900, %dma_wait3A_903, %dma_wait3A_904] : memref<2x125x64xf32, #tpu.memory_space<vmem>> -> memref<1x125x64xf32, #tpu.memory_space<vmem>>
    %dma_wait3A_906 = tpu.memref_squeeze %dma_wait3A_905 : memref<1x125x64xf32, #tpu.memory_space<vmem>> -> memref<125x64xf32, #tpu.memory_space<vmem>>
    %dma_wait3A_907 = arith.constant 0 : i32
    %dma_wait3A_908 = tpu.memref_slice %arg9[%dma_wait3A_901, %dma_wait3A_907] : memref<80x125xi32, #tpu.memory_space<vmem>> -> memref<1x125xi32, #tpu.memory_space<vmem>>
    %dma_wait3A_909 = tpu.memref_squeeze %dma_wait3A_908 : memref<1x125xi32, #tpu.memory_space<vmem>> -> memref<125xi32, #tpu.memory_space<vmem>>
    %dma_wait3A_910 = arith.constant 0 : i32
    %dma_wait3A_911 = arith.constant 0 : i32
    %dma_wait3A_912 = tpu.memref_slice %arg13[%dma_wait3A_910, %dma_wait3A_911] : memref<10240x64xf32, #tpu.memory_space<vmem_shared>> -> memref<10240x64xf32, #tpu.memory_space<vmem_shared>>
    %dma_wait3A_913 = tpu.memref_slice %arg16[%dma_wait3A_902] : memref<2x!tpu.dma_semaphore, #tpu.memory_space<semaphore_mem>> -> memref<1x!tpu.dma_semaphore, #tpu.memory_space<semaphore_mem>>
    %dma_wait3A_914 = tpu.memref_squeeze %dma_wait3A_913 : memref<1x!tpu.dma_semaphore, #tpu.memory_space<semaphore_mem>> -> memref<!tpu.dma_semaphore, #tpu.memory_space<semaphore_mem>>
    tpu.wait_indirect_dma semaphore(%dma_wait3A_914 : memref<!tpu.dma_semaphore, #tpu.memory_space<semaphore_mem>>) src(%dma_wait3A_906 : memref<125x64xf32, #tpu.memory_space<vmem>>) dst(%dma_wait3A_912 : memref<10240x64xf32, #tpu.memory_space<vmem_shared>>)
    %dma_start3A_915 = arith.constant 79 : i32
    %dma_start3A_916 = arith.constant 1 : i32
    %dma_start3A_917 = arith.constant 1 : i32
    %dma_start3A_918 = arith.constant 0 : i32
    %dma_start3A_919 = arith.constant 0 : i32
    %dma_start3A_920 = tpu.memref_slice %arg10[%dma_start3A_916, %dma_start3A_918, %dma_start3A_919] : memref<2x125x64xf32, #tpu.memory_space<vmem>> -> memref<1x125x64xf32, #tpu.memory_space<vmem>>
    %dma_start3A_921 = tpu.memref_squeeze %dma_start3A_920 : memref<1x125x64xf32, #tpu.memory_space<vmem>> -> memref<125x64xf32, #tpu.memory_space<vmem>>
    %dma_start3A_922 = arith.constant 0 : i32
    %dma_start3A_923 = tpu.memref_slice %arg8[%dma_start3A_915, %dma_start3A_922] : memref<80x125xi32, #tpu.memory_space<vmem>> -> memref<1x125xi32, #tpu.memory_space<vmem>>
    %dma_start3A_924 = tpu.memref_squeeze %dma_start3A_923 : memref<1x125xi32, #tpu.memory_space<vmem>> -> memref<125xi32, #tpu.memory_space<vmem>>
    %dma_start3A_925 = arith.constant 0 : i32
    %dma_start3A_926 = arith.constant 0 : i32
    %dma_start3A_927 = tpu.memref_slice %arg12[%dma_start3A_925, %dma_start3A_926] : memref<10000x64xf32, #tpu.memory_space<vmem_shared>> -> memref<10000x64xf32, #tpu.memory_space<vmem_shared>>
    %dma_start3A_928 = tpu.memref_slice %arg15[%dma_start3A_917] : memref<2x!tpu.dma_semaphore, #tpu.memory_space<semaphore_mem>> -> memref<1x!tpu.dma_semaphore, #tpu.memory_space<semaphore_mem>>
    %dma_start3A_929 = tpu.memref_squeeze %dma_start3A_928 : memref<1x!tpu.dma_semaphore, #tpu.memory_space<semaphore_mem>> -> memref<!tpu.dma_semaphore, #tpu.memory_space<semaphore_mem>>
    tpu.enqueue_indirect_dma source(%dma_start3A_927 : memref<10000x64xf32, #tpu.memory_space<vmem_shared>>) target(%dma_start3A_921 : memref<125x64xf32, #tpu.memory_space<vmem>>) offsets(%dma_start3A_924 : memref<125xi32, #tpu.memory_space<vmem>>) semaphore(%dma_start3A_929 : memref<!tpu.dma_semaphore, #tpu.memory_space<semaphore_mem>>)
    %dma_start3A_930 = arith.constant 78 : i32
    %dma_start3A_931 = arith.constant 0 : i32
    %dma_start3A_932 = tpu.memref_slice %arg9[%dma_start3A_930, %dma_start3A_931] : memref<80x125xi32, #tpu.memory_space<vmem>> -> memref<1x125xi32, #tpu.memory_space<vmem>>
    %dma_start3A_933 = tpu.memref_squeeze %dma_start3A_932 : memref<1x125xi32, #tpu.memory_space<vmem>> -> memref<125xi32, #tpu.memory_space<vmem>>
    %dma_start3A_934 = arith.constant 0 : i32
    %dma_start3A_935 = arith.constant 0 : i32
    %dma_start3A_936 = tpu.memref_slice %arg14[%dma_start3A_934, %dma_start3A_935] : memref<10240x16xf32, #tpu.memory_space<vmem_shared>> -> memref<10240x16xf32, #tpu.memory_space<vmem_shared>>
    tpu.enqueue_indirect_dma source(%arg11 : memref<125x16xf32, #tpu.memory_space<vmem>>) target(%dma_start3A_936 : memref<10240x16xf32, #tpu.memory_space<vmem_shared>>) offsets(%dma_start3A_933 : memref<125xi32, #tpu.memory_space<vmem>>) semaphore(%arg17 : memref<!tpu.dma_semaphore, #tpu.memory_space<semaphore_mem>>) {add = true}
    %dma_wait3A_937 = arith.constant 78 : i32
    %dma_wait3A_938 = arith.constant 0 : i32
    %dma_wait3A_939 = arith.constant 0 : i32
    %dma_wait3A_940 = arith.constant 0 : i32
    %dma_wait3A_941 = arith.constant 0 : i32
    %dma_wait3A_942 = tpu.memref_slice %arg10[%dma_wait3A_938, %dma_wait3A_940, %dma_wait3A_941] : memref<2x125x64xf32, #tpu.memory_space<vmem>> -> memref<1x125x64xf32, #tpu.memory_space<vmem>>
    %dma_wait3A_943 = tpu.memref_squeeze %dma_wait3A_942 : memref<1x125x64xf32, #tpu.memory_space<vmem>> -> memref<125x64xf32, #tpu.memory_space<vmem>>
    %dma_wait3A_944 = arith.constant 0 : i32
    %dma_wait3A_945 = tpu.memref_slice %arg8[%dma_wait3A_937, %dma_wait3A_944] : memref<80x125xi32, #tpu.memory_space<vmem>> -> memref<1x125xi32, #tpu.memory_space<vmem>>
    %dma_wait3A_946 = tpu.memref_squeeze %dma_wait3A_945 : memref<1x125xi32, #tpu.memory_space<vmem>> -> memref<125xi32, #tpu.memory_space<vmem>>
    %dma_wait3A_947 = arith.constant 0 : i32
    %dma_wait3A_948 = arith.constant 0 : i32
    %dma_wait3A_949 = tpu.memref_slice %arg12[%dma_wait3A_947, %dma_wait3A_948] : memref<10000x64xf32, #tpu.memory_space<vmem_shared>> -> memref<10000x64xf32, #tpu.memory_space<vmem_shared>>
    %dma_wait3A_950 = tpu.memref_slice %arg15[%dma_wait3A_939] : memref<2x!tpu.dma_semaphore, #tpu.memory_space<semaphore_mem>> -> memref<1x!tpu.dma_semaphore, #tpu.memory_space<semaphore_mem>>
    %dma_wait3A_951 = tpu.memref_squeeze %dma_wait3A_950 : memref<1x!tpu.dma_semaphore, #tpu.memory_space<semaphore_mem>> -> memref<!tpu.dma_semaphore, #tpu.memory_space<semaphore_mem>>
    tpu.wait_indirect_dma semaphore(%dma_wait3A_951 : memref<!tpu.dma_semaphore, #tpu.memory_space<semaphore_mem>>) src(%dma_wait3A_949 : memref<10000x64xf32, #tpu.memory_space<vmem_shared>>) dst(%dma_wait3A_943 : memref<125x64xf32, #tpu.memory_space<vmem>>)
    %dma_start3A_952 = arith.constant 0 : i32
    %dma_start3A_953 = arith.constant 78 : i32
    %dma_start3A_954 = arith.constant 0 : i32
    %dma_start3A_955 = arith.constant 0 : i32
    %dma_start3A_956 = arith.constant 0 : i32
    %dma_start3A_957 = tpu.memref_slice %arg10[%dma_start3A_952, %dma_start3A_955, %dma_start3A_956] : memref<2x125x64xf32, #tpu.memory_space<vmem>> -> memref<1x125x64xf32, #tpu.memory_space<vmem>>
    %dma_start3A_958 = tpu.memref_squeeze %dma_start3A_957 : memref<1x125x64xf32, #tpu.memory_space<vmem>> -> memref<125x64xf32, #tpu.memory_space<vmem>>
    %dma_start3A_959 = arith.constant 0 : i32
    %dma_start3A_960 = tpu.memref_slice %arg9[%dma_start3A_953, %dma_start3A_959] : memref<80x125xi32, #tpu.memory_space<vmem>> -> memref<1x125xi32, #tpu.memory_space<vmem>>
    %dma_start3A_961 = tpu.memref_squeeze %dma_start3A_960 : memref<1x125xi32, #tpu.memory_space<vmem>> -> memref<125xi32, #tpu.memory_space<vmem>>
    %dma_start3A_962 = arith.constant 0 : i32
    %dma_start3A_963 = arith.constant 0 : i32
    %dma_start3A_964 = tpu.memref_slice %arg13[%dma_start3A_962, %dma_start3A_963] : memref<10240x64xf32, #tpu.memory_space<vmem_shared>> -> memref<10240x64xf32, #tpu.memory_space<vmem_shared>>
    %dma_start3A_965 = tpu.memref_slice %arg16[%dma_start3A_954] : memref<2x!tpu.dma_semaphore, #tpu.memory_space<semaphore_mem>> -> memref<1x!tpu.dma_semaphore, #tpu.memory_space<semaphore_mem>>
    %dma_start3A_966 = tpu.memref_squeeze %dma_start3A_965 : memref<1x!tpu.dma_semaphore, #tpu.memory_space<semaphore_mem>> -> memref<!tpu.dma_semaphore, #tpu.memory_space<semaphore_mem>>
    tpu.enqueue_indirect_dma source(%dma_start3A_958 : memref<125x64xf32, #tpu.memory_space<vmem>>) target(%dma_start3A_964 : memref<10240x64xf32, #tpu.memory_space<vmem_shared>>) offsets(%dma_start3A_961 : memref<125xi32, #tpu.memory_space<vmem>>) semaphore(%dma_start3A_966 : memref<!tpu.dma_semaphore, #tpu.memory_space<semaphore_mem>>) {add = true}
    %dma_wait3A_967 = arith.constant 77 : i32
    %dma_wait3A_968 = arith.constant 0 : i32
    %dma_wait3A_969 = tpu.memref_slice %arg9[%dma_wait3A_967, %dma_wait3A_968] : memref<80x125xi32, #tpu.memory_space<vmem>> -> memref<1x125xi32, #tpu.memory_space<vmem>>
    %dma_wait3A_970 = tpu.memref_squeeze %dma_wait3A_969 : memref<1x125xi32, #tpu.memory_space<vmem>> -> memref<125xi32, #tpu.memory_space<vmem>>
    %dma_wait3A_971 = arith.constant 0 : i32
    %dma_wait3A_972 = arith.constant 0 : i32
    %dma_wait3A_973 = tpu.memref_slice %arg14[%dma_wait3A_971, %dma_wait3A_972] : memref<10240x16xf32, #tpu.memory_space<vmem_shared>> -> memref<10240x16xf32, #tpu.memory_space<vmem_shared>>
    tpu.wait_indirect_dma semaphore(%arg17 : memref<!tpu.dma_semaphore, #tpu.memory_space<semaphore_mem>>) src(%arg11 : memref<125x16xf32, #tpu.memory_space<vmem>>) dst(%dma_wait3A_973 : memref<10240x16xf32, #tpu.memory_space<vmem_shared>>)
    %dma_wait3A_974 = arith.constant 0 : i32
    %dma_wait3A_975 = arith.constant 78 : i32
    %dma_wait3A_976 = arith.constant 0 : i32
    %dma_wait3A_977 = arith.constant 0 : i32
    %dma_wait3A_978 = arith.constant 0 : i32
    %dma_wait3A_979 = tpu.memref_slice %arg10[%dma_wait3A_974, %dma_wait3A_977, %dma_wait3A_978] : memref<2x125x64xf32, #tpu.memory_space<vmem>> -> memref<1x125x64xf32, #tpu.memory_space<vmem>>
    %dma_wait3A_980 = tpu.memref_squeeze %dma_wait3A_979 : memref<1x125x64xf32, #tpu.memory_space<vmem>> -> memref<125x64xf32, #tpu.memory_space<vmem>>
    %dma_wait3A_981 = arith.constant 0 : i32
    %dma_wait3A_982 = tpu.memref_slice %arg9[%dma_wait3A_975, %dma_wait3A_981] : memref<80x125xi32, #tpu.memory_space<vmem>> -> memref<1x125xi32, #tpu.memory_space<vmem>>
    %dma_wait3A_983 = tpu.memref_squeeze %dma_wait3A_982 : memref<1x125xi32, #tpu.memory_space<vmem>> -> memref<125xi32, #tpu.memory_space<vmem>>
    %dma_wait3A_984 = arith.constant 0 : i32
    %dma_wait3A_985 = arith.constant 0 : i32
    %dma_wait3A_986 = tpu.memref_slice %arg13[%dma_wait3A_984, %dma_wait3A_985] : memref<10240x64xf32, #tpu.memory_space<vmem_shared>> -> memref<10240x64xf32, #tpu.memory_space<vmem_shared>>
    %dma_wait3A_987 = tpu.memref_slice %arg16[%dma_wait3A_976] : memref<2x!tpu.dma_semaphore, #tpu.memory_space<semaphore_mem>> -> memref<1x!tpu.dma_semaphore, #tpu.memory_space<semaphore_mem>>
    %dma_wait3A_988 = tpu.memref_squeeze %dma_wait3A_987 : memref<1x!tpu.dma_semaphore, #tpu.memory_space<semaphore_mem>> -> memref<!tpu.dma_semaphore, #tpu.memory_space<semaphore_mem>>
    tpu.wait_indirect_dma semaphore(%dma_wait3A_988 : memref<!tpu.dma_semaphore, #tpu.memory_space<semaphore_mem>>) src(%dma_wait3A_980 : memref<125x64xf32, #tpu.memory_space<vmem>>) dst(%dma_wait3A_986 : memref<10240x64xf32, #tpu.memory_space<vmem_shared>>)
    %dma_start3A_989 = arith.constant 79 : i32
    %dma_start3A_990 = arith.constant 0 : i32
    %dma_start3A_991 = tpu.memref_slice %arg9[%dma_start3A_989, %dma_start3A_990] : memref<80x125xi32, #tpu.memory_space<vmem>> -> memref<1x125xi32, #tpu.memory_space<vmem>>
    %dma_start3A_992 = tpu.memref_squeeze %dma_start3A_991 : memref<1x125xi32, #tpu.memory_space<vmem>> -> memref<125xi32, #tpu.memory_space<vmem>>
    %dma_start3A_993 = arith.constant 0 : i32
    %dma_start3A_994 = arith.constant 0 : i32
    %dma_start3A_995 = tpu.memref_slice %arg14[%dma_start3A_993, %dma_start3A_994] : memref<10240x16xf32, #tpu.memory_space<vmem_shared>> -> memref<10240x16xf32, #tpu.memory_space<vmem_shared>>
    tpu.enqueue_indirect_dma source(%arg11 : memref<125x16xf32, #tpu.memory_space<vmem>>) target(%dma_start3A_995 : memref<10240x16xf32, #tpu.memory_space<vmem_shared>>) offsets(%dma_start3A_992 : memref<125xi32, #tpu.memory_space<vmem>>) semaphore(%arg17 : memref<!tpu.dma_semaphore, #tpu.memory_space<semaphore_mem>>) {add = true}
    %dma_wait3A_996 = arith.constant 79 : i32
    %dma_wait3A_997 = arith.constant 1 : i32
    %dma_wait3A_998 = arith.constant 1 : i32
    %dma_wait3A_999 = arith.constant 0 : i32
    %dma_wait3A_1000 = arith.constant 0 : i32
    %dma_wait3A_1001 = tpu.memref_slice %arg10[%dma_wait3A_997, %dma_wait3A_999, %dma_wait3A_1000] : memref<2x125x64xf32, #tpu.memory_space<vmem>> -> memref<1x125x64xf32, #tpu.memory_space<vmem>>
    %dma_wait3A_1002 = tpu.memref_squeeze %dma_wait3A_1001 : memref<1x125x64xf32, #tpu.memory_space<vmem>> -> memref<125x64xf32, #tpu.memory_space<vmem>>
    %dma_wait3A_1003 = arith.constant 0 : i32
    %dma_wait3A_1004 = tpu.memref_slice %arg8[%dma_wait3A_996, %dma_wait3A_1003] : memref<80x125xi32, #tpu.memory_space<vmem>> -> memref<1x125xi32, #tpu.memory_space<vmem>>
    %dma_wait3A_1005 = tpu.memref_squeeze %dma_wait3A_1004 : memref<1x125xi32, #tpu.memory_space<vmem>> -> memref<125xi32, #tpu.memory_space<vmem>>
    %dma_wait3A_1006 = arith.constant 0 : i32
    %dma_wait3A_1007 = arith.constant 0 : i32
    %dma_wait3A_1008 = tpu.memref_slice %arg12[%dma_wait3A_1006, %dma_wait3A_1007] : memref<10000x64xf32, #tpu.memory_space<vmem_shared>> -> memref<10000x64xf32, #tpu.memory_space<vmem_shared>>
    %dma_wait3A_1009 = tpu.memref_slice %arg15[%dma_wait3A_998] : memref<2x!tpu.dma_semaphore, #tpu.memory_space<semaphore_mem>> -> memref<1x!tpu.dma_semaphore, #tpu.memory_space<semaphore_mem>>
    %dma_wait3A_1010 = tpu.memref_squeeze %dma_wait3A_1009 : memref<1x!tpu.dma_semaphore, #tpu.memory_space<semaphore_mem>> -> memref<!tpu.dma_semaphore, #tpu.memory_space<semaphore_mem>>
    tpu.wait_indirect_dma semaphore(%dma_wait3A_1010 : memref<!tpu.dma_semaphore, #tpu.memory_space<semaphore_mem>>) src(%dma_wait3A_1008 : memref<10000x64xf32, #tpu.memory_space<vmem_shared>>) dst(%dma_wait3A_1002 : memref<125x64xf32, #tpu.memory_space<vmem>>)
    %dma_start3A_1011 = arith.constant 1 : i32
    %dma_start3A_1012 = arith.constant 79 : i32
    %dma_start3A_1013 = arith.constant 1 : i32
    %dma_start3A_1014 = arith.constant 0 : i32
    %dma_start3A_1015 = arith.constant 0 : i32
    %dma_start3A_1016 = tpu.memref_slice %arg10[%dma_start3A_1011, %dma_start3A_1014, %dma_start3A_1015] : memref<2x125x64xf32, #tpu.memory_space<vmem>> -> memref<1x125x64xf32, #tpu.memory_space<vmem>>
    %dma_start3A_1017 = tpu.memref_squeeze %dma_start3A_1016 : memref<1x125x64xf32, #tpu.memory_space<vmem>> -> memref<125x64xf32, #tpu.memory_space<vmem>>
    %dma_start3A_1018 = arith.constant 0 : i32
    %dma_start3A_1019 = tpu.memref_slice %arg9[%dma_start3A_1012, %dma_start3A_1018] : memref<80x125xi32, #tpu.memory_space<vmem>> -> memref<1x125xi32, #tpu.memory_space<vmem>>
    %dma_start3A_1020 = tpu.memref_squeeze %dma_start3A_1019 : memref<1x125xi32, #tpu.memory_space<vmem>> -> memref<125xi32, #tpu.memory_space<vmem>>
    %dma_start3A_1021 = arith.constant 0 : i32
    %dma_start3A_1022 = arith.constant 0 : i32
    %dma_start3A_1023 = tpu.memref_slice %arg13[%dma_start3A_1021, %dma_start3A_1022] : memref<10240x64xf32, #tpu.memory_space<vmem_shared>> -> memref<10240x64xf32, #tpu.memory_space<vmem_shared>>
    %dma_start3A_1024 = tpu.memref_slice %arg16[%dma_start3A_1013] : memref<2x!tpu.dma_semaphore, #tpu.memory_space<semaphore_mem>> -> memref<1x!tpu.dma_semaphore, #tpu.memory_space<semaphore_mem>>
    %dma_start3A_1025 = tpu.memref_squeeze %dma_start3A_1024 : memref<1x!tpu.dma_semaphore, #tpu.memory_space<semaphore_mem>> -> memref<!tpu.dma_semaphore, #tpu.memory_space<semaphore_mem>>
    tpu.enqueue_indirect_dma source(%dma_start3A_1017 : memref<125x64xf32, #tpu.memory_space<vmem>>) target(%dma_start3A_1023 : memref<10240x64xf32, #tpu.memory_space<vmem_shared>>) offsets(%dma_start3A_1020 : memref<125xi32, #tpu.memory_space<vmem>>) semaphore(%dma_start3A_1025 : memref<!tpu.dma_semaphore, #tpu.memory_space<semaphore_mem>>) {add = true}
    %dma_wait3A_1026 = arith.constant 78 : i32
    %dma_wait3A_1027 = arith.constant 0 : i32
    %dma_wait3A_1028 = tpu.memref_slice %arg9[%dma_wait3A_1026, %dma_wait3A_1027] : memref<80x125xi32, #tpu.memory_space<vmem>> -> memref<1x125xi32, #tpu.memory_space<vmem>>
    %dma_wait3A_1029 = tpu.memref_squeeze %dma_wait3A_1028 : memref<1x125xi32, #tpu.memory_space<vmem>> -> memref<125xi32, #tpu.memory_space<vmem>>
    %dma_wait3A_1030 = arith.constant 0 : i32
    %dma_wait3A_1031 = arith.constant 0 : i32
    %dma_wait3A_1032 = tpu.memref_slice %arg14[%dma_wait3A_1030, %dma_wait3A_1031] : memref<10240x16xf32, #tpu.memory_space<vmem_shared>> -> memref<10240x16xf32, #tpu.memory_space<vmem_shared>>
    tpu.wait_indirect_dma semaphore(%arg17 : memref<!tpu.dma_semaphore, #tpu.memory_space<semaphore_mem>>) src(%arg11 : memref<125x16xf32, #tpu.memory_space<vmem>>) dst(%dma_wait3A_1032 : memref<10240x16xf32, #tpu.memory_space<vmem_shared>>)
    %dma_wait3A_1033 = arith.constant 1 : i32
    %dma_wait3A_1034 = arith.constant 79 : i32
    %dma_wait3A_1035 = arith.constant 1 : i32
    %dma_wait3A_1036 = arith.constant 0 : i32
    %dma_wait3A_1037 = arith.constant 0 : i32
    %dma_wait3A_1038 = tpu.memref_slice %arg10[%dma_wait3A_1033, %dma_wait3A_1036, %dma_wait3A_1037] : memref<2x125x64xf32, #tpu.memory_space<vmem>> -> memref<1x125x64xf32, #tpu.memory_space<vmem>>
    %dma_wait3A_1039 = tpu.memref_squeeze %dma_wait3A_1038 : memref<1x125x64xf32, #tpu.memory_space<vmem>> -> memref<125x64xf32, #tpu.memory_space<vmem>>
    %dma_wait3A_1040 = arith.constant 0 : i32
    %dma_wait3A_1041 = tpu.memref_slice %arg9[%dma_wait3A_1034, %dma_wait3A_1040] : memref<80x125xi32, #tpu.memory_space<vmem>> -> memref<1x125xi32, #tpu.memory_space<vmem>>
    %dma_wait3A_1042 = tpu.memref_squeeze %dma_wait3A_1041 : memref<1x125xi32, #tpu.memory_space<vmem>> -> memref<125xi32, #tpu.memory_space<vmem>>
    %dma_wait3A_1043 = arith.constant 0 : i32
    %dma_wait3A_1044 = arith.constant 0 : i32
    %dma_wait3A_1045 = tpu.memref_slice %arg13[%dma_wait3A_1043, %dma_wait3A_1044] : memref<10240x64xf32, #tpu.memory_space<vmem_shared>> -> memref<10240x64xf32, #tpu.memory_space<vmem_shared>>
    %dma_wait3A_1046 = tpu.memref_slice %arg16[%dma_wait3A_1035] : memref<2x!tpu.dma_semaphore, #tpu.memory_space<semaphore_mem>> -> memref<1x!tpu.dma_semaphore, #tpu.memory_space<semaphore_mem>>
    %dma_wait3A_1047 = tpu.memref_squeeze %dma_wait3A_1046 : memref<1x!tpu.dma_semaphore, #tpu.memory_space<semaphore_mem>> -> memref<!tpu.dma_semaphore, #tpu.memory_space<semaphore_mem>>
    tpu.wait_indirect_dma semaphore(%dma_wait3A_1047 : memref<!tpu.dma_semaphore, #tpu.memory_space<semaphore_mem>>) src(%dma_wait3A_1039 : memref<125x64xf32, #tpu.memory_space<vmem>>) dst(%dma_wait3A_1045 : memref<10240x64xf32, #tpu.memory_space<vmem_shared>>)
    %dma_wait3A_1048 = arith.constant 79 : i32
    %dma_wait3A_1049 = arith.constant 0 : i32
    %dma_wait3A_1050 = tpu.memref_slice %arg9[%dma_wait3A_1048, %dma_wait3A_1049] : memref<80x125xi32, #tpu.memory_space<vmem>> -> memref<1x125xi32, #tpu.memory_space<vmem>>
    %dma_wait3A_1051 = tpu.memref_squeeze %dma_wait3A_1050 : memref<1x125xi32, #tpu.memory_space<vmem>> -> memref<125xi32, #tpu.memory_space<vmem>>
    %dma_wait3A_1052 = arith.constant 0 : i32
    %dma_wait3A_1053 = arith.constant 0 : i32
    %dma_wait3A_1054 = tpu.memref_slice %arg14[%dma_wait3A_1052, %dma_wait3A_1053] : memref<10240x16xf32, #tpu.memory_space<vmem_shared>> -> memref<10240x16xf32, #tpu.memory_space<vmem_shared>>
    tpu.wait_indirect_dma semaphore(%arg17 : memref<!tpu.dma_semaphore, #tpu.memory_space<semaphore_mem>>) src(%arg11 : memref<125x16xf32, #tpu.memory_space<vmem>>) dst(%dma_wait3A_1054 : memref<10240x16xf32, #tpu.memory_space<vmem_shared>>)
    %barrier3A_1055 = arith.constant 0 : index
    tpu.barrier barrier_id(%barrier3A_1055)
    "tpu.region"() ({
      %run_scoped3A_1056 = tpu.sem_alloc : memref<!tpu.dma_semaphore, #tpu.memory_space<semaphore_mem>>
      %dma_start3A_1057 = arith.constant 0 : i32
      %dma_start3A_1058 = tpu.memref_slice %arg6[%arg0, %mul3A_5, %dma_start3A_1057] : memref<2x10240x64xf32, #tpu.memory_space<hbm>> -> memref<1x640x64xf32, #tpu.memory_space<hbm>>
      %dma_start3A_1059 = tpu.memref_squeeze %dma_start3A_1058 : memref<1x640x64xf32, #tpu.memory_space<hbm>> -> memref<640x64xf32, #tpu.memory_space<hbm>>
      %dma_start3A_1060 = arith.constant 0 : i32
      %dma_start3A_1061 = tpu.memref_slice %arg13[%mul3A_5, %dma_start3A_1060] : memref<10240x64xf32, #tpu.memory_space<vmem_shared>> -> memref<640x64xf32, #tpu.memory_space<vmem_shared>>
      tpu.enqueue_dma source(%dma_start3A_1061 : memref<640x64xf32, #tpu.memory_space<vmem_shared>>) target(%dma_start3A_1059 : memref<640x64xf32, #tpu.memory_space<hbm>>) target_semaphore(%run_scoped3A_1056 : memref<!tpu.dma_semaphore, #tpu.memory_space<semaphore_mem>>)
      %dma_wait3A_1062 = arith.constant 0 : i32
      %dma_wait3A_1063 = tpu.memref_slice %arg6[%arg0, %mul3A_5, %dma_wait3A_1062] : memref<2x10240x64xf32, #tpu.memory_space<hbm>> -> memref<1x640x64xf32, #tpu.memory_space<hbm>>
      %dma_wait3A_1064 = tpu.memref_squeeze %dma_wait3A_1063 : memref<1x640x64xf32, #tpu.memory_space<hbm>> -> memref<640x64xf32, #tpu.memory_space<hbm>>
      %dma_wait3A_1065 = arith.constant 0 : i32
      %dma_wait3A_1066 = tpu.memref_slice %arg13[%mul3A_5, %dma_wait3A_1065] : memref<10240x64xf32, #tpu.memory_space<vmem_shared>> -> memref<640x64xf32, #tpu.memory_space<vmem_shared>>
      tpu.wait_dma2 semaphore(%run_scoped3A_1056 : memref<!tpu.dma_semaphore, #tpu.memory_space<semaphore_mem>>) src(%dma_wait3A_1066 : memref<640x64xf32, #tpu.memory_space<vmem_shared>>) dst(%dma_wait3A_1064 : memref<640x64xf32, #tpu.memory_space<hbm>>)
      tpu.yield
    }) : () -> ()
    "tpu.region"() ({
      %run_scoped3A_1056 = tpu.sem_alloc : memref<!tpu.dma_semaphore, #tpu.memory_space<semaphore_mem>>
      %dma_start3A_1057 = arith.constant 0 : i32
      %dma_start3A_1058 = tpu.memref_slice %arg7[%arg0, %mul3A_5, %dma_start3A_1057] : memref<2x10240x16xf32, #tpu.memory_space<hbm>> -> memref<1x640x16xf32, #tpu.memory_space<hbm>>
      %dma_start3A_1059 = tpu.memref_squeeze %dma_start3A_1058 : memref<1x640x16xf32, #tpu.memory_space<hbm>> -> memref<640x16xf32, #tpu.memory_space<hbm>>
      %dma_start3A_1060 = arith.constant 0 : i32
      %dma_start3A_1061 = tpu.memref_slice %arg14[%mul3A_5, %dma_start3A_1060] : memref<10240x16xf32, #tpu.memory_space<vmem_shared>> -> memref<640x16xf32, #tpu.memory_space<vmem_shared>>
      tpu.enqueue_dma source(%dma_start3A_1061 : memref<640x16xf32, #tpu.memory_space<vmem_shared>>) target(%dma_start3A_1059 : memref<640x16xf32, #tpu.memory_space<hbm>>) target_semaphore(%run_scoped3A_1056 : memref<!tpu.dma_semaphore, #tpu.memory_space<semaphore_mem>>)
      %dma_wait3A_1062 = arith.constant 0 : i32
      %dma_wait3A_1063 = tpu.memref_slice %arg7[%arg0, %mul3A_5, %dma_wait3A_1062] : memref<2x10240x16xf32, #tpu.memory_space<hbm>> -> memref<1x640x16xf32, #tpu.memory_space<hbm>>
      %dma_wait3A_1064 = tpu.memref_squeeze %dma_wait3A_1063 : memref<1x640x16xf32, #tpu.memory_space<hbm>> -> memref<640x16xf32, #tpu.memory_space<hbm>>
      %dma_wait3A_1065 = arith.constant 0 : i32
      %dma_wait3A_1066 = tpu.memref_slice %arg14[%mul3A_5, %dma_wait3A_1065] : memref<10240x16xf32, #tpu.memory_space<vmem_shared>> -> memref<640x16xf32, #tpu.memory_space<vmem_shared>>
      tpu.wait_dma2 semaphore(%run_scoped3A_1056 : memref<!tpu.dma_semaphore, #tpu.memory_space<semaphore_mem>>) src(%dma_wait3A_1066 : memref<640x16xf32, #tpu.memory_space<vmem_shared>>) dst(%dma_wait3A_1064 : memref<640x16xf32, #tpu.memory_space<hbm>>)
      tpu.yield
    }) : () -> ()
    return
  }
}

#map = affine_map<(d0, d1) -> (0, 0)>
#map1 = affine_map<(d0, d1) -> (0, 0, 0, 0)>
#map2 = affine_map<(d0, d1) -> (0, 0, 0)>
module attributes {stable_mosaic.version = 14 : i64} {
  func.func @_agg_body(%arg0: i32, %arg1: i32, %arg2: memref<10000x64xf32, #tpu.memory_space<hbm>>, %arg3: memref<2x32x80x125xi32, #tpu.memory_space<hbm>>, %arg4: memref<640x64xf32, #tpu.memory_space<hbm>>, %arg5: memref<2x10240x64xf32, #tpu.memory_space<hbm>>, %arg6: memref<80x125xi32, #tpu.memory_space<vmem>>, %arg7: memref<80x125xi32, #tpu.memory_space<vmem>>, %arg8: memref<2x125x64xf32, #tpu.memory_space<vmem>>, %arg9: memref<10000x64xf32, #tpu.memory_space<vmem_shared>>, %arg10: memref<10240x64xf32, #tpu.memory_space<vmem_shared>>, %arg11: memref<2x!tpu.dma_semaphore, #tpu.memory_space<semaphore_mem>>, %arg12: memref<2x!tpu.dma_semaphore, #tpu.memory_space<semaphore_mem>>) attributes {dimension_semantics = [#tpu.dimension_semantics<core_parallel>, #tpu.dimension_semantics<subcore_parallel>], iteration_bounds = array<i64: 2, 16>, scalar_prefetch = 0 : i64, scratch_operands = 7 : i64, tpu.core_type = #tpu.core_type<sc_vector_subcore>, window_params = [{transform_indices = #map}, {transform_indices = #map1}, {transform_indices = #map}, {transform_indices = #map2}]} {
    %mul3A = arith.constant 2 : i32
    %mul3A_0 = arith.muli %arg1, %mul3A : i32
    %add3A = arith.addi %mul3A_0, %arg0 : i32
    %run_scoped3A = arith.constant 0 : i32
    "tpu.region"() ({
      %run_scoped3A_250 = tpu.sem_alloc : memref<!tpu.dma_semaphore, #tpu.memory_space<semaphore_mem>>
      %dma_start3A_251 = arith.constant 0 : i32
      %dma_start3A_252 = arith.constant 0 : i32
      %dma_start3A_253 = tpu.memref_slice %arg3[%run_scoped3A, %add3A, %dma_start3A_251, %dma_start3A_252] : memref<2x32x80x125xi32, #tpu.memory_space<hbm>> -> memref<1x1x80x125xi32, #tpu.memory_space<hbm>>
      %dma_start3A_254 = tpu.memref_squeeze %dma_start3A_253 : memref<1x1x80x125xi32, #tpu.memory_space<hbm>> -> memref<80x125xi32, #tpu.memory_space<hbm>>
      %dma_start3A_255 = arith.constant 0 : i32
      %dma_start3A_256 = arith.constant 0 : i32
      %dma_start3A_257 = tpu.memref_slice %arg3[%run_scoped3A, %add3A, %dma_start3A_255, %dma_start3A_256] : memref<2x32x80x125xi32, #tpu.memory_space<hbm>> -> memref<1x1x80x125xi32, #tpu.memory_space<hbm>>
      %dma_start3A_258 = tpu.memref_squeeze %dma_start3A_257 : memref<1x1x80x125xi32, #tpu.memory_space<hbm>> -> memref<80x125xi32, #tpu.memory_space<hbm>>
      tpu.enqueue_dma source(%dma_start3A_258 : memref<80x125xi32, #tpu.memory_space<hbm>>) target(%arg6 : memref<80x125xi32, #tpu.memory_space<vmem>>) target_semaphore(%run_scoped3A_250 : memref<!tpu.dma_semaphore, #tpu.memory_space<semaphore_mem>>)
      %dma_wait3A_259 = arith.constant 0 : i32
      %dma_wait3A_260 = arith.constant 0 : i32
      %dma_wait3A_261 = tpu.memref_slice %arg3[%run_scoped3A, %add3A, %dma_wait3A_259, %dma_wait3A_260] : memref<2x32x80x125xi32, #tpu.memory_space<hbm>> -> memref<1x1x80x125xi32, #tpu.memory_space<hbm>>
      %dma_wait3A_262 = tpu.memref_squeeze %dma_wait3A_261 : memref<1x1x80x125xi32, #tpu.memory_space<hbm>> -> memref<80x125xi32, #tpu.memory_space<hbm>>
      %dma_wait3A_263 = arith.constant 0 : i32
      %dma_wait3A_264 = arith.constant 0 : i32
      %dma_wait3A_265 = tpu.memref_slice %arg3[%run_scoped3A, %add3A, %dma_wait3A_263, %dma_wait3A_264] : memref<2x32x80x125xi32, #tpu.memory_space<hbm>> -> memref<1x1x80x125xi32, #tpu.memory_space<hbm>>
      %dma_wait3A_266 = tpu.memref_squeeze %dma_wait3A_265 : memref<1x1x80x125xi32, #tpu.memory_space<hbm>> -> memref<80x125xi32, #tpu.memory_space<hbm>>
      tpu.wait_dma2 semaphore(%run_scoped3A_250 : memref<!tpu.dma_semaphore, #tpu.memory_space<semaphore_mem>>) src(%dma_wait3A_266 : memref<80x125xi32, #tpu.memory_space<hbm>>) dst(%arg6 : memref<80x125xi32, #tpu.memory_space<vmem>>)
      tpu.yield
    }) : () -> ()
    %run_scoped3A_1 = arith.constant 1 : i32
    "tpu.region"() ({
      %run_scoped3A_250 = tpu.sem_alloc : memref<!tpu.dma_semaphore, #tpu.memory_space<semaphore_mem>>
      %dma_start3A_251 = arith.constant 0 : i32
      %dma_start3A_252 = arith.constant 0 : i32
      %dma_start3A_253 = tpu.memref_slice %arg3[%run_scoped3A_1, %add3A, %dma_start3A_251, %dma_start3A_252] : memref<2x32x80x125xi32, #tpu.memory_space<hbm>> -> memref<1x1x80x125xi32, #tpu.memory_space<hbm>>
      %dma_start3A_254 = tpu.memref_squeeze %dma_start3A_253 : memref<1x1x80x125xi32, #tpu.memory_space<hbm>> -> memref<80x125xi32, #tpu.memory_space<hbm>>
      %dma_start3A_255 = arith.constant 0 : i32
      %dma_start3A_256 = arith.constant 0 : i32
      %dma_start3A_257 = tpu.memref_slice %arg3[%run_scoped3A_1, %add3A, %dma_start3A_255, %dma_start3A_256] : memref<2x32x80x125xi32, #tpu.memory_space<hbm>> -> memref<1x1x80x125xi32, #tpu.memory_space<hbm>>
      %dma_start3A_258 = tpu.memref_squeeze %dma_start3A_257 : memref<1x1x80x125xi32, #tpu.memory_space<hbm>> -> memref<80x125xi32, #tpu.memory_space<hbm>>
      tpu.enqueue_dma source(%dma_start3A_258 : memref<80x125xi32, #tpu.memory_space<hbm>>) target(%arg7 : memref<80x125xi32, #tpu.memory_space<vmem>>) target_semaphore(%run_scoped3A_250 : memref<!tpu.dma_semaphore, #tpu.memory_space<semaphore_mem>>)
      %dma_wait3A_259 = arith.constant 0 : i32
      %dma_wait3A_260 = arith.constant 0 : i32
      %dma_wait3A_261 = tpu.memref_slice %arg3[%run_scoped3A_1, %add3A, %dma_wait3A_259, %dma_wait3A_260] : memref<2x32x80x125xi32, #tpu.memory_space<hbm>> -> memref<1x1x80x125xi32, #tpu.memory_space<hbm>>
      %dma_wait3A_262 = tpu.memref_squeeze %dma_wait3A_261 : memref<1x1x80x125xi32, #tpu.memory_space<hbm>> -> memref<80x125xi32, #tpu.memory_space<hbm>>
      %dma_wait3A_263 = arith.constant 0 : i32
      %dma_wait3A_264 = arith.constant 0 : i32
      %dma_wait3A_265 = tpu.memref_slice %arg3[%run_scoped3A_1, %add3A, %dma_wait3A_263, %dma_wait3A_264] : memref<2x32x80x125xi32, #tpu.memory_space<hbm>> -> memref<1x1x80x125xi32, #tpu.memory_space<hbm>>
      %dma_wait3A_266 = tpu.memref_squeeze %dma_wait3A_265 : memref<1x1x80x125xi32, #tpu.memory_space<hbm>> -> memref<80x125xi32, #tpu.memory_space<hbm>>
      tpu.wait_dma2 semaphore(%run_scoped3A_250 : memref<!tpu.dma_semaphore, #tpu.memory_space<semaphore_mem>>) src(%dma_wait3A_266 : memref<80x125xi32, #tpu.memory_space<hbm>>) dst(%arg7 : memref<80x125xi32, #tpu.memory_space<vmem>>)
      tpu.yield
    }) : () -> ()
    %mul3A_2 = arith.constant 625 : i32
    %mul3A_3 = arith.muli %arg1, %mul3A_2 : i32
    "tpu.region"() ({
      %run_scoped3A_250 = tpu.sem_alloc : memref<!tpu.dma_semaphore, #tpu.memory_space<semaphore_mem>>
      %dma_start3A_251 = arith.constant 0 : i32
      %dma_start3A_252 = tpu.memref_slice %arg9[%mul3A_3, %dma_start3A_251] : memref<10000x64xf32, #tpu.memory_space<vmem_shared>> -> memref<625x64xf32, #tpu.memory_space<vmem_shared>>
      %dma_start3A_253 = arith.constant 0 : i32
      %dma_start3A_254 = tpu.memref_slice %arg2[%mul3A_3, %dma_start3A_253] : memref<10000x64xf32, #tpu.memory_space<hbm>> -> memref<625x64xf32, #tpu.memory_space<hbm>>
      tpu.enqueue_dma source(%dma_start3A_254 : memref<625x64xf32, #tpu.memory_space<hbm>>) target(%dma_start3A_252 : memref<625x64xf32, #tpu.memory_space<vmem_shared>>) target_semaphore(%run_scoped3A_250 : memref<!tpu.dma_semaphore, #tpu.memory_space<semaphore_mem>>)
      %dma_wait3A_255 = arith.constant 0 : i32
      %dma_wait3A_256 = tpu.memref_slice %arg9[%mul3A_3, %dma_wait3A_255] : memref<10000x64xf32, #tpu.memory_space<vmem_shared>> -> memref<625x64xf32, #tpu.memory_space<vmem_shared>>
      %dma_wait3A_257 = arith.constant 0 : i32
      %dma_wait3A_258 = tpu.memref_slice %arg2[%mul3A_3, %dma_wait3A_257] : memref<10000x64xf32, #tpu.memory_space<hbm>> -> memref<625x64xf32, #tpu.memory_space<hbm>>
      tpu.wait_dma2 semaphore(%run_scoped3A_250 : memref<!tpu.dma_semaphore, #tpu.memory_space<semaphore_mem>>) src(%dma_wait3A_258 : memref<625x64xf32, #tpu.memory_space<hbm>>) dst(%dma_wait3A_256 : memref<625x64xf32, #tpu.memory_space<vmem_shared>>)
      tpu.yield
    }) : () -> ()
    %mul3A_4 = arith.constant 640 : i32
    %mul3A_5 = arith.muli %arg1, %mul3A_4 : i32
    "tpu.region"() ({
      %run_scoped3A_250 = tpu.sem_alloc : memref<!tpu.dma_semaphore, #tpu.memory_space<semaphore_mem>>
      %dma_start3A_251 = arith.constant 0 : i32
      %dma_start3A_252 = tpu.memref_slice %arg10[%mul3A_5, %dma_start3A_251] : memref<10240x64xf32, #tpu.memory_space<vmem_shared>> -> memref<640x64xf32, #tpu.memory_space<vmem_shared>>
      tpu.enqueue_dma source(%arg4 : memref<640x64xf32, #tpu.memory_space<hbm>>) target(%dma_start3A_252 : memref<640x64xf32, #tpu.memory_space<vmem_shared>>) target_semaphore(%run_scoped3A_250 : memref<!tpu.dma_semaphore, #tpu.memory_space<semaphore_mem>>)
      %dma_wait3A_253 = arith.constant 0 : i32
      %dma_wait3A_254 = tpu.memref_slice %arg10[%mul3A_5, %dma_wait3A_253] : memref<10240x64xf32, #tpu.memory_space<vmem_shared>> -> memref<640x64xf32, #tpu.memory_space<vmem_shared>>
      tpu.wait_dma2 semaphore(%run_scoped3A_250 : memref<!tpu.dma_semaphore, #tpu.memory_space<semaphore_mem>>) src(%arg4 : memref<640x64xf32, #tpu.memory_space<hbm>>) dst(%dma_wait3A_254 : memref<640x64xf32, #tpu.memory_space<vmem_shared>>)
      tpu.yield
    }) : () -> ()
    %barrier3A = arith.constant 0 : index
    tpu.barrier barrier_id(%barrier3A)
    %dma_start3A = arith.constant 0 : i32
    %dma_start3A_6 = arith.constant 0 : i32
    %dma_start3A_7 = arith.constant 0 : i32
    %dma_start3A_8 = arith.constant 0 : i32
    %dma_start3A_9 = arith.constant 0 : i32
    %dma_start3A_10 = tpu.memref_slice %arg8[%dma_start3A_6, %dma_start3A_8, %dma_start3A_9] : memref<2x125x64xf32, #tpu.memory_space<vmem>> -> memref<1x125x64xf32, #tpu.memory_space<vmem>>
    %dma_start3A_11 = tpu.memref_squeeze %dma_start3A_10 : memref<1x125x64xf32, #tpu.memory_space<vmem>> -> memref<125x64xf32, #tpu.memory_space<vmem>>
    %dma_start3A_12 = arith.constant 0 : i32
    %dma_start3A_13 = tpu.memref_slice %arg6[%dma_start3A, %dma_start3A_12] : memref<80x125xi32, #tpu.memory_space<vmem>> -> memref<1x125xi32, #tpu.memory_space<vmem>>
    %dma_start3A_14 = tpu.memref_squeeze %dma_start3A_13 : memref<1x125xi32, #tpu.memory_space<vmem>> -> memref<125xi32, #tpu.memory_space<vmem>>
    %dma_start3A_15 = arith.constant 0 : i32
    %dma_start3A_16 = arith.constant 0 : i32
    %dma_start3A_17 = tpu.memref_slice %arg9[%dma_start3A_15, %dma_start3A_16] : memref<10000x64xf32, #tpu.memory_space<vmem_shared>> -> memref<10000x64xf32, #tpu.memory_space<vmem_shared>>
    %dma_start3A_18 = tpu.memref_slice %arg11[%dma_start3A_7] : memref<2x!tpu.dma_semaphore, #tpu.memory_space<semaphore_mem>> -> memref<1x!tpu.dma_semaphore, #tpu.memory_space<semaphore_mem>>
    %dma_start3A_19 = tpu.memref_squeeze %dma_start3A_18 : memref<1x!tpu.dma_semaphore, #tpu.memory_space<semaphore_mem>> -> memref<!tpu.dma_semaphore, #tpu.memory_space<semaphore_mem>>
    tpu.enqueue_indirect_dma source(%dma_start3A_17 : memref<10000x64xf32, #tpu.memory_space<vmem_shared>>) target(%dma_start3A_11 : memref<125x64xf32, #tpu.memory_space<vmem>>) offsets(%dma_start3A_14 : memref<125xi32, #tpu.memory_space<vmem>>) semaphore(%dma_start3A_19 : memref<!tpu.dma_semaphore, #tpu.memory_space<semaphore_mem>>)
    %dma_start3A_20 = arith.constant 1 : i32
    %dma_start3A_21 = arith.constant 1 : i32
    %dma_start3A_22 = arith.constant 1 : i32
    %dma_start3A_23 = arith.constant 0 : i32
    %dma_start3A_24 = arith.constant 0 : i32
    %dma_start3A_25 = tpu.memref_slice %arg8[%dma_start3A_21, %dma_start3A_23, %dma_start3A_24] : memref<2x125x64xf32, #tpu.memory_space<vmem>> -> memref<1x125x64xf32, #tpu.memory_space<vmem>>
    %dma_start3A_26 = tpu.memref_squeeze %dma_start3A_25 : memref<1x125x64xf32, #tpu.memory_space<vmem>> -> memref<125x64xf32, #tpu.memory_space<vmem>>
    %dma_start3A_27 = arith.constant 0 : i32
    %dma_start3A_28 = tpu.memref_slice %arg6[%dma_start3A_20, %dma_start3A_27] : memref<80x125xi32, #tpu.memory_space<vmem>> -> memref<1x125xi32, #tpu.memory_space<vmem>>
    %dma_start3A_29 = tpu.memref_squeeze %dma_start3A_28 : memref<1x125xi32, #tpu.memory_space<vmem>> -> memref<125xi32, #tpu.memory_space<vmem>>
    %dma_start3A_30 = arith.constant 0 : i32
    %dma_start3A_31 = arith.constant 0 : i32
    %dma_start3A_32 = tpu.memref_slice %arg9[%dma_start3A_30, %dma_start3A_31] : memref<10000x64xf32, #tpu.memory_space<vmem_shared>> -> memref<10000x64xf32, #tpu.memory_space<vmem_shared>>
    %dma_start3A_33 = tpu.memref_slice %arg11[%dma_start3A_22] : memref<2x!tpu.dma_semaphore, #tpu.memory_space<semaphore_mem>> -> memref<1x!tpu.dma_semaphore, #tpu.memory_space<semaphore_mem>>
    %dma_start3A_34 = tpu.memref_squeeze %dma_start3A_33 : memref<1x!tpu.dma_semaphore, #tpu.memory_space<semaphore_mem>> -> memref<!tpu.dma_semaphore, #tpu.memory_space<semaphore_mem>>
    tpu.enqueue_indirect_dma source(%dma_start3A_32 : memref<10000x64xf32, #tpu.memory_space<vmem_shared>>) target(%dma_start3A_26 : memref<125x64xf32, #tpu.memory_space<vmem>>) offsets(%dma_start3A_29 : memref<125xi32, #tpu.memory_space<vmem>>) semaphore(%dma_start3A_34 : memref<!tpu.dma_semaphore, #tpu.memory_space<semaphore_mem>>)
    %dma_wait3A = arith.constant 0 : i32
    %dma_wait3A_35 = arith.constant 0 : i32
    %dma_wait3A_36 = arith.constant 0 : i32
    %dma_wait3A_37 = arith.constant 0 : i32
    %dma_wait3A_38 = arith.constant 0 : i32
    %dma_wait3A_39 = tpu.memref_slice %arg8[%dma_wait3A_35, %dma_wait3A_37, %dma_wait3A_38] : memref<2x125x64xf32, #tpu.memory_space<vmem>> -> memref<1x125x64xf32, #tpu.memory_space<vmem>>
    %dma_wait3A_40 = tpu.memref_squeeze %dma_wait3A_39 : memref<1x125x64xf32, #tpu.memory_space<vmem>> -> memref<125x64xf32, #tpu.memory_space<vmem>>
    %dma_wait3A_41 = arith.constant 0 : i32
    %dma_wait3A_42 = tpu.memref_slice %arg6[%dma_wait3A, %dma_wait3A_41] : memref<80x125xi32, #tpu.memory_space<vmem>> -> memref<1x125xi32, #tpu.memory_space<vmem>>
    %dma_wait3A_43 = tpu.memref_squeeze %dma_wait3A_42 : memref<1x125xi32, #tpu.memory_space<vmem>> -> memref<125xi32, #tpu.memory_space<vmem>>
    %dma_wait3A_44 = arith.constant 0 : i32
    %dma_wait3A_45 = arith.constant 0 : i32
    %dma_wait3A_46 = tpu.memref_slice %arg9[%dma_wait3A_44, %dma_wait3A_45] : memref<10000x64xf32, #tpu.memory_space<vmem_shared>> -> memref<10000x64xf32, #tpu.memory_space<vmem_shared>>
    %dma_wait3A_47 = tpu.memref_slice %arg11[%dma_wait3A_36] : memref<2x!tpu.dma_semaphore, #tpu.memory_space<semaphore_mem>> -> memref<1x!tpu.dma_semaphore, #tpu.memory_space<semaphore_mem>>
    %dma_wait3A_48 = tpu.memref_squeeze %dma_wait3A_47 : memref<1x!tpu.dma_semaphore, #tpu.memory_space<semaphore_mem>> -> memref<!tpu.dma_semaphore, #tpu.memory_space<semaphore_mem>>
    tpu.wait_indirect_dma semaphore(%dma_wait3A_48 : memref<!tpu.dma_semaphore, #tpu.memory_space<semaphore_mem>>) src(%dma_wait3A_46 : memref<10000x64xf32, #tpu.memory_space<vmem_shared>>) dst(%dma_wait3A_40 : memref<125x64xf32, #tpu.memory_space<vmem>>)
    %dma_start3A_49 = arith.constant 0 : i32
    %dma_start3A_50 = arith.constant 0 : i32
    %dma_start3A_51 = arith.constant 0 : i32
    %dma_start3A_52 = arith.constant 0 : i32
    %dma_start3A_53 = arith.constant 0 : i32
    %dma_start3A_54 = tpu.memref_slice %arg8[%dma_start3A_49, %dma_start3A_52, %dma_start3A_53] : memref<2x125x64xf32, #tpu.memory_space<vmem>> -> memref<1x125x64xf32, #tpu.memory_space<vmem>>
    %dma_start3A_55 = tpu.memref_squeeze %dma_start3A_54 : memref<1x125x64xf32, #tpu.memory_space<vmem>> -> memref<125x64xf32, #tpu.memory_space<vmem>>
    %dma_start3A_56 = arith.constant 0 : i32
    %dma_start3A_57 = tpu.memref_slice %arg7[%dma_start3A_50, %dma_start3A_56] : memref<80x125xi32, #tpu.memory_space<vmem>> -> memref<1x125xi32, #tpu.memory_space<vmem>>
    %dma_start3A_58 = tpu.memref_squeeze %dma_start3A_57 : memref<1x125xi32, #tpu.memory_space<vmem>> -> memref<125xi32, #tpu.memory_space<vmem>>
    %dma_start3A_59 = arith.constant 0 : i32
    %dma_start3A_60 = arith.constant 0 : i32
    %dma_start3A_61 = tpu.memref_slice %arg10[%dma_start3A_59, %dma_start3A_60] : memref<10240x64xf32, #tpu.memory_space<vmem_shared>> -> memref<10240x64xf32, #tpu.memory_space<vmem_shared>>
    %dma_start3A_62 = tpu.memref_slice %arg12[%dma_start3A_51] : memref<2x!tpu.dma_semaphore, #tpu.memory_space<semaphore_mem>> -> memref<1x!tpu.dma_semaphore, #tpu.memory_space<semaphore_mem>>
    %dma_start3A_63 = tpu.memref_squeeze %dma_start3A_62 : memref<1x!tpu.dma_semaphore, #tpu.memory_space<semaphore_mem>> -> memref<!tpu.dma_semaphore, #tpu.memory_space<semaphore_mem>>
    tpu.enqueue_indirect_dma source(%dma_start3A_55 : memref<125x64xf32, #tpu.memory_space<vmem>>) target(%dma_start3A_61 : memref<10240x64xf32, #tpu.memory_space<vmem_shared>>) offsets(%dma_start3A_58 : memref<125xi32, #tpu.memory_space<vmem>>) semaphore(%dma_start3A_63 : memref<!tpu.dma_semaphore, #tpu.memory_space<semaphore_mem>>) {add = true}
    %dma_wait3A_64 = arith.constant 0 : i32
    %dma_wait3A_65 = arith.constant 0 : i32
    %dma_wait3A_66 = arith.constant 0 : i32
    %dma_wait3A_67 = arith.constant 0 : i32
    %dma_wait3A_68 = arith.constant 0 : i32
    %dma_wait3A_69 = tpu.memref_slice %arg8[%dma_wait3A_64, %dma_wait3A_67, %dma_wait3A_68] : memref<2x125x64xf32, #tpu.memory_space<vmem>> -> memref<1x125x64xf32, #tpu.memory_space<vmem>>
    %dma_wait3A_70 = tpu.memref_squeeze %dma_wait3A_69 : memref<1x125x64xf32, #tpu.memory_space<vmem>> -> memref<125x64xf32, #tpu.memory_space<vmem>>
    %dma_wait3A_71 = arith.constant 0 : i32
    %dma_wait3A_72 = tpu.memref_slice %arg7[%dma_wait3A_65, %dma_wait3A_71] : memref<80x125xi32, #tpu.memory_space<vmem>> -> memref<1x125xi32, #tpu.memory_space<vmem>>
    %dma_wait3A_73 = tpu.memref_squeeze %dma_wait3A_72 : memref<1x125xi32, #tpu.memory_space<vmem>> -> memref<125xi32, #tpu.memory_space<vmem>>
    %dma_wait3A_74 = arith.constant 0 : i32
    %dma_wait3A_75 = arith.constant 0 : i32
    %dma_wait3A_76 = tpu.memref_slice %arg10[%dma_wait3A_74, %dma_wait3A_75] : memref<10240x64xf32, #tpu.memory_space<vmem_shared>> -> memref<10240x64xf32, #tpu.memory_space<vmem_shared>>
    %dma_wait3A_77 = tpu.memref_slice %arg12[%dma_wait3A_66] : memref<2x!tpu.dma_semaphore, #tpu.memory_space<semaphore_mem>> -> memref<1x!tpu.dma_semaphore, #tpu.memory_space<semaphore_mem>>
    %dma_wait3A_78 = tpu.memref_squeeze %dma_wait3A_77 : memref<1x!tpu.dma_semaphore, #tpu.memory_space<semaphore_mem>> -> memref<!tpu.dma_semaphore, #tpu.memory_space<semaphore_mem>>
    tpu.wait_indirect_dma semaphore(%dma_wait3A_78 : memref<!tpu.dma_semaphore, #tpu.memory_space<semaphore_mem>>) src(%dma_wait3A_70 : memref<125x64xf32, #tpu.memory_space<vmem>>) dst(%dma_wait3A_76 : memref<10240x64xf32, #tpu.memory_space<vmem_shared>>)
    %dma_start3A_79 = arith.constant 2 : i32
    %dma_start3A_80 = arith.constant 0 : i32
    %dma_start3A_81 = arith.constant 0 : i32
    %dma_start3A_82 = arith.constant 0 : i32
    %dma_start3A_83 = arith.constant 0 : i32
    %dma_start3A_84 = tpu.memref_slice %arg8[%dma_start3A_80, %dma_start3A_82, %dma_start3A_83] : memref<2x125x64xf32, #tpu.memory_space<vmem>> -> memref<1x125x64xf32, #tpu.memory_space<vmem>>
    %dma_start3A_85 = tpu.memref_squeeze %dma_start3A_84 : memref<1x125x64xf32, #tpu.memory_space<vmem>> -> memref<125x64xf32, #tpu.memory_space<vmem>>
    %dma_start3A_86 = arith.constant 0 : i32
    %dma_start3A_87 = tpu.memref_slice %arg6[%dma_start3A_79, %dma_start3A_86] : memref<80x125xi32, #tpu.memory_space<vmem>> -> memref<1x125xi32, #tpu.memory_space<vmem>>
    %dma_start3A_88 = tpu.memref_squeeze %dma_start3A_87 : memref<1x125xi32, #tpu.memory_space<vmem>> -> memref<125xi32, #tpu.memory_space<vmem>>
    %dma_start3A_89 = arith.constant 0 : i32
    %dma_start3A_90 = arith.constant 0 : i32
    %dma_start3A_91 = tpu.memref_slice %arg9[%dma_start3A_89, %dma_start3A_90] : memref<10000x64xf32, #tpu.memory_space<vmem_shared>> -> memref<10000x64xf32, #tpu.memory_space<vmem_shared>>
    %dma_start3A_92 = tpu.memref_slice %arg11[%dma_start3A_81] : memref<2x!tpu.dma_semaphore, #tpu.memory_space<semaphore_mem>> -> memref<1x!tpu.dma_semaphore, #tpu.memory_space<semaphore_mem>>
    %dma_start3A_93 = tpu.memref_squeeze %dma_start3A_92 : memref<1x!tpu.dma_semaphore, #tpu.memory_space<semaphore_mem>> -> memref<!tpu.dma_semaphore, #tpu.memory_space<semaphore_mem>>
    tpu.enqueue_indirect_dma source(%dma_start3A_91 : memref<10000x64xf32, #tpu.memory_space<vmem_shared>>) target(%dma_start3A_85 : memref<125x64xf32, #tpu.memory_space<vmem>>) offsets(%dma_start3A_88 : memref<125xi32, #tpu.memory_space<vmem>>) semaphore(%dma_start3A_93 : memref<!tpu.dma_semaphore, #tpu.memory_space<semaphore_mem>>)
    %dma_wait3A_94 = arith.constant 1 : i32
    %dma_wait3A_95 = arith.constant 1 : i32
    %dma_wait3A_96 = arith.constant 1 : i32
    %dma_wait3A_97 = arith.constant 0 : i32
    %dma_wait3A_98 = arith.constant 0 : i32
    %dma_wait3A_99 = tpu.memref_slice %arg8[%dma_wait3A_95, %dma_wait3A_97, %dma_wait3A_98] : memref<2x125x64xf32, #tpu.memory_space<vmem>> -> memref<1x125x64xf32, #tpu.memory_space<vmem>>
    %dma_wait3A_100 = tpu.memref_squeeze %dma_wait3A_99 : memref<1x125x64xf32, #tpu.memory_space<vmem>> -> memref<125x64xf32, #tpu.memory_space<vmem>>
    %dma_wait3A_101 = arith.constant 0 : i32
    %dma_wait3A_102 = tpu.memref_slice %arg6[%dma_wait3A_94, %dma_wait3A_101] : memref<80x125xi32, #tpu.memory_space<vmem>> -> memref<1x125xi32, #tpu.memory_space<vmem>>
    %dma_wait3A_103 = tpu.memref_squeeze %dma_wait3A_102 : memref<1x125xi32, #tpu.memory_space<vmem>> -> memref<125xi32, #tpu.memory_space<vmem>>
    %dma_wait3A_104 = arith.constant 0 : i32
    %dma_wait3A_105 = arith.constant 0 : i32
    %dma_wait3A_106 = tpu.memref_slice %arg9[%dma_wait3A_104, %dma_wait3A_105] : memref<10000x64xf32, #tpu.memory_space<vmem_shared>> -> memref<10000x64xf32, #tpu.memory_space<vmem_shared>>
    %dma_wait3A_107 = tpu.memref_slice %arg11[%dma_wait3A_96] : memref<2x!tpu.dma_semaphore, #tpu.memory_space<semaphore_mem>> -> memref<1x!tpu.dma_semaphore, #tpu.memory_space<semaphore_mem>>
    %dma_wait3A_108 = tpu.memref_squeeze %dma_wait3A_107 : memref<1x!tpu.dma_semaphore, #tpu.memory_space<semaphore_mem>> -> memref<!tpu.dma_semaphore, #tpu.memory_space<semaphore_mem>>
    tpu.wait_indirect_dma semaphore(%dma_wait3A_108 : memref<!tpu.dma_semaphore, #tpu.memory_space<semaphore_mem>>) src(%dma_wait3A_106 : memref<10000x64xf32, #tpu.memory_space<vmem_shared>>) dst(%dma_wait3A_100 : memref<125x64xf32, #tpu.memory_space<vmem>>)
    %dma_start3A_109 = arith.constant 1 : i32
    %dma_start3A_110 = arith.constant 1 : i32
    %dma_start3A_111 = arith.constant 1 : i32
    %dma_start3A_112 = arith.constant 0 : i32
    %dma_start3A_113 = arith.constant 0 : i32
    %dma_start3A_114 = tpu.memref_slice %arg8[%dma_start3A_109, %dma_start3A_112, %dma_start3A_113] : memref<2x125x64xf32, #tpu.memory_space<vmem>> -> memref<1x125x64xf32, #tpu.memory_space<vmem>>
    %dma_start3A_115 = tpu.memref_squeeze %dma_start3A_114 : memref<1x125x64xf32, #tpu.memory_space<vmem>> -> memref<125x64xf32, #tpu.memory_space<vmem>>
    %dma_start3A_116 = arith.constant 0 : i32
    %dma_start3A_117 = tpu.memref_slice %arg7[%dma_start3A_110, %dma_start3A_116] : memref<80x125xi32, #tpu.memory_space<vmem>> -> memref<1x125xi32, #tpu.memory_space<vmem>>
    %dma_start3A_118 = tpu.memref_squeeze %dma_start3A_117 : memref<1x125xi32, #tpu.memory_space<vmem>> -> memref<125xi32, #tpu.memory_space<vmem>>
    %dma_start3A_119 = arith.constant 0 : i32
    %dma_start3A_120 = arith.constant 0 : i32
    %dma_start3A_121 = tpu.memref_slice %arg10[%dma_start3A_119, %dma_start3A_120] : memref<10240x64xf32, #tpu.memory_space<vmem_shared>> -> memref<10240x64xf32, #tpu.memory_space<vmem_shared>>
    %dma_start3A_122 = tpu.memref_slice %arg12[%dma_start3A_111] : memref<2x!tpu.dma_semaphore, #tpu.memory_space<semaphore_mem>> -> memref<1x!tpu.dma_semaphore, #tpu.memory_space<semaphore_mem>>
    %dma_start3A_123 = tpu.memref_squeeze %dma_start3A_122 : memref<1x!tpu.dma_semaphore, #tpu.memory_space<semaphore_mem>> -> memref<!tpu.dma_semaphore, #tpu.memory_space<semaphore_mem>>
    tpu.enqueue_indirect_dma source(%dma_start3A_115 : memref<125x64xf32, #tpu.memory_space<vmem>>) target(%dma_start3A_121 : memref<10240x64xf32, #tpu.memory_space<vmem_shared>>) offsets(%dma_start3A_118 : memref<125xi32, #tpu.memory_space<vmem>>) semaphore(%dma_start3A_123 : memref<!tpu.dma_semaphore, #tpu.memory_space<semaphore_mem>>) {add = true}
    %scan3A = arith.constant 0 : i32
    %scan3A_124 = arith.constant 1 : i32
    %scan3A_125 = arith.constant 38 : i32
    %scan3A_126 = arith.addi %scan3A_124, %scan3A_125 : i32
    %scan3A_127 = arith.constant 1 : i32
    scf.for %scan3A_250 = %scan3A_124 to %scan3A_126 step %scan3A_127  : i32 {
      %mul3A_251 = arith.constant 2 : i32
      %mul3A_252 = arith.muli %scan3A_250, %mul3A_251 : i32
      %add3A_253 = arith.constant 0 : i32
      %add3A_254 = arith.addi %mul3A_252, %add3A_253 : i32
      %sub3A = arith.constant 1 : i32
      %sub3A_255 = arith.subi %add3A_254, %sub3A : i32
      %dma_wait3A_256 = arith.constant 1 : i32
      %dma_wait3A_257 = arith.constant 1 : i32
      %dma_wait3A_258 = arith.constant 0 : i32
      %dma_wait3A_259 = arith.constant 0 : i32
      %dma_wait3A_260 = tpu.memref_slice %arg8[%dma_wait3A_256, %dma_wait3A_258, %dma_wait3A_259] : memref<2x125x64xf32, #tpu.memory_space<vmem>> -> memref<1x125x64xf32, #tpu.memory_space<vmem>>
      %dma_wait3A_261 = tpu.memref_squeeze %dma_wait3A_260 : memref<1x125x64xf32, #tpu.memory_space<vmem>> -> memref<125x64xf32, #tpu.memory_space<vmem>>
      %dma_wait3A_262 = arith.constant 0 : i32
      %dma_wait3A_263 = tpu.memref_slice %arg7[%sub3A_255, %dma_wait3A_262] : memref<80x125xi32, #tpu.memory_space<vmem>> -> memref<1x125xi32, #tpu.memory_space<vmem>>
      %dma_wait3A_264 = tpu.memref_squeeze %dma_wait3A_263 : memref<1x125xi32, #tpu.memory_space<vmem>> -> memref<125xi32, #tpu.memory_space<vmem>>
      %dma_wait3A_265 = arith.constant 0 : i32
      %dma_wait3A_266 = arith.constant 0 : i32
      %dma_wait3A_267 = tpu.memref_slice %arg10[%dma_wait3A_265, %dma_wait3A_266] : memref<10240x64xf32, #tpu.memory_space<vmem_shared>> -> memref<10240x64xf32, #tpu.memory_space<vmem_shared>>
      %dma_wait3A_268 = tpu.memref_slice %arg12[%dma_wait3A_257] : memref<2x!tpu.dma_semaphore, #tpu.memory_space<semaphore_mem>> -> memref<1x!tpu.dma_semaphore, #tpu.memory_space<semaphore_mem>>
      %dma_wait3A_269 = tpu.memref_squeeze %dma_wait3A_268 : memref<1x!tpu.dma_semaphore, #tpu.memory_space<semaphore_mem>> -> memref<!tpu.dma_semaphore, #tpu.memory_space<semaphore_mem>>
      tpu.wait_indirect_dma semaphore(%dma_wait3A_269 : memref<!tpu.dma_semaphore, #tpu.memory_space<semaphore_mem>>) src(%dma_wait3A_261 : memref<125x64xf32, #tpu.memory_space<vmem>>) dst(%dma_wait3A_267 : memref<10240x64xf32, #tpu.memory_space<vmem_shared>>)
      %add3A_270 = arith.constant 1 : i32
      %add3A_271 = arith.addi %add3A_254, %add3A_270 : i32
      %dma_start3A_272 = arith.constant 1 : i32
      %dma_start3A_273 = arith.constant 1 : i32
      %dma_start3A_274 = arith.constant 0 : i32
      %dma_start3A_275 = arith.constant 0 : i32
      %dma_start3A_276 = tpu.memref_slice %arg8[%dma_start3A_272, %dma_start3A_274, %dma_start3A_275] : memref<2x125x64xf32, #tpu.memory_space<vmem>> -> memref<1x125x64xf32, #tpu.memory_space<vmem>>
      %dma_start3A_277 = tpu.memref_squeeze %dma_start3A_276 : memref<1x125x64xf32, #tpu.memory_space<vmem>> -> memref<125x64xf32, #tpu.memory_space<vmem>>
      %dma_start3A_278 = arith.constant 0 : i32
      %dma_start3A_279 = tpu.memref_slice %arg6[%add3A_271, %dma_start3A_278] : memref<80x125xi32, #tpu.memory_space<vmem>> -> memref<1x125xi32, #tpu.memory_space<vmem>>
      %dma_start3A_280 = tpu.memref_squeeze %dma_start3A_279 : memref<1x125xi32, #tpu.memory_space<vmem>> -> memref<125xi32, #tpu.memory_space<vmem>>
      %dma_start3A_281 = arith.constant 0 : i32
      %dma_start3A_282 = arith.constant 0 : i32
      %dma_start3A_283 = tpu.memref_slice %arg9[%dma_start3A_281, %dma_start3A_282] : memref<10000x64xf32, #tpu.memory_space<vmem_shared>> -> memref<10000x64xf32, #tpu.memory_space<vmem_shared>>
      %dma_start3A_284 = tpu.memref_slice %arg11[%dma_start3A_273] : memref<2x!tpu.dma_semaphore, #tpu.memory_space<semaphore_mem>> -> memref<1x!tpu.dma_semaphore, #tpu.memory_space<semaphore_mem>>
      %dma_start3A_285 = tpu.memref_squeeze %dma_start3A_284 : memref<1x!tpu.dma_semaphore, #tpu.memory_space<semaphore_mem>> -> memref<!tpu.dma_semaphore, #tpu.memory_space<semaphore_mem>>
      tpu.enqueue_indirect_dma source(%dma_start3A_283 : memref<10000x64xf32, #tpu.memory_space<vmem_shared>>) target(%dma_start3A_277 : memref<125x64xf32, #tpu.memory_space<vmem>>) offsets(%dma_start3A_280 : memref<125xi32, #tpu.memory_space<vmem>>) semaphore(%dma_start3A_285 : memref<!tpu.dma_semaphore, #tpu.memory_space<semaphore_mem>>)
      %dma_wait3A_286 = arith.constant 0 : i32
      %dma_wait3A_287 = arith.constant 0 : i32
      %dma_wait3A_288 = arith.constant 0 : i32
      %dma_wait3A_289 = arith.constant 0 : i32
      %dma_wait3A_290 = tpu.memref_slice %arg8[%dma_wait3A_286, %dma_wait3A_288, %dma_wait3A_289] : memref<2x125x64xf32, #tpu.memory_space<vmem>> -> memref<1x125x64xf32, #tpu.memory_space<vmem>>
      %dma_wait3A_291 = tpu.memref_squeeze %dma_wait3A_290 : memref<1x125x64xf32, #tpu.memory_space<vmem>> -> memref<125x64xf32, #tpu.memory_space<vmem>>
      %dma_wait3A_292 = arith.constant 0 : i32
      %dma_wait3A_293 = tpu.memref_slice %arg6[%add3A_254, %dma_wait3A_292] : memref<80x125xi32, #tpu.memory_space<vmem>> -> memref<1x125xi32, #tpu.memory_space<vmem>>
      %dma_wait3A_294 = tpu.memref_squeeze %dma_wait3A_293 : memref<1x125xi32, #tpu.memory_space<vmem>> -> memref<125xi32, #tpu.memory_space<vmem>>
      %dma_wait3A_295 = arith.constant 0 : i32
      %dma_wait3A_296 = arith.constant 0 : i32
      %dma_wait3A_297 = tpu.memref_slice %arg9[%dma_wait3A_295, %dma_wait3A_296] : memref<10000x64xf32, #tpu.memory_space<vmem_shared>> -> memref<10000x64xf32, #tpu.memory_space<vmem_shared>>
      %dma_wait3A_298 = tpu.memref_slice %arg11[%dma_wait3A_287] : memref<2x!tpu.dma_semaphore, #tpu.memory_space<semaphore_mem>> -> memref<1x!tpu.dma_semaphore, #tpu.memory_space<semaphore_mem>>
      %dma_wait3A_299 = tpu.memref_squeeze %dma_wait3A_298 : memref<1x!tpu.dma_semaphore, #tpu.memory_space<semaphore_mem>> -> memref<!tpu.dma_semaphore, #tpu.memory_space<semaphore_mem>>
      tpu.wait_indirect_dma semaphore(%dma_wait3A_299 : memref<!tpu.dma_semaphore, #tpu.memory_space<semaphore_mem>>) src(%dma_wait3A_297 : memref<10000x64xf32, #tpu.memory_space<vmem_shared>>) dst(%dma_wait3A_291 : memref<125x64xf32, #tpu.memory_space<vmem>>)
      %dma_start3A_300 = arith.constant 0 : i32
      %dma_start3A_301 = arith.constant 0 : i32
      %dma_start3A_302 = arith.constant 0 : i32
      %dma_start3A_303 = arith.constant 0 : i32
      %dma_start3A_304 = tpu.memref_slice %arg8[%dma_start3A_300, %dma_start3A_302, %dma_start3A_303] : memref<2x125x64xf32, #tpu.memory_space<vmem>> -> memref<1x125x64xf32, #tpu.memory_space<vmem>>
      %dma_start3A_305 = tpu.memref_squeeze %dma_start3A_304 : memref<1x125x64xf32, #tpu.memory_space<vmem>> -> memref<125x64xf32, #tpu.memory_space<vmem>>
      %dma_start3A_306 = arith.constant 0 : i32
      %dma_start3A_307 = tpu.memref_slice %arg7[%add3A_254, %dma_start3A_306] : memref<80x125xi32, #tpu.memory_space<vmem>> -> memref<1x125xi32, #tpu.memory_space<vmem>>
      %dma_start3A_308 = tpu.memref_squeeze %dma_start3A_307 : memref<1x125xi32, #tpu.memory_space<vmem>> -> memref<125xi32, #tpu.memory_space<vmem>>
      %dma_start3A_309 = arith.constant 0 : i32
      %dma_start3A_310 = arith.constant 0 : i32
      %dma_start3A_311 = tpu.memref_slice %arg10[%dma_start3A_309, %dma_start3A_310] : memref<10240x64xf32, #tpu.memory_space<vmem_shared>> -> memref<10240x64xf32, #tpu.memory_space<vmem_shared>>
      %dma_start3A_312 = tpu.memref_slice %arg12[%dma_start3A_301] : memref<2x!tpu.dma_semaphore, #tpu.memory_space<semaphore_mem>> -> memref<1x!tpu.dma_semaphore, #tpu.memory_space<semaphore_mem>>
      %dma_start3A_313 = tpu.memref_squeeze %dma_start3A_312 : memref<1x!tpu.dma_semaphore, #tpu.memory_space<semaphore_mem>> -> memref<!tpu.dma_semaphore, #tpu.memory_space<semaphore_mem>>
      tpu.enqueue_indirect_dma source(%dma_start3A_305 : memref<125x64xf32, #tpu.memory_space<vmem>>) target(%dma_start3A_311 : memref<10240x64xf32, #tpu.memory_space<vmem_shared>>) offsets(%dma_start3A_308 : memref<125xi32, #tpu.memory_space<vmem>>) semaphore(%dma_start3A_313 : memref<!tpu.dma_semaphore, #tpu.memory_space<semaphore_mem>>) {add = true}
      %add3A_314 = arith.constant 1 : i32
      %add3A_315 = arith.addi %mul3A_252, %add3A_314 : i32
      %sub3A_316 = arith.constant 1 : i32
      %sub3A_317 = arith.subi %add3A_315, %sub3A_316 : i32
      %dma_wait3A_318 = arith.constant 0 : i32
      %dma_wait3A_319 = arith.constant 0 : i32
      %dma_wait3A_320 = arith.constant 0 : i32
      %dma_wait3A_321 = arith.constant 0 : i32
      %dma_wait3A_322 = tpu.memref_slice %arg8[%dma_wait3A_318, %dma_wait3A_320, %dma_wait3A_321] : memref<2x125x64xf32, #tpu.memory_space<vmem>> -> memref<1x125x64xf32, #tpu.memory_space<vmem>>
      %dma_wait3A_323 = tpu.memref_squeeze %dma_wait3A_322 : memref<1x125x64xf32, #tpu.memory_space<vmem>> -> memref<125x64xf32, #tpu.memory_space<vmem>>
      %dma_wait3A_324 = arith.constant 0 : i32
      %dma_wait3A_325 = tpu.memref_slice %arg7[%sub3A_317, %dma_wait3A_324] : memref<80x125xi32, #tpu.memory_space<vmem>> -> memref<1x125xi32, #tpu.memory_space<vmem>>
      %dma_wait3A_326 = tpu.memref_squeeze %dma_wait3A_325 : memref<1x125xi32, #tpu.memory_space<vmem>> -> memref<125xi32, #tpu.memory_space<vmem>>
      %dma_wait3A_327 = arith.constant 0 : i32
      %dma_wait3A_328 = arith.constant 0 : i32
      %dma_wait3A_329 = tpu.memref_slice %arg10[%dma_wait3A_327, %dma_wait3A_328] : memref<10240x64xf32, #tpu.memory_space<vmem_shared>> -> memref<10240x64xf32, #tpu.memory_space<vmem_shared>>
      %dma_wait3A_330 = tpu.memref_slice %arg12[%dma_wait3A_319] : memref<2x!tpu.dma_semaphore, #tpu.memory_space<semaphore_mem>> -> memref<1x!tpu.dma_semaphore, #tpu.memory_space<semaphore_mem>>
      %dma_wait3A_331 = tpu.memref_squeeze %dma_wait3A_330 : memref<1x!tpu.dma_semaphore, #tpu.memory_space<semaphore_mem>> -> memref<!tpu.dma_semaphore, #tpu.memory_space<semaphore_mem>>
      tpu.wait_indirect_dma semaphore(%dma_wait3A_331 : memref<!tpu.dma_semaphore, #tpu.memory_space<semaphore_mem>>) src(%dma_wait3A_323 : memref<125x64xf32, #tpu.memory_space<vmem>>) dst(%dma_wait3A_329 : memref<10240x64xf32, #tpu.memory_space<vmem_shared>>)
      %add3A_332 = arith.constant 1 : i32
      %add3A_333 = arith.addi %add3A_315, %add3A_332 : i32
      %dma_start3A_334 = arith.constant 0 : i32
      %dma_start3A_335 = arith.constant 0 : i32
      %dma_start3A_336 = arith.constant 0 : i32
      %dma_start3A_337 = arith.constant 0 : i32
      %dma_start3A_338 = tpu.memref_slice %arg8[%dma_start3A_334, %dma_start3A_336, %dma_start3A_337] : memref<2x125x64xf32, #tpu.memory_space<vmem>> -> memref<1x125x64xf32, #tpu.memory_space<vmem>>
      %dma_start3A_339 = tpu.memref_squeeze %dma_start3A_338 : memref<1x125x64xf32, #tpu.memory_space<vmem>> -> memref<125x64xf32, #tpu.memory_space<vmem>>
      %dma_start3A_340 = arith.constant 0 : i32
      %dma_start3A_341 = tpu.memref_slice %arg6[%add3A_333, %dma_start3A_340] : memref<80x125xi32, #tpu.memory_space<vmem>> -> memref<1x125xi32, #tpu.memory_space<vmem>>
      %dma_start3A_342 = tpu.memref_squeeze %dma_start3A_341 : memref<1x125xi32, #tpu.memory_space<vmem>> -> memref<125xi32, #tpu.memory_space<vmem>>
      %dma_start3A_343 = arith.constant 0 : i32
      %dma_start3A_344 = arith.constant 0 : i32
      %dma_start3A_345 = tpu.memref_slice %arg9[%dma_start3A_343, %dma_start3A_344] : memref<10000x64xf32, #tpu.memory_space<vmem_shared>> -> memref<10000x64xf32, #tpu.memory_space<vmem_shared>>
      %dma_start3A_346 = tpu.memref_slice %arg11[%dma_start3A_335] : memref<2x!tpu.dma_semaphore, #tpu.memory_space<semaphore_mem>> -> memref<1x!tpu.dma_semaphore, #tpu.memory_space<semaphore_mem>>
      %dma_start3A_347 = tpu.memref_squeeze %dma_start3A_346 : memref<1x!tpu.dma_semaphore, #tpu.memory_space<semaphore_mem>> -> memref<!tpu.dma_semaphore, #tpu.memory_space<semaphore_mem>>
      tpu.enqueue_indirect_dma source(%dma_start3A_345 : memref<10000x64xf32, #tpu.memory_space<vmem_shared>>) target(%dma_start3A_339 : memref<125x64xf32, #tpu.memory_space<vmem>>) offsets(%dma_start3A_342 : memref<125xi32, #tpu.memory_space<vmem>>) semaphore(%dma_start3A_347 : memref<!tpu.dma_semaphore, #tpu.memory_space<semaphore_mem>>)
      %dma_wait3A_348 = arith.constant 1 : i32
      %dma_wait3A_349 = arith.constant 1 : i32
      %dma_wait3A_350 = arith.constant 0 : i32
      %dma_wait3A_351 = arith.constant 0 : i32
      %dma_wait3A_352 = tpu.memref_slice %arg8[%dma_wait3A_348, %dma_wait3A_350, %dma_wait3A_351] : memref<2x125x64xf32, #tpu.memory_space<vmem>> -> memref<1x125x64xf32, #tpu.memory_space<vmem>>
      %dma_wait3A_353 = tpu.memref_squeeze %dma_wait3A_352 : memref<1x125x64xf32, #tpu.memory_space<vmem>> -> memref<125x64xf32, #tpu.memory_space<vmem>>
      %dma_wait3A_354 = arith.constant 0 : i32
      %dma_wait3A_355 = tpu.memref_slice %arg6[%add3A_315, %dma_wait3A_354] : memref<80x125xi32, #tpu.memory_space<vmem>> -> memref<1x125xi32, #tpu.memory_space<vmem>>
      %dma_wait3A_356 = tpu.memref_squeeze %dma_wait3A_355 : memref<1x125xi32, #tpu.memory_space<vmem>> -> memref<125xi32, #tpu.memory_space<vmem>>
      %dma_wait3A_357 = arith.constant 0 : i32
      %dma_wait3A_358 = arith.constant 0 : i32
      %dma_wait3A_359 = tpu.memref_slice %arg9[%dma_wait3A_357, %dma_wait3A_358] : memref<10000x64xf32, #tpu.memory_space<vmem_shared>> -> memref<10000x64xf32, #tpu.memory_space<vmem_shared>>
      %dma_wait3A_360 = tpu.memref_slice %arg11[%dma_wait3A_349] : memref<2x!tpu.dma_semaphore, #tpu.memory_space<semaphore_mem>> -> memref<1x!tpu.dma_semaphore, #tpu.memory_space<semaphore_mem>>
      %dma_wait3A_361 = tpu.memref_squeeze %dma_wait3A_360 : memref<1x!tpu.dma_semaphore, #tpu.memory_space<semaphore_mem>> -> memref<!tpu.dma_semaphore, #tpu.memory_space<semaphore_mem>>
      tpu.wait_indirect_dma semaphore(%dma_wait3A_361 : memref<!tpu.dma_semaphore, #tpu.memory_space<semaphore_mem>>) src(%dma_wait3A_359 : memref<10000x64xf32, #tpu.memory_space<vmem_shared>>) dst(%dma_wait3A_353 : memref<125x64xf32, #tpu.memory_space<vmem>>)
      %dma_start3A_362 = arith.constant 1 : i32
      %dma_start3A_363 = arith.constant 1 : i32
      %dma_start3A_364 = arith.constant 0 : i32
      %dma_start3A_365 = arith.constant 0 : i32
      %dma_start3A_366 = tpu.memref_slice %arg8[%dma_start3A_362, %dma_start3A_364, %dma_start3A_365] : memref<2x125x64xf32, #tpu.memory_space<vmem>> -> memref<1x125x64xf32, #tpu.memory_space<vmem>>
      %dma_start3A_367 = tpu.memref_squeeze %dma_start3A_366 : memref<1x125x64xf32, #tpu.memory_space<vmem>> -> memref<125x64xf32, #tpu.memory_space<vmem>>
      %dma_start3A_368 = arith.constant 0 : i32
      %dma_start3A_369 = tpu.memref_slice %arg7[%add3A_315, %dma_start3A_368] : memref<80x125xi32, #tpu.memory_space<vmem>> -> memref<1x125xi32, #tpu.memory_space<vmem>>
      %dma_start3A_370 = tpu.memref_squeeze %dma_start3A_369 : memref<1x125xi32, #tpu.memory_space<vmem>> -> memref<125xi32, #tpu.memory_space<vmem>>
      %dma_start3A_371 = arith.constant 0 : i32
      %dma_start3A_372 = arith.constant 0 : i32
      %dma_start3A_373 = tpu.memref_slice %arg10[%dma_start3A_371, %dma_start3A_372] : memref<10240x64xf32, #tpu.memory_space<vmem_shared>> -> memref<10240x64xf32, #tpu.memory_space<vmem_shared>>
      %dma_start3A_374 = tpu.memref_slice %arg12[%dma_start3A_363] : memref<2x!tpu.dma_semaphore, #tpu.memory_space<semaphore_mem>> -> memref<1x!tpu.dma_semaphore, #tpu.memory_space<semaphore_mem>>
      %dma_start3A_375 = tpu.memref_squeeze %dma_start3A_374 : memref<1x!tpu.dma_semaphore, #tpu.memory_space<semaphore_mem>> -> memref<!tpu.dma_semaphore, #tpu.memory_space<semaphore_mem>>
      tpu.enqueue_indirect_dma source(%dma_start3A_367 : memref<125x64xf32, #tpu.memory_space<vmem>>) target(%dma_start3A_373 : memref<10240x64xf32, #tpu.memory_space<vmem_shared>>) offsets(%dma_start3A_370 : memref<125xi32, #tpu.memory_space<vmem>>) semaphore(%dma_start3A_375 : memref<!tpu.dma_semaphore, #tpu.memory_space<semaphore_mem>>) {add = true}
    }
    %scan3A_128 = arith.constant 38 : i32
    %dma_wait3A_129 = arith.constant 1 : i32
    %dma_wait3A_130 = arith.constant 77 : i32
    %dma_wait3A_131 = arith.constant 1 : i32
    %dma_wait3A_132 = arith.constant 0 : i32
    %dma_wait3A_133 = arith.constant 0 : i32
    %dma_wait3A_134 = tpu.memref_slice %arg8[%dma_wait3A_129, %dma_wait3A_132, %dma_wait3A_133] : memref<2x125x64xf32, #tpu.memory_space<vmem>> -> memref<1x125x64xf32, #tpu.memory_space<vmem>>
    %dma_wait3A_135 = tpu.memref_squeeze %dma_wait3A_134 : memref<1x125x64xf32, #tpu.memory_space<vmem>> -> memref<125x64xf32, #tpu.memory_space<vmem>>
    %dma_wait3A_136 = arith.constant 0 : i32
    %dma_wait3A_137 = tpu.memref_slice %arg7[%dma_wait3A_130, %dma_wait3A_136] : memref<80x125xi32, #tpu.memory_space<vmem>> -> memref<1x125xi32, #tpu.memory_space<vmem>>
    %dma_wait3A_138 = tpu.memref_squeeze %dma_wait3A_137 : memref<1x125xi32, #tpu.memory_space<vmem>> -> memref<125xi32, #tpu.memory_space<vmem>>
    %dma_wait3A_139 = arith.constant 0 : i32
    %dma_wait3A_140 = arith.constant 0 : i32
    %dma_wait3A_141 = tpu.memref_slice %arg10[%dma_wait3A_139, %dma_wait3A_140] : memref<10240x64xf32, #tpu.memory_space<vmem_shared>> -> memref<10240x64xf32, #tpu.memory_space<vmem_shared>>
    %dma_wait3A_142 = tpu.memref_slice %arg12[%dma_wait3A_131] : memref<2x!tpu.dma_semaphore, #tpu.memory_space<semaphore_mem>> -> memref<1x!tpu.dma_semaphore, #tpu.memory_space<semaphore_mem>>
    %dma_wait3A_143 = tpu.memref_squeeze %dma_wait3A_142 : memref<1x!tpu.dma_semaphore, #tpu.memory_space<semaphore_mem>> -> memref<!tpu.dma_semaphore, #tpu.memory_space<semaphore_mem>>
    tpu.wait_indirect_dma semaphore(%dma_wait3A_143 : memref<!tpu.dma_semaphore, #tpu.memory_space<semaphore_mem>>) src(%dma_wait3A_135 : memref<125x64xf32, #tpu.memory_space<vmem>>) dst(%dma_wait3A_141 : memref<10240x64xf32, #tpu.memory_space<vmem_shared>>)
    %dma_start3A_144 = arith.constant 79 : i32
    %dma_start3A_145 = arith.constant 1 : i32
    %dma_start3A_146 = arith.constant 1 : i32
    %dma_start3A_147 = arith.constant 0 : i32
    %dma_start3A_148 = arith.constant 0 : i32
    %dma_start3A_149 = tpu.memref_slice %arg8[%dma_start3A_145, %dma_start3A_147, %dma_start3A_148] : memref<2x125x64xf32, #tpu.memory_space<vmem>> -> memref<1x125x64xf32, #tpu.memory_space<vmem>>
    %dma_start3A_150 = tpu.memref_squeeze %dma_start3A_149 : memref<1x125x64xf32, #tpu.memory_space<vmem>> -> memref<125x64xf32, #tpu.memory_space<vmem>>
    %dma_start3A_151 = arith.constant 0 : i32
    %dma_start3A_152 = tpu.memref_slice %arg6[%dma_start3A_144, %dma_start3A_151] : memref<80x125xi32, #tpu.memory_space<vmem>> -> memref<1x125xi32, #tpu.memory_space<vmem>>
    %dma_start3A_153 = tpu.memref_squeeze %dma_start3A_152 : memref<1x125xi32, #tpu.memory_space<vmem>> -> memref<125xi32, #tpu.memory_space<vmem>>
    %dma_start3A_154 = arith.constant 0 : i32
    %dma_start3A_155 = arith.constant 0 : i32
    %dma_start3A_156 = tpu.memref_slice %arg9[%dma_start3A_154, %dma_start3A_155] : memref<10000x64xf32, #tpu.memory_space<vmem_shared>> -> memref<10000x64xf32, #tpu.memory_space<vmem_shared>>
    %dma_start3A_157 = tpu.memref_slice %arg11[%dma_start3A_146] : memref<2x!tpu.dma_semaphore, #tpu.memory_space<semaphore_mem>> -> memref<1x!tpu.dma_semaphore, #tpu.memory_space<semaphore_mem>>
    %dma_start3A_158 = tpu.memref_squeeze %dma_start3A_157 : memref<1x!tpu.dma_semaphore, #tpu.memory_space<semaphore_mem>> -> memref<!tpu.dma_semaphore, #tpu.memory_space<semaphore_mem>>
    tpu.enqueue_indirect_dma source(%dma_start3A_156 : memref<10000x64xf32, #tpu.memory_space<vmem_shared>>) target(%dma_start3A_150 : memref<125x64xf32, #tpu.memory_space<vmem>>) offsets(%dma_start3A_153 : memref<125xi32, #tpu.memory_space<vmem>>) semaphore(%dma_start3A_158 : memref<!tpu.dma_semaphore, #tpu.memory_space<semaphore_mem>>)
    %dma_wait3A_159 = arith.constant 78 : i32
    %dma_wait3A_160 = arith.constant 0 : i32
    %dma_wait3A_161 = arith.constant 0 : i32
    %dma_wait3A_162 = arith.constant 0 : i32
    %dma_wait3A_163 = arith.constant 0 : i32
    %dma_wait3A_164 = tpu.memref_slice %arg8[%dma_wait3A_160, %dma_wait3A_162, %dma_wait3A_163] : memref<2x125x64xf32, #tpu.memory_space<vmem>> -> memref<1x125x64xf32, #tpu.memory_space<vmem>>
    %dma_wait3A_165 = tpu.memref_squeeze %dma_wait3A_164 : memref<1x125x64xf32, #tpu.memory_space<vmem>> -> memref<125x64xf32, #tpu.memory_space<vmem>>
    %dma_wait3A_166 = arith.constant 0 : i32
    %dma_wait3A_167 = tpu.memref_slice %arg6[%dma_wait3A_159, %dma_wait3A_166] : memref<80x125xi32, #tpu.memory_space<vmem>> -> memref<1x125xi32, #tpu.memory_space<vmem>>
    %dma_wait3A_168 = tpu.memref_squeeze %dma_wait3A_167 : memref<1x125xi32, #tpu.memory_space<vmem>> -> memref<125xi32, #tpu.memory_space<vmem>>
    %dma_wait3A_169 = arith.constant 0 : i32
    %dma_wait3A_170 = arith.constant 0 : i32
    %dma_wait3A_171 = tpu.memref_slice %arg9[%dma_wait3A_169, %dma_wait3A_170] : memref<10000x64xf32, #tpu.memory_space<vmem_shared>> -> memref<10000x64xf32, #tpu.memory_space<vmem_shared>>
    %dma_wait3A_172 = tpu.memref_slice %arg11[%dma_wait3A_161] : memref<2x!tpu.dma_semaphore, #tpu.memory_space<semaphore_mem>> -> memref<1x!tpu.dma_semaphore, #tpu.memory_space<semaphore_mem>>
    %dma_wait3A_173 = tpu.memref_squeeze %dma_wait3A_172 : memref<1x!tpu.dma_semaphore, #tpu.memory_space<semaphore_mem>> -> memref<!tpu.dma_semaphore, #tpu.memory_space<semaphore_mem>>
    tpu.wait_indirect_dma semaphore(%dma_wait3A_173 : memref<!tpu.dma_semaphore, #tpu.memory_space<semaphore_mem>>) src(%dma_wait3A_171 : memref<10000x64xf32, #tpu.memory_space<vmem_shared>>) dst(%dma_wait3A_165 : memref<125x64xf32, #tpu.memory_space<vmem>>)
    %dma_start3A_174 = arith.constant 0 : i32
    %dma_start3A_175 = arith.constant 78 : i32
    %dma_start3A_176 = arith.constant 0 : i32
    %dma_start3A_177 = arith.constant 0 : i32
    %dma_start3A_178 = arith.constant 0 : i32
    %dma_start3A_179 = tpu.memref_slice %arg8[%dma_start3A_174, %dma_start3A_177, %dma_start3A_178] : memref<2x125x64xf32, #tpu.memory_space<vmem>> -> memref<1x125x64xf32, #tpu.memory_space<vmem>>
    %dma_start3A_180 = tpu.memref_squeeze %dma_start3A_179 : memref<1x125x64xf32, #tpu.memory_space<vmem>> -> memref<125x64xf32, #tpu.memory_space<vmem>>
    %dma_start3A_181 = arith.constant 0 : i32
    %dma_start3A_182 = tpu.memref_slice %arg7[%dma_start3A_175, %dma_start3A_181] : memref<80x125xi32, #tpu.memory_space<vmem>> -> memref<1x125xi32, #tpu.memory_space<vmem>>
    %dma_start3A_183 = tpu.memref_squeeze %dma_start3A_182 : memref<1x125xi32, #tpu.memory_space<vmem>> -> memref<125xi32, #tpu.memory_space<vmem>>
    %dma_start3A_184 = arith.constant 0 : i32
    %dma_start3A_185 = arith.constant 0 : i32
    %dma_start3A_186 = tpu.memref_slice %arg10[%dma_start3A_184, %dma_start3A_185] : memref<10240x64xf32, #tpu.memory_space<vmem_shared>> -> memref<10240x64xf32, #tpu.memory_space<vmem_shared>>
    %dma_start3A_187 = tpu.memref_slice %arg12[%dma_start3A_176] : memref<2x!tpu.dma_semaphore, #tpu.memory_space<semaphore_mem>> -> memref<1x!tpu.dma_semaphore, #tpu.memory_space<semaphore_mem>>
    %dma_start3A_188 = tpu.memref_squeeze %dma_start3A_187 : memref<1x!tpu.dma_semaphore, #tpu.memory_space<semaphore_mem>> -> memref<!tpu.dma_semaphore, #tpu.memory_space<semaphore_mem>>
    tpu.enqueue_indirect_dma source(%dma_start3A_180 : memref<125x64xf32, #tpu.memory_space<vmem>>) target(%dma_start3A_186 : memref<10240x64xf32, #tpu.memory_space<vmem_shared>>) offsets(%dma_start3A_183 : memref<125xi32, #tpu.memory_space<vmem>>) semaphore(%dma_start3A_188 : memref<!tpu.dma_semaphore, #tpu.memory_space<semaphore_mem>>) {add = true}
    %dma_wait3A_189 = arith.constant 0 : i32
    %dma_wait3A_190 = arith.constant 78 : i32
    %dma_wait3A_191 = arith.constant 0 : i32
    %dma_wait3A_192 = arith.constant 0 : i32
    %dma_wait3A_193 = arith.constant 0 : i32
    %dma_wait3A_194 = tpu.memref_slice %arg8[%dma_wait3A_189, %dma_wait3A_192, %dma_wait3A_193] : memref<2x125x64xf32, #tpu.memory_space<vmem>> -> memref<1x125x64xf32, #tpu.memory_space<vmem>>
    %dma_wait3A_195 = tpu.memref_squeeze %dma_wait3A_194 : memref<1x125x64xf32, #tpu.memory_space<vmem>> -> memref<125x64xf32, #tpu.memory_space<vmem>>
    %dma_wait3A_196 = arith.constant 0 : i32
    %dma_wait3A_197 = tpu.memref_slice %arg7[%dma_wait3A_190, %dma_wait3A_196] : memref<80x125xi32, #tpu.memory_space<vmem>> -> memref<1x125xi32, #tpu.memory_space<vmem>>
    %dma_wait3A_198 = tpu.memref_squeeze %dma_wait3A_197 : memref<1x125xi32, #tpu.memory_space<vmem>> -> memref<125xi32, #tpu.memory_space<vmem>>
    %dma_wait3A_199 = arith.constant 0 : i32
    %dma_wait3A_200 = arith.constant 0 : i32
    %dma_wait3A_201 = tpu.memref_slice %arg10[%dma_wait3A_199, %dma_wait3A_200] : memref<10240x64xf32, #tpu.memory_space<vmem_shared>> -> memref<10240x64xf32, #tpu.memory_space<vmem_shared>>
    %dma_wait3A_202 = tpu.memref_slice %arg12[%dma_wait3A_191] : memref<2x!tpu.dma_semaphore, #tpu.memory_space<semaphore_mem>> -> memref<1x!tpu.dma_semaphore, #tpu.memory_space<semaphore_mem>>
    %dma_wait3A_203 = tpu.memref_squeeze %dma_wait3A_202 : memref<1x!tpu.dma_semaphore, #tpu.memory_space<semaphore_mem>> -> memref<!tpu.dma_semaphore, #tpu.memory_space<semaphore_mem>>
    tpu.wait_indirect_dma semaphore(%dma_wait3A_203 : memref<!tpu.dma_semaphore, #tpu.memory_space<semaphore_mem>>) src(%dma_wait3A_195 : memref<125x64xf32, #tpu.memory_space<vmem>>) dst(%dma_wait3A_201 : memref<10240x64xf32, #tpu.memory_space<vmem_shared>>)
    %dma_wait3A_204 = arith.constant 79 : i32
    %dma_wait3A_205 = arith.constant 1 : i32
    %dma_wait3A_206 = arith.constant 1 : i32
    %dma_wait3A_207 = arith.constant 0 : i32
    %dma_wait3A_208 = arith.constant 0 : i32
    %dma_wait3A_209 = tpu.memref_slice %arg8[%dma_wait3A_205, %dma_wait3A_207, %dma_wait3A_208] : memref<2x125x64xf32, #tpu.memory_space<vmem>> -> memref<1x125x64xf32, #tpu.memory_space<vmem>>
    %dma_wait3A_210 = tpu.memref_squeeze %dma_wait3A_209 : memref<1x125x64xf32, #tpu.memory_space<vmem>> -> memref<125x64xf32, #tpu.memory_space<vmem>>
    %dma_wait3A_211 = arith.constant 0 : i32
    %dma_wait3A_212 = tpu.memref_slice %arg6[%dma_wait3A_204, %dma_wait3A_211] : memref<80x125xi32, #tpu.memory_space<vmem>> -> memref<1x125xi32, #tpu.memory_space<vmem>>
    %dma_wait3A_213 = tpu.memref_squeeze %dma_wait3A_212 : memref<1x125xi32, #tpu.memory_space<vmem>> -> memref<125xi32, #tpu.memory_space<vmem>>
    %dma_wait3A_214 = arith.constant 0 : i32
    %dma_wait3A_215 = arith.constant 0 : i32
    %dma_wait3A_216 = tpu.memref_slice %arg9[%dma_wait3A_214, %dma_wait3A_215] : memref<10000x64xf32, #tpu.memory_space<vmem_shared>> -> memref<10000x64xf32, #tpu.memory_space<vmem_shared>>
    %dma_wait3A_217 = tpu.memref_slice %arg11[%dma_wait3A_206] : memref<2x!tpu.dma_semaphore, #tpu.memory_space<semaphore_mem>> -> memref<1x!tpu.dma_semaphore, #tpu.memory_space<semaphore_mem>>
    %dma_wait3A_218 = tpu.memref_squeeze %dma_wait3A_217 : memref<1x!tpu.dma_semaphore, #tpu.memory_space<semaphore_mem>> -> memref<!tpu.dma_semaphore, #tpu.memory_space<semaphore_mem>>
    tpu.wait_indirect_dma semaphore(%dma_wait3A_218 : memref<!tpu.dma_semaphore, #tpu.memory_space<semaphore_mem>>) src(%dma_wait3A_216 : memref<10000x64xf32, #tpu.memory_space<vmem_shared>>) dst(%dma_wait3A_210 : memref<125x64xf32, #tpu.memory_space<vmem>>)
    %dma_start3A_219 = arith.constant 1 : i32
    %dma_start3A_220 = arith.constant 79 : i32
    %dma_start3A_221 = arith.constant 1 : i32
    %dma_start3A_222 = arith.constant 0 : i32
    %dma_start3A_223 = arith.constant 0 : i32
    %dma_start3A_224 = tpu.memref_slice %arg8[%dma_start3A_219, %dma_start3A_222, %dma_start3A_223] : memref<2x125x64xf32, #tpu.memory_space<vmem>> -> memref<1x125x64xf32, #tpu.memory_space<vmem>>
    %dma_start3A_225 = tpu.memref_squeeze %dma_start3A_224 : memref<1x125x64xf32, #tpu.memory_space<vmem>> -> memref<125x64xf32, #tpu.memory_space<vmem>>
    %dma_start3A_226 = arith.constant 0 : i32
    %dma_start3A_227 = tpu.memref_slice %arg7[%dma_start3A_220, %dma_start3A_226] : memref<80x125xi32, #tpu.memory_space<vmem>> -> memref<1x125xi32, #tpu.memory_space<vmem>>
    %dma_start3A_228 = tpu.memref_squeeze %dma_start3A_227 : memref<1x125xi32, #tpu.memory_space<vmem>> -> memref<125xi32, #tpu.memory_space<vmem>>
    %dma_start3A_229 = arith.constant 0 : i32
    %dma_start3A_230 = arith.constant 0 : i32
    %dma_start3A_231 = tpu.memref_slice %arg10[%dma_start3A_229, %dma_start3A_230] : memref<10240x64xf32, #tpu.memory_space<vmem_shared>> -> memref<10240x64xf32, #tpu.memory_space<vmem_shared>>
    %dma_start3A_232 = tpu.memref_slice %arg12[%dma_start3A_221] : memref<2x!tpu.dma_semaphore, #tpu.memory_space<semaphore_mem>> -> memref<1x!tpu.dma_semaphore, #tpu.memory_space<semaphore_mem>>
    %dma_start3A_233 = tpu.memref_squeeze %dma_start3A_232 : memref<1x!tpu.dma_semaphore, #tpu.memory_space<semaphore_mem>> -> memref<!tpu.dma_semaphore, #tpu.memory_space<semaphore_mem>>
    tpu.enqueue_indirect_dma source(%dma_start3A_225 : memref<125x64xf32, #tpu.memory_space<vmem>>) target(%dma_start3A_231 : memref<10240x64xf32, #tpu.memory_space<vmem_shared>>) offsets(%dma_start3A_228 : memref<125xi32, #tpu.memory_space<vmem>>) semaphore(%dma_start3A_233 : memref<!tpu.dma_semaphore, #tpu.memory_space<semaphore_mem>>) {add = true}
    %dma_wait3A_234 = arith.constant 1 : i32
    %dma_wait3A_235 = arith.constant 79 : i32
    %dma_wait3A_236 = arith.constant 1 : i32
    %dma_wait3A_237 = arith.constant 0 : i32
    %dma_wait3A_238 = arith.constant 0 : i32
    %dma_wait3A_239 = tpu.memref_slice %arg8[%dma_wait3A_234, %dma_wait3A_237, %dma_wait3A_238] : memref<2x125x64xf32, #tpu.memory_space<vmem>> -> memref<1x125x64xf32, #tpu.memory_space<vmem>>
    %dma_wait3A_240 = tpu.memref_squeeze %dma_wait3A_239 : memref<1x125x64xf32, #tpu.memory_space<vmem>> -> memref<125x64xf32, #tpu.memory_space<vmem>>
    %dma_wait3A_241 = arith.constant 0 : i32
    %dma_wait3A_242 = tpu.memref_slice %arg7[%dma_wait3A_235, %dma_wait3A_241] : memref<80x125xi32, #tpu.memory_space<vmem>> -> memref<1x125xi32, #tpu.memory_space<vmem>>
    %dma_wait3A_243 = tpu.memref_squeeze %dma_wait3A_242 : memref<1x125xi32, #tpu.memory_space<vmem>> -> memref<125xi32, #tpu.memory_space<vmem>>
    %dma_wait3A_244 = arith.constant 0 : i32
    %dma_wait3A_245 = arith.constant 0 : i32
    %dma_wait3A_246 = tpu.memref_slice %arg10[%dma_wait3A_244, %dma_wait3A_245] : memref<10240x64xf32, #tpu.memory_space<vmem_shared>> -> memref<10240x64xf32, #tpu.memory_space<vmem_shared>>
    %dma_wait3A_247 = tpu.memref_slice %arg12[%dma_wait3A_236] : memref<2x!tpu.dma_semaphore, #tpu.memory_space<semaphore_mem>> -> memref<1x!tpu.dma_semaphore, #tpu.memory_space<semaphore_mem>>
    %dma_wait3A_248 = tpu.memref_squeeze %dma_wait3A_247 : memref<1x!tpu.dma_semaphore, #tpu.memory_space<semaphore_mem>> -> memref<!tpu.dma_semaphore, #tpu.memory_space<semaphore_mem>>
    tpu.wait_indirect_dma semaphore(%dma_wait3A_248 : memref<!tpu.dma_semaphore, #tpu.memory_space<semaphore_mem>>) src(%dma_wait3A_240 : memref<125x64xf32, #tpu.memory_space<vmem>>) dst(%dma_wait3A_246 : memref<10240x64xf32, #tpu.memory_space<vmem_shared>>)
    %barrier3A_249 = arith.constant 0 : index
    tpu.barrier barrier_id(%barrier3A_249)
    "tpu.region"() ({
      %run_scoped3A_250 = tpu.sem_alloc : memref<!tpu.dma_semaphore, #tpu.memory_space<semaphore_mem>>
      %dma_start3A_251 = arith.constant 0 : i32
      %dma_start3A_252 = tpu.memref_slice %arg5[%arg0, %mul3A_5, %dma_start3A_251] : memref<2x10240x64xf32, #tpu.memory_space<hbm>> -> memref<1x640x64xf32, #tpu.memory_space<hbm>>
      %dma_start3A_253 = tpu.memref_squeeze %dma_start3A_252 : memref<1x640x64xf32, #tpu.memory_space<hbm>> -> memref<640x64xf32, #tpu.memory_space<hbm>>
      %dma_start3A_254 = arith.constant 0 : i32
      %dma_start3A_255 = tpu.memref_slice %arg10[%mul3A_5, %dma_start3A_254] : memref<10240x64xf32, #tpu.memory_space<vmem_shared>> -> memref<640x64xf32, #tpu.memory_space<vmem_shared>>
      tpu.enqueue_dma source(%dma_start3A_255 : memref<640x64xf32, #tpu.memory_space<vmem_shared>>) target(%dma_start3A_253 : memref<640x64xf32, #tpu.memory_space<hbm>>) target_semaphore(%run_scoped3A_250 : memref<!tpu.dma_semaphore, #tpu.memory_space<semaphore_mem>>)
      %dma_wait3A_256 = arith.constant 0 : i32
      %dma_wait3A_257 = tpu.memref_slice %arg5[%arg0, %mul3A_5, %dma_wait3A_256] : memref<2x10240x64xf32, #tpu.memory_space<hbm>> -> memref<1x640x64xf32, #tpu.memory_space<hbm>>
      %dma_wait3A_258 = tpu.memref_squeeze %dma_wait3A_257 : memref<1x640x64xf32, #tpu.memory_space<hbm>> -> memref<640x64xf32, #tpu.memory_space<hbm>>
      %dma_wait3A_259 = arith.constant 0 : i32
      %dma_wait3A_260 = tpu.memref_slice %arg10[%mul3A_5, %dma_wait3A_259] : memref<10240x64xf32, #tpu.memory_space<vmem_shared>> -> memref<640x64xf32, #tpu.memory_space<vmem_shared>>
      tpu.wait_dma2 semaphore(%run_scoped3A_250 : memref<!tpu.dma_semaphore, #tpu.memory_space<semaphore_mem>>) src(%dma_wait3A_260 : memref<640x64xf32, #tpu.memory_space<vmem_shared>>) dst(%dma_wait3A_258 : memref<640x64xf32, #tpu.memory_space<hbm>>)
      tpu.yield
    }) : () -> ()
    return
  }
}

module attributes {stable_mosaic.version = 14 : i64} {
  func.func @_lin1_body(%arg0: i32, %arg1: memref<512x128xf32, #tpu.memory_space<vmem>>, %arg2: memref<128x64xf32, #tpu.memory_space<vmem>>, %arg3: memref<128x64xf32, #tpu.memory_space<vmem>>, %arg4: memref<1x64xf32, #tpu.memory_space<vmem>>, %arg5: memref<512x64xf32, #tpu.memory_space<vmem>>, %arg6: memref<512x64xf32, #tpu.memory_space<vmem>>) attributes {dimension_semantics = [#tpu.dimension_semantics<arbitrary>], iteration_bounds = array<i64: 20>, scalar_prefetch = 0 : i64, scratch_operands = 0 : i64, tpu.core_type = #tpu.core_type<tc>, window_params = [{transform_indices = @transform_0, window_bounds = array<i64: 512, 128>}, {pipeline_mode = #tpu.pipeline_mode<synchronous>, transform_indices = @transform_1, window_bounds = array<i64: 128, 64>}, {pipeline_mode = #tpu.pipeline_mode<synchronous>, transform_indices = @transform_2, window_bounds = array<i64: 128, 64>}, {pipeline_mode = #tpu.pipeline_mode<synchronous>, transform_indices = @transform_3, window_bounds = array<i64: 1, 64>}, {transform_indices = @transform_4, window_bounds = array<i64: 512, 64>}, {transform_indices = @transform_5, window_bounds = array<i64: 512, 64>}]} {
    %get3A = arith.constant 0 : index
    %get3A_0 = arith.constant 0 : index
    %get3A_1 = vector.load %arg1[%get3A, %get3A_0] : memref<512x128xf32, #tpu.memory_space<vmem>>, vector<512x128xf32>
    %get3A_2 = arith.constant 0 : index
    %get3A_3 = arith.constant 0 : index
    %get3A_4 = vector.load %arg2[%get3A_2, %get3A_3] : memref<128x64xf32, #tpu.memory_space<vmem>>, vector<128x64xf32>
    %dot_general3A = arith.constant dense<0.000000e+00> : vector<512x64xf32>
    %dot_general3A_5 = tpu.matmul %get3A_1, %get3A_4, %dot_general3A {dimension_numbers = #tpu.dot_dimension_numbers<[1], [0], [0], [1], [0, 0, 1, 1], [], []>, transpose_lhs_hint = false} : vector<512x128xf32>, vector<128x64xf32>, vector<512x64xf32> -> vector<512x64xf32>
    %swap3A = arith.constant 0 : index
    %swap3A_6 = arith.constant 0 : index
    %swap3A_7 = vector.load %arg5[%swap3A, %swap3A_6] : memref<512x64xf32, #tpu.memory_space<vmem>>, vector<512x64xf32>
    tpu.vector_store %arg5[%swap3A, %swap3A_6], %dot_general3A_5 {strides = array<i32>} : memref<512x64xf32, #tpu.memory_space<vmem>>, vector<512x64xf32>,
    %get3A_8 = arith.constant 0 : index
    %get3A_9 = arith.constant 0 : index
    %get3A_10 = vector.load %arg3[%get3A_8, %get3A_9] : memref<128x64xf32, #tpu.memory_space<vmem>>, vector<128x64xf32>
    %dot_general3A_11 = arith.constant dense<0.000000e+00> : vector<512x64xf32>
    %dot_general3A_12 = tpu.matmul %get3A_1, %get3A_10, %dot_general3A_11 {dimension_numbers = #tpu.dot_dimension_numbers<[1], [0], [0], [1], [0, 0, 1, 1], [], []>, transpose_lhs_hint = false} : vector<512x128xf32>, vector<128x64xf32>, vector<512x64xf32> -> vector<512x64xf32>
    %get3A_13 = arith.constant 0 : index
    %get3A_14 = arith.constant 0 : index
    %get3A_15 = vector.load %arg4[%get3A_13, %get3A_14] : memref<1x64xf32, #tpu.memory_space<vmem>>, vector<1x64xf32>
    %add3A = vector.broadcast %get3A_15 : vector<1x64xf32> to vector<512x64xf32>
    %add3A_16 = arith.addf %dot_general3A_12, %add3A : vector<512x64xf32>
    %swap3A_17 = arith.constant 0 : index
    %swap3A_18 = arith.constant 0 : index
    %swap3A_19 = vector.load %arg6[%swap3A_17, %swap3A_18] : memref<512x64xf32, #tpu.memory_space<vmem>>, vector<512x64xf32>
    tpu.vector_store %arg6[%swap3A_17, %swap3A_18], %add3A_16 {strides = array<i32>} : memref<512x64xf32, #tpu.memory_space<vmem>>, vector<512x64xf32>,
    return
  }
  func.func @transform_0(%arg0: i32) -> (i32, i32) {
    %c0_i32 = arith.constant 0 : i32
    %c0_i32_0 = arith.constant 0 : i32
    return %arg0, %c0_i32 : i32, i32
  }
  func.func @transform_1(%arg0: i32) -> (i32, i32) {
    %c0_i32 = arith.constant 0 : i32
    %c0_i32_0 = arith.constant 0 : i32
    %c0_i32_1 = arith.constant 0 : i32
    return %c0_i32, %c0_i32_0 : i32, i32
  }
  func.func @transform_2(%arg0: i32) -> (i32, i32) {
    %c0_i32 = arith.constant 0 : i32
    %c0_i32_0 = arith.constant 0 : i32
    %c0_i32_1 = arith.constant 0 : i32
    return %c0_i32, %c0_i32_0 : i32, i32
  }
  func.func @transform_3(%arg0: i32) -> (i32, i32) {
    %c0_i32 = arith.constant 0 : i32
    %c0_i32_0 = arith.constant 0 : i32
    %c0_i32_1 = arith.constant 0 : i32
    return %c0_i32, %c0_i32_0 : i32, i32
  }
  func.func @transform_4(%arg0: i32) -> (i32, i32) {
    %c0_i32 = arith.constant 0 : i32
    %c0_i32_0 = arith.constant 0 : i32
    return %arg0, %c0_i32 : i32, i32
  }
  func.func @transform_5(%arg0: i32) -> (i32, i32) {
    %c0_i32 = arith.constant 0 : i32
    %c0_i32_0 = arith.constant 0 : i32
    return %arg0, %c0_i32 : i32, i32
  }
}

module attributes {stable_mosaic.version = 14 : i64} {
  func.func @_mid_body(%arg0: i32, %arg1: memref<2x512x64xf32, #tpu.memory_space<vmem>>, %arg2: memref<2x512x16xf32, #tpu.memory_space<vmem>>, %arg3: memref<512x64xf32, #tpu.memory_space<vmem>>, %arg4: memref<64x64xf32, #tpu.memory_space<vmem>>, %arg5: memref<64x64xf32, #tpu.memory_space<vmem>>, %arg6: memref<1x64xf32, #tpu.memory_space<vmem>>, %arg7: memref<512x64xf32, #tpu.memory_space<vmem>>, %arg8: memref<512x64xf32, #tpu.memory_space<vmem>>) attributes {dimension_semantics = [#tpu.dimension_semantics<arbitrary>], iteration_bounds = array<i64: 20>, scalar_prefetch = 0 : i64, scratch_operands = 0 : i64, tpu.core_type = #tpu.core_type<tc>, window_params = [{transform_indices = @transform_0, window_bounds = array<i64: 2, 512, 64>}, {transform_indices = @transform_1, window_bounds = array<i64: 2, 512, 16>}, {transform_indices = @transform_2, window_bounds = array<i64: 512, 64>}, {pipeline_mode = #tpu.pipeline_mode<synchronous>, transform_indices = @transform_3, window_bounds = array<i64: 64, 64>}, {pipeline_mode = #tpu.pipeline_mode<synchronous>, transform_indices = @transform_4, window_bounds = array<i64: 64, 64>}, {pipeline_mode = #tpu.pipeline_mode<synchronous>, transform_indices = @transform_5, window_bounds = array<i64: 1, 64>}, {transform_indices = @transform_6, window_bounds = array<i64: 512, 64>}, {transform_indices = @transform_7, window_bounds = array<i64: 512, 64>}]} {
    %get3A = arith.constant 0 : index
    %get3A_0 = arith.constant 0 : index
    %get3A_1 = arith.constant 0 : index
    %get3A_2 = vector.load %arg2[%get3A, %get3A_0, %get3A_1] : memref<2x512x16xf32, #tpu.memory_space<vmem>>, vector<1x512x1xf32>
    %get3A_3 = vector.shape_cast %get3A_2 : vector<1x512x1xf32> to vector<512x1xf32>
    %get3A_4 = arith.constant 1 : index
    %get3A_5 = arith.constant 0 : index
    %get3A_6 = arith.constant 0 : index
    %get3A_7 = vector.load %arg2[%get3A_4, %get3A_5, %get3A_6] : memref<2x512x16xf32, #tpu.memory_space<vmem>>, vector<1x512x1xf32>
    %get3A_8 = vector.shape_cast %get3A_7 : vector<1x512x1xf32> to vector<512x1xf32>
    %add3A = arith.addf %get3A_3, %get3A_8 : vector<512x1xf32>
    %max3A = arith.constant 1.000000e+00 : f32
    %max3A_9 = vector.broadcast %max3A : f32 to vector<512x1xf32>
    %max3A_10 = arith.maximumf %add3A, %max3A_9 : vector<512x1xf32>
    %get3A_11 = arith.constant 0 : index
    %get3A_12 = arith.constant 0 : index
    %get3A_13 = arith.constant 0 : index
    %get3A_14 = vector.load %arg1[%get3A_11, %get3A_12, %get3A_13] : memref<2x512x64xf32, #tpu.memory_space<vmem>>, vector<1x512x64xf32>
    %get3A_15 = vector.shape_cast %get3A_14 : vector<1x512x64xf32> to vector<512x64xf32>
    %get3A_16 = arith.constant 1 : index
    %get3A_17 = arith.constant 0 : index
    %get3A_18 = arith.constant 0 : index
    %get3A_19 = vector.load %arg1[%get3A_16, %get3A_17, %get3A_18] : memref<2x512x64xf32, #tpu.memory_space<vmem>>, vector<1x512x64xf32>
    %get3A_20 = vector.shape_cast %get3A_19 : vector<1x512x64xf32> to vector<512x64xf32>
    %add3A_21 = arith.addf %get3A_15, %get3A_20 : vector<512x64xf32>
    %div3A = vector.broadcast %max3A_10 : vector<512x1xf32> to vector<512x64xf32>
    %div3A_22 = arith.divf %add3A_21, %div3A : vector<512x64xf32>
    %get3A_23 = arith.constant 0 : index
    %get3A_24 = arith.constant 0 : index
    %get3A_25 = vector.load %arg3[%get3A_23, %get3A_24] : memref<512x64xf32, #tpu.memory_space<vmem>>, vector<512x64xf32>
    %add3A_26 = arith.addf %div3A_22, %get3A_25 : vector<512x64xf32>
    %max3A_27 = arith.constant 0.000000e+00 : f32
    %max3A_28 = vector.broadcast %max3A_27 : f32 to vector<512x64xf32>
    %max3A_29 = arith.maximumf %add3A_26, %max3A_28 : vector<512x64xf32>
    %get3A_30 = arith.constant 0 : index
    %get3A_31 = arith.constant 0 : index
    %get3A_32 = vector.load %arg4[%get3A_30, %get3A_31] : memref<64x64xf32, #tpu.memory_space<vmem>>, vector<64x64xf32>
    %dot_general3A = arith.constant dense<0.000000e+00> : vector<512x64xf32>
    %dot_general3A_33 = tpu.matmul %max3A_29, %get3A_32, %dot_general3A {dimension_numbers = #tpu.dot_dimension_numbers<[1], [0], [0], [1], [0, 0, 1, 1], [], []>, transpose_lhs_hint = false} : vector<512x64xf32>, vector<64x64xf32>, vector<512x64xf32> -> vector<512x64xf32>
    %swap3A = arith.constant 0 : index
    %swap3A_34 = arith.constant 0 : index
    %swap3A_35 = vector.load %arg7[%swap3A, %swap3A_34] : memref<512x64xf32, #tpu.memory_space<vmem>>, vector<512x64xf32>
    tpu.vector_store %arg7[%swap3A, %swap3A_34], %dot_general3A_33 {strides = array<i32>} : memref<512x64xf32, #tpu.memory_space<vmem>>, vector<512x64xf32>,
    %get3A_36 = arith.constant 0 : index
    %get3A_37 = arith.constant 0 : index
    %get3A_38 = vector.load %arg5[%get3A_36, %get3A_37] : memref<64x64xf32, #tpu.memory_space<vmem>>, vector<64x64xf32>
    %dot_general3A_39 = arith.constant dense<0.000000e+00> : vector<512x64xf32>
    %dot_general3A_40 = tpu.matmul %max3A_29, %get3A_38, %dot_general3A_39 {dimension_numbers = #tpu.dot_dimension_numbers<[1], [0], [0], [1], [0, 0, 1, 1], [], []>, transpose_lhs_hint = false} : vector<512x64xf32>, vector<64x64xf32>, vector<512x64xf32> -> vector<512x64xf32>
    %get3A_41 = arith.constant 0 : index
    %get3A_42 = arith.constant 0 : index
    %get3A_43 = vector.load %arg6[%get3A_41, %get3A_42] : memref<1x64xf32, #tpu.memory_space<vmem>>, vector<1x64xf32>
    %add3A_44 = vector.broadcast %get3A_43 : vector<1x64xf32> to vector<512x64xf32>
    %add3A_45 = arith.addf %dot_general3A_40, %add3A_44 : vector<512x64xf32>
    %swap3A_46 = arith.constant 0 : index
    %swap3A_47 = arith.constant 0 : index
    %swap3A_48 = vector.load %arg8[%swap3A_46, %swap3A_47] : memref<512x64xf32, #tpu.memory_space<vmem>>, vector<512x64xf32>
    tpu.vector_store %arg8[%swap3A_46, %swap3A_47], %add3A_45 {strides = array<i32>} : memref<512x64xf32, #tpu.memory_space<vmem>>, vector<512x64xf32>,
    return
  }
  func.func @transform_0(%arg0: i32) -> (i32, i32, i32) {
    %c0_i32 = arith.constant 0 : i32
    %c0_i32_0 = arith.constant 0 : i32
    %c0_i32_1 = arith.constant 0 : i32
    return %c0_i32, %arg0, %c0_i32_0 : i32, i32, i32
  }
  func.func @transform_1(%arg0: i32) -> (i32, i32, i32) {
    %c0_i32 = arith.constant 0 : i32
    %c0_i32_0 = arith.constant 0 : i32
    %c0_i32_1 = arith.constant 0 : i32
    return %c0_i32, %arg0, %c0_i32_0 : i32, i32, i32
  }
  func.func @transform_2(%arg0: i32) -> (i32, i32) {
    %c0_i32 = arith.constant 0 : i32
    %c0_i32_0 = arith.constant 0 : i32
    return %arg0, %c0_i32 : i32, i32
  }
  func.func @transform_3(%arg0: i32) -> (i32, i32) {
    %c0_i32 = arith.constant 0 : i32
    %c0_i32_0 = arith.constant 0 : i32
    %c0_i32_1 = arith.constant 0 : i32
    return %c0_i32, %c0_i32_0 : i32, i32
  }
  func.func @transform_4(%arg0: i32) -> (i32, i32) {
    %c0_i32 = arith.constant 0 : i32
    %c0_i32_0 = arith.constant 0 : i32
    %c0_i32_1 = arith.constant 0 : i32
    return %c0_i32, %c0_i32_0 : i32, i32
  }
  func.func @transform_5(%arg0: i32) -> (i32, i32) {
    %c0_i32 = arith.constant 0 : i32
    %c0_i32_0 = arith.constant 0 : i32
    %c0_i32_1 = arith.constant 0 : i32
    return %c0_i32, %c0_i32_0 : i32, i32
  }
  func.func @transform_6(%arg0: i32) -> (i32, i32) {
    %c0_i32 = arith.constant 0 : i32
    %c0_i32_0 = arith.constant 0 : i32
    return %arg0, %c0_i32 : i32, i32
  }
  func.func @transform_7(%arg0: i32) -> (i32, i32) {
    %c0_i32 = arith.constant 0 : i32
    %c0_i32_0 = arith.constant 0 : i32
    return %arg0, %c0_i32 : i32, i32
  }
}

module attributes {stable_mosaic.version = 14 : i64} {
  func.func @_fin_body(%arg0: i32, %arg1: memref<2x512x64xf32, #tpu.memory_space<vmem>>, %arg2: memref<2x512x16xf32, #tpu.memory_space<vmem>>, %arg3: memref<512x64xf32, #tpu.memory_space<vmem>>, %arg4: memref<64x40xf32, #tpu.memory_space<vmem>>, %arg5: memref<1x40xf32, #tpu.memory_space<vmem>>, %arg6: memref<512x40xf32, #tpu.memory_space<vmem>>) attributes {dimension_semantics = [#tpu.dimension_semantics<arbitrary>], iteration_bounds = array<i64: 20>, scalar_prefetch = 0 : i64, scratch_operands = 0 : i64, tpu.core_type = #tpu.core_type<tc>, window_params = [{transform_indices = @transform_0, window_bounds = array<i64: 2, 512, 64>}, {transform_indices = @transform_1, window_bounds = array<i64: 2, 512, 16>}, {transform_indices = @transform_2, window_bounds = array<i64: 512, 64>}, {pipeline_mode = #tpu.pipeline_mode<synchronous>, transform_indices = @transform_3, window_bounds = array<i64: 64, 40>}, {pipeline_mode = #tpu.pipeline_mode<synchronous>, transform_indices = @transform_4, window_bounds = array<i64: 1, 40>}, {transform_indices = @transform_5, window_bounds = array<i64: 512, 40>}]} {
    %get3A = arith.constant 0 : index
    %get3A_0 = arith.constant 0 : index
    %get3A_1 = arith.constant 0 : index
    %get3A_2 = vector.load %arg2[%get3A, %get3A_0, %get3A_1] : memref<2x512x16xf32, #tpu.memory_space<vmem>>, vector<1x512x1xf32>
    %get3A_3 = vector.shape_cast %get3A_2 : vector<1x512x1xf32> to vector<512x1xf32>
    %get3A_4 = arith.constant 1 : index
    %get3A_5 = arith.constant 0 : index
    %get3A_6 = arith.constant 0 : index
    %get3A_7 = vector.load %arg2[%get3A_4, %get3A_5, %get3A_6] : memref<2x512x16xf32, #tpu.memory_space<vmem>>, vector<1x512x1xf32>
    %get3A_8 = vector.shape_cast %get3A_7 : vector<1x512x1xf32> to vector<512x1xf32>
    %add3A = arith.addf %get3A_3, %get3A_8 : vector<512x1xf32>
    %max3A = arith.constant 1.000000e+00 : f32
    %max3A_9 = vector.broadcast %max3A : f32 to vector<512x1xf32>
    %max3A_10 = arith.maximumf %add3A, %max3A_9 : vector<512x1xf32>
    %get3A_11 = arith.constant 0 : index
    %get3A_12 = arith.constant 0 : index
    %get3A_13 = arith.constant 0 : index
    %get3A_14 = vector.load %arg1[%get3A_11, %get3A_12, %get3A_13] : memref<2x512x64xf32, #tpu.memory_space<vmem>>, vector<1x512x64xf32>
    %get3A_15 = vector.shape_cast %get3A_14 : vector<1x512x64xf32> to vector<512x64xf32>
    %get3A_16 = arith.constant 1 : index
    %get3A_17 = arith.constant 0 : index
    %get3A_18 = arith.constant 0 : index
    %get3A_19 = vector.load %arg1[%get3A_16, %get3A_17, %get3A_18] : memref<2x512x64xf32, #tpu.memory_space<vmem>>, vector<1x512x64xf32>
    %get3A_20 = vector.shape_cast %get3A_19 : vector<1x512x64xf32> to vector<512x64xf32>
    %add3A_21 = arith.addf %get3A_15, %get3A_20 : vector<512x64xf32>
    %div3A = vector.broadcast %max3A_10 : vector<512x1xf32> to vector<512x64xf32>
    %div3A_22 = arith.divf %add3A_21, %div3A : vector<512x64xf32>
    %get3A_23 = arith.constant 0 : index
    %get3A_24 = arith.constant 0 : index
    %get3A_25 = vector.load %arg3[%get3A_23, %get3A_24] : memref<512x64xf32, #tpu.memory_space<vmem>>, vector<512x64xf32>
    %add3A_26 = arith.addf %div3A_22, %get3A_25 : vector<512x64xf32>
    %max3A_27 = arith.constant 0.000000e+00 : f32
    %max3A_28 = vector.broadcast %max3A_27 : f32 to vector<512x64xf32>
    %max3A_29 = arith.maximumf %add3A_26, %max3A_28 : vector<512x64xf32>
    %get3A_30 = arith.constant 0 : index
    %get3A_31 = arith.constant 0 : index
    %get3A_32 = vector.load %arg4[%get3A_30, %get3A_31] : memref<64x40xf32, #tpu.memory_space<vmem>>, vector<64x40xf32>
    %dot_general3A = arith.constant dense<0.000000e+00> : vector<512x40xf32>
    %dot_general3A_33 = tpu.matmul %max3A_29, %get3A_32, %dot_general3A {dimension_numbers = #tpu.dot_dimension_numbers<[1], [0], [0], [1], [0, 0, 1, 1], [], []>, transpose_lhs_hint = false} : vector<512x64xf32>, vector<64x40xf32>, vector<512x40xf32> -> vector<512x40xf32>
    %get3A_34 = arith.constant 0 : index
    %get3A_35 = arith.constant 0 : index
    %get3A_36 = vector.load %arg5[%get3A_34, %get3A_35] : memref<1x40xf32, #tpu.memory_space<vmem>>, vector<1x40xf32>
    %add3A_37 = vector.broadcast %get3A_36 : vector<1x40xf32> to vector<512x40xf32>
    %add3A_38 = arith.addf %dot_general3A_33, %add3A_37 : vector<512x40xf32>
    %swap3A = arith.constant 0 : index
    %swap3A_39 = arith.constant 0 : index
    %swap3A_40 = vector.load %arg6[%swap3A, %swap3A_39] : memref<512x40xf32, #tpu.memory_space<vmem>>, vector<512x40xf32>
    tpu.vector_store %arg6[%swap3A, %swap3A_39], %add3A_38 {strides = array<i32>} : memref<512x40xf32, #tpu.memory_space<vmem>>, vector<512x40xf32>,
    return
  }
  func.func @transform_0(%arg0: i32) -> (i32, i32, i32) {
    %c0_i32 = arith.constant 0 : i32
    %c0_i32_0 = arith.constant 0 : i32
    %c0_i32_1 = arith.constant 0 : i32
    return %c0_i32, %arg0, %c0_i32_0 : i32, i32, i32
  }
  func.func @transform_1(%arg0: i32) -> (i32, i32, i32) {
    %c0_i32 = arith.constant 0 : i32
    %c0_i32_0 = arith.constant 0 : i32
    %c0_i32_1 = arith.constant 0 : i32
    return %c0_i32, %arg0, %c0_i32_0 : i32, i32, i32
  }
  func.func @transform_2(%arg0: i32) -> (i32, i32) {
    %c0_i32 = arith.constant 0 : i32
    %c0_i32_0 = arith.constant 0 : i32
    return %arg0, %c0_i32 : i32, i32
  }
  func.func @transform_3(%arg0: i32) -> (i32, i32) {
    %c0_i32 = arith.constant 0 : i32
    %c0_i32_0 = arith.constant 0 : i32
    %c0_i32_1 = arith.constant 0 : i32
    return %c0_i32, %c0_i32_0 : i32, i32
  }
  func.func @transform_4(%arg0: i32) -> (i32, i32) {
    %c0_i32 = arith.constant 0 : i32
    %c0_i32_0 = arith.constant 0 : i32
    %c0_i32_1 = arith.constant 0 : i32
    return %c0_i32, %c0_i32_0 : i32, i32
  }
  func.func @transform_5(%arg0: i32) -> (i32, i32) {
    %c0_i32 = arith.constant 0 : i32
    %c0_i32_0 = arith.constant 0 : i32
    return %arg0, %c0_i32 : i32, i32
  }
}

</mosaic_0001>

<sc_bundles>
// kernel: kernel.10.cloned.1.call-start
scs
__scs_entry_jumppad:
0x0: {  	(pc) =	sbr.rel $0x88, $3  }
0x1: {  	(tag) =	ssettag $0x0;
	lr =	simm.s32 $0x1  }
0x2: {  	[smem:$0x3F97] =	sst lr;
	_ =	strace $0xD0000000  }
0x3: {  	_ = 	snop  }
0x4: {  	_ = 	snop  }
0x5: {  	_ = 	snop  }
0x6: {  	_ = 	snop  }
0x7: {  	_ = 	snop  }
__scs_overlays_trampoline_lowered:
0x8: {  	[smem:$0x3FA6] =	sst s0  }
0x9: {  	[smem:$0x3FA7] =	sst s1  }
0xa: {  	[smem:$0x3FA8] =	sst s2  }
0xb: {  	[smem:$0x3FA9] =	sst s3  }
0xc: {  	[smem:$0x3FAA] =	sst s4  }
0xd: {  	[smem:$0x3FAB] =	sst s5  }
0xe: {  	[smem:$0x3FAC] =	sst s6  }
0xf: {  	[smem:$0x3FAD] =	sst s7  }
0x10: {  	[smem:$0x3FAE] =	sst s8  }
0x11: {  	[smem:$0x3FAF] =	sst s9;
	s0 =	simm.s32 @!p0 $0x0  }
0x12: {  	s1 =	sld [smem:$0x3F95];
	s0 =	simm.s32 @p0 $0x1  }
0x13: {  	[smem:$0x3FB0] =	sst s0;
	s0 =	simm.s32 @!p1 $0x0  }
0x14: {  	s2 =	sld [smem:$0x3F94];
	s0 =	simm.s32 @p1 $0x1  }
0x15: {  	[smem:$0x3FB1] =	sst s0;
	s0 =	simm.s32 @!p2 $0x0  }
0x16: {  	s3 =	sld [smem:$0x3FDB];
	s0 =	simm.s32 @p2 $0x1  }
0x17: {  	s4 =	simm.s32 $0x1BF5;
	[smem:$0x3FB3] =	sst s0  }
0x18: {  	s0 =	sld [smem:$0x3F96];
	_ =	swait.ge [sflag:s4], $0x0  }
0x19: {  	s7 =	sld [smem:$0x3F97]  }
0x1a: {  	s8 =	sadd.s32 $0xFFFFE003, lr  }
0x1b: {  	s9 =	sadd.s32 $0xFFFFFEF7, lr;
	s5 =	simm.s32 $0xFFFFFFFF;
	p2 =	slt.u32 s8, $0xFFFFF086  }
0x1c: {  	p1 =	slt.u32 s9, $0xF7A;
	s5 =	simm.s32 @!p2 $0x0  }
0x1d: {  	s5 =	simm.s32 @p1 $0x1;
	p0 =	seq.s32 s7, s2  }
0x1e: {  	s7 =	smul.u32 @!p0 $0xF7A, s2;
	p2 =	seq.s32 @!p0 s5, $0x0  }
0x1f: {  	s9 =	smul.u32 $0xF7A, s1;
	s8 =	simm.s32 @!p0 $0x1BF5;
	p2 =	por !p2, p0  }
0x20: {  	[sflag:s8] =	ssyncset.s32 @!p0 $0xFFFFF086;
	s6 =	sadd.s32 @!p0 s3, s7;
	s7 =	simm.s32 @!p0 $0x108  }
0x21: {  	s3 =	sadd.s32 s3, s9;
	s6 =	sadd.s32 @!p0 $0x88, s6;
	s7 =	simm.s32 @p2 $0x1082  }
0x22: {  	[simem:s7], [sflag:s8] =	dma.local @!p0 [hbm:s6], $0xF7A  }
0x23: {  	s9 =	sor.u32 $0xD0000000, s2;
	s6 =	simm.s32 $0x108;
	_ =	swait.ge @!p0 [sflag:s8], $0x0  }
0x24: {  	s3 =	sadd.s32 $0x88, s3;
	s6 =	simm.s32 @!p1 $0x1082;
	[sflag:s4] =	ssyncset.s32 $0xFFFFF086  }
0x25: {  	[simem:s6], [sflag:s4] =	dma.local [hbm:s3], $0xF7A  }
0x26: {  	[smem:$0x3F97] =	sst s1;
	(tag) =	ssettag s2;
	_ =	strace s9  }
0x27: {  	s1 =	sld [smem:$0x3FA7]  }
0x28: {  	s2 =	sld [smem:$0x3FA8]  }
0x29: {  	s4 =	sld [smem:$0x3FAA]  }
0x2a: {  	p0 =	seq.s32 s5, $0x0;
	s5 =	sld [smem:$0x3FAB]  }
0x2b: {  	s6 =	sld [smem:$0x3FAC]  }
0x2c: {  	s7 =	sld [smem:$0x3FAD]  }
0x2d: {  	s3 =	simm.s32 $0x108;
	s8 =	sld [smem:$0x3FAE]  }
0x2e: {  	s3 =	simm.s32 @!p0 $0x1082;
	s9 =	sld [smem:$0x3FAF]  }
0x2f: {  	lr =	sadd.s32 s0, s3;
	s0 =	sld [smem:$0x3FA6]  }
0x30: {  	s3 =	sld [smem:$0x3FA9]  }
0x31: {  	[smem:$0x3FB2] =	sst s10  }
0x32: {  	s10 =	sld [smem:$0x3FB0];
	_ =	sdelay $0x3  }
0x33: {  	p0 =	seq.s32 s10, $0x1;
	s10 =	sld [smem:$0x3FB2];
	_ =	sdelay $0x3  }
0x34: {  	[smem:$0x3FB2] =	sst s10  }
0x35: {  	s10 =	sld [smem:$0x3FB1];
	_ =	sdelay $0x3  }
0x36: {  	p1 =	seq.s32 s10, $0x1;
	s10 =	sld [smem:$0x3FB2];
	_ =	sdelay $0x3  }
0x37: {  	[smem:$0x3FB2] =	sst s10  }
0x38: {  	s10 =	sld [smem:$0x3FB3]  }
0x39: {  	_ = 	snop;
	(pc) =	sbr.ind lr, $3  }
0x3a: {  	_ = 	snop  }
0x3b: {  	_ = 	snop  }
0x3c: {  	p2 =	seq.s32 s10, $0x1;
	s10 =	sld [smem:$0x3FB2]  }
0x3d: {  	_ =	shalt  }
0x3e: {  	_ =	shalt  }
0x3f: {  	_ =	shalt  }
0x40: {  	_ =	shalt  }
0x41: {  	_ =	shalt  }
0x42: {  	_ =	shalt  }
0x43: {  	_ =	shalt  }
0x44: {  	_ =	shalt  }
0x45: {  	_ =	shalt  }
0x46: {  	_ =	shalt  }
0x47: {  	_ =	shalt  }
0x48: {  	_ =	shalt  }
0x49: {  	_ =	shalt  }
0x4a: {  	_ =	shalt  }
0x4b: {  	_ =	shalt  }
0x4c: {  	_ =	shalt  }
0x4d: {  	_ =	shalt  }
0x4e: {  	_ =	shalt  }
0x4f: {  	_ =	shalt  }
0x50: {  	_ =	shalt  }
0x51: {  	_ =	shalt  }
0x52: {  	_ =	shalt  }
0x53: {  	_ =	shalt  }
0x54: {  	_ =	shalt  }
0x55: {  	_ =	shalt  }
0x56: {  	_ =	shalt  }
0x57: {  	_ =	shalt  }
0x58: {  	_ =	shalt  }
0x59: {  	_ =	shalt  }
0x5a: {  	_ =	shalt  }
0x5b: {  	_ =	shalt  }
0x5c: {  	_ =	shalt  }
0x5d: {  	_ =	shalt  }
0x5e: {  	_ =	shalt  }
0x5f: {  	_ =	shalt  }
0x60: {  	_ =	shalt  }
0x61: {  	_ =	shalt  }
0x62: {  	_ =	shalt  }
0x63: {  	_ =	shalt  }
0x64: {  	_ =	shalt  }
0x65: {  	_ =	shalt  }
0x66: {  	_ =	shalt  }
0x67: {  	_ =	shalt  }
0x68: {  	_ =	shalt  }
0x69: {  	_ =	shalt  }
0x6a: {  	_ =	shalt  }
0x6b: {  	_ =	shalt  }
0x6c: {  	_ =	shalt  }
0x6d: {  	_ =	shalt  }
0x6e: {  	_ =	shalt  }
0x6f: {  	_ =	shalt  }
0x70: {  	_ =	shalt  }
0x71: {  	_ =	shalt  }
0x72: {  	_ =	shalt  }
0x73: {  	_ =	shalt  }
0x74: {  	_ =	shalt  }
0x75: {  	_ =	shalt  }
0x76: {  	_ =	shalt  }
0x77: {  	_ =	shalt  }
0x78: {  	_ =	shalt  }
0x79: {  	_ =	shalt  }
0x7a: {  	_ =	shalt  }
0x7b: {  	_ =	shalt  }
0x7c: {  	_ =	shalt  }
0x7d: {  	_ =	shalt  }
0x7e: {  	_ =	shalt  }
0x7f: {  	_ =	shalt  }
0x80: {  	_ =	shalt  }
0x81: {  	_ =	shalt  }
0x82: {  	_ =	shalt  }
0x83: {  	_ =	shalt  }
0x84: {  	_ =	shalt  }
0x85: {  	_ =	shalt  }
0x86: {  	_ =	shalt  }
0x87: {  	_ =	shalt  }
.Lfunc_end0:
.L_simem_size_0:
called_computation.1_lowered:
.L_overlay_start_0:
0x88: {  	s2 =	sld [smem:$0x3FD9]  }
0x89: {  	s3 =	sld [smem:$0x3FFE];
	_ =	sdelay $0x1  }
0x8a: {  	s1 =	srdreg.scid  }
0x8b: {  	s0 =	sand.u32 $0x1, s1  }
0x8c: {  	s16 =	sshll.u32 s0, $0xA;
	s2 =	sadd.s32 s3, s2  }
0x8d: {  	s2 =	sadd.s32 s2, s16  }
0x8e: {  	[smem:$0x3FBE] =	sst s2  }
0x8f: {  	_ = 	snop  }
0x90: {  	(tm) =	ssettm $0x1  }
0x91: {  	s17 =	sld [smem:$0x3FFB];
	_ =	sdelay $0x3  }
0x92: {  	_ =	strace s17  }
0x93: {  	s2 =	sld [smem:$0x3FFC];
	_ =	sdelay $0x3  }
0x94: {  	_ =	strace s2  }
0x95: {  	s2 =	sld [smem:$0x3FFD];
	_ =	sdelay $0x3  }
0x96: {  	_ =	strace s2  }
0x97: {  	_ =	strace $0x8FFFFFFF  }
0x98: {  	s18 =	sld [smem:$0x3FDB];
	_ =	sdelay $0x1  }
0x99: {  	s19 =	simm.s32 $_scs_section_size  }
0x9a: {  	s4 =	simm.s32 $_size__tile_overlayer_lowered;
	s5 =	simm.s32 $_tile_overlayer_lowered  }
0x9b: {  	s22 =	simm.s32 $0x1BFF;
	s21 =	sshll.u32 s5, $0x1;
	s2 =	sadd.s32 s19, s18  }
0x9c: {  	s6 =	simm.s32 $0x0;
	s20 =	sshll.u32 s4, $0x1;
	s4 =	sadd.s32 s21, s2  }
0x9d: {  	[timem:s6], [sflag:s22] =	dma.local [hbm:s4], s20  }
0x9e: {  	_ =	swait.ge [sflag:s22], s20  }
0x9f: {  	s3 =	ssub.s32 $0x0, s20;
	[sflag:s22] =	ssyncset.done $0x0  }
0xa0: {  	[sflag:s22] =	ssyncadd.s32 s3;
	_ =	sdelay $0x1  }
0xa1: {  	s23 =	simm.s32 $0x1B8B  }
0xa2: {  	_ =	swait.ge [sflag:s23], $0x1  }
0xa3: {  	[sflag:s23] =	ssyncset.done $0x0  }
0xa4: {  	s25 =	simm.s32 $0x1B8E;
	s24 =	sld [smem:$0x3FFE];
	[sflag:s23] =	ssyncadd.s32 $0xFFFFFFFF  }
0xa5: {  	s26 =	simm.s32 $execute0_lowered;
	[smem:$0x3FD2] =	sst s25  }
0xa6: {  	s4 =	sshll.u32 s26, $0x1;
	_ =	strace $0x80000049;
	[dreg:$0x1] =	wrdreg $0xFFFFFFFF  }
0xa7: {  	s28 =	simm.s32 $_size_execute0_lowered;
	s2 =	sadd.s32 s2, s4;
	[dreg:$0x0] =	wrdreg $0x0  }
0xa8: {  	s4 =	sshll.u32 s28, $0x1;
	[dreg:$0x2] =	wrdreg s2  }
0xa9: {  	[dreg:$0x3] =	wrdreg s4  }
0xaa: {  	[dreg:$0x4] =	wrdreg $0xC0  }
0xab: {  	_ =	task [dreg:s6], $0x5FFFF  }
0xac: {  	[dreg:$0x1] =	wrdreg $0xFFFFFFFF  }
0xad: {  	[dreg:$0x0] =	wrdreg $0x60  }
0xae: {  	[dreg:$0x2] =	wrdreg s24  }
0xaf: {  	[dreg:$0x3] =	wrdreg $0x8E800  }
0xb0: {  	[dreg:$0x4] =	wrdreg $0x12AC00  }
0xb1: {  	[dreg:$0x5] =	wrdreg $0x9  }
0xb2: {  	_ =	task.clear_ibuf [dreg:s6], $0x6FFFF;
	_ =	strace $0x90000049  }
0xb3: {  	s29 =	simm.s32 $0x9;
	_ =	strace $0x8000004B  }
0xb4: {  	_ =	swait.ge [sflag:s29], $0x1  }
0xb5: {  	[sflag:s29] =	ssyncadd.s32 $0xFFFFFFFF  }
0xb6: {  	_ =	strace $0x9000004B  }
0xb7: {  	_ =	sfence  }
0xb8: {  	s30 =	sld [smem:$0x0];
	_ =	sdelay $0x2  }
0xb9: {  	s31 =	sshll.u32 s1, $0xD;
	s1 =	sshrl.u32 s1, $0x2  }
0xba: {  	s3 =	sand.u32 $0x4000, s31;
	s1 =	sadd.s32 s1, s30  }
0xbb: {  	s0 =	sor.u32 s3, s0;
	s1 =	sshll.u32 s1, $0x11  }
0xbc: {  	s0 =	sor.u32 s1, s0  }
0xbd: {  	s0 =	sadd.s32 $0x8F2B, s0  }
0xbe: {  	[sflag:s0] =	ssyncadd.remote.s32 $0x1  }
0xbf: {  	_ =	sfence.sel $0xFFFF  }
0xc0: {  	[dreg:$0x0] =	wrdreg $0xFFFFFFFF;
	(pc) =	sbr.abs _section_cstart, $3  }
0xc1: {  	[dreg:$0x1] =	wrdreg $0xFFFFFFFF  }
0xc2: {  	_ =	task.clear_ibuf [dreg:s6], $0x2FFFF;
	_ =	strace $0x9FFFFFFF  }
0xc3: {  	(tm) =	ssettm $0x7FFFFFFF  }
tec
execute0_lowered:
.L_overlay_start_1:
0x0: {  	(tag) =	ssettag $0x1  }
0x1: {  	s0 =	stileid.u32;
	s6 =	rddreg [dreg:$0x0]  }
0x2: {  	s1 =	srdreg.scid;
	s2 =	rddreg [dreg:$0x1];
	s16 =	simm.s32 $0x7D  }
0x3: {  	s17 =	simm.s32 $0x5000;
	s18 =	simm.s32 $0x80;
	s19 =	simm.s32 $0x6F40  }
0x4: {  	s20 =	simm.s32 $0x1;
	s21 =	simm.s32 $0x3;
	s22 =	simm.s32 $0x100  }
0x5: {  	s23 =	simm.s32 $0x2;
	s24 =	simm.s32 $0x2880;
	s28 =	simm.s32 $0x4F00  }
0x6: {  	s29 =	simm.s32 $0x4F80;
	s30 =	simm.s32 $0x0;
	s8 =	smul.u32 $0x9C40, s0  }
0x7: {  	s1 =	sand.u32 $0x1, s1;
	s3 =	sshll.u32 s0, $0x1;
	s9 =	smul.u32 $0xA000, s0  }
0x8: {  	s31 =	sshll.u32 s0, $0x6;
	s4 =	sor.u32 s1, s3;
	s10 =	smul.u32 $0xA0000, s1  }
0x9: {  	s3 =	rddreg [dreg:$0x2];
	s1 =	ssub.s32 $0x2, s1;
	s5 =	smul.u32 $0x2800, s4  }
0xa: {  	s4 =	simm.s32 $0x0;
	s7 =	sshrl.u32 s8, $0x3;
	s12 =	sshrl.u32 s1, $0x1  }
0xb: {  	s14 =	sadd.s32 s8, s2;
	s15 =	sadd.s32 s9, s3;
	[smem:$0x7FF] =	sst s4  }
0xc: {  	s11 =	sadd.s32 s7, s6;
	s25 =	sadd.s32 s9, s10;
	s1 =	ssub.s32 s1, s12  }
0xd: {  	s12 =	simm.s32 $0x2800;
	s14 =	sshrl.u32 s14, $0x3;
	s15 =	sshrl.u32 s15, $0x3  }
0xe: {  	_ =	strace $0x8000004A;
	s5 =	sshrl.u32 s5, $0x3;
	s7 =	sshrl.u32 s25, $0x3  }
0xf: {  	s8 =	sadd.s32 $0x2200, s11;
	s10 =	smax.u32 s1, $0x1;
	s11 =	simm.s32 $0x5  }
0x10: {  	s25 =	simm.s32 $0x4;
	s26 =	sadd.s32 s5, s6;
	s5 =	sadd.s32 $0x29C00, s6  }
0x11: {  	s13 =	sadd.s32 s7, s6;
	s6 =	sadd.s32 $0x15C00, s26;
	s7 =	sadd.s32 $0x1FC00, s26  }
0x12: {  	s9 =	sadd.s32 $0x2B000, s13;
	s13 =	sor.u32 $0x1C05, s31;
	s26 =	simm.s32 $0x2780  }
.LBB2_1:
0x13: {  	[tilespmem:s4], [sflag:$0x5] =	stream.linear.gather [hbm4b:s6+s4], $0x2800, $0x38;
	[tilespmem:$0x1CAC0] =	vst v63  }
0x14: {  	_ =	swait.ge [sflag:s11], $0x2800  }
0x15: {  	[sflag:s11] =	ssyncset.done $0x0  }
0x16: {  	[sflag:s11] =	ssyncadd.s32 $0xFFFFD800  }
0x17: {  	[tilespmem:s12], [sflag:$0x5] =	stream.linear.gather [hbm4b:s7+s4], $0x2800, $0x38;
	[tilespmem:$0x1CAC0] =	vst v63  }
0x18: {  	_ =	swait.ge [sflag:s11], $0x2800  }
0x19: {  	[sflag:s11] =	ssyncset.done $0x0  }
0x1a: {  	[sflag:s11] =	ssyncadd.s32 $0xFFFFD800  }
0x1b: {  	[spmem:s14], [sflag:s13] =	dma.local [hbm:s8], $0x1388  }
0x1c: {  	_ =	swait.ge [sflag:s11], $0x1388  }
0x1d: {  	[sflag:s11] =	ssyncset.done $0x0  }
0x1e: {  	[sflag:s11] =	ssyncadd.s32 $0xFFFFEC78  }
0x1f: {  	[spmem:s15], [sflag:s13] =	dma.local [hbm:s5], $0x1400  }
0x20: {  	_ =	swait.ge [sflag:s11], $0x1400  }
0x21: {  	[sflag:s11] =	ssyncset.done $0x0  }
0x22: {  	[sflag:s11] =	ssyncadd.s32 $0xFFFFEC00  }
0x23: {  	[bflag:$0x0] =	sbarrier.arrive $0xFFFF  }
0x24: {  	[tilespmem:s17], [sflag:$0x1] =	stream.indirect.gather [spmem:s2], $0x40, s4, s16, $0xb8;
	[tilespmem:$0x1CAC0] =	vst v63  }
0x25: {  	_ = 	snop  }
0x26: {  	[tilespmem:s19], [sflag:$0x2] =	stream.indirect.gather [spmem:s2], $0x40, s18, s16, $0xb8;
	[tilespmem:$0x1CAC0] =	vst v63  }
0x27: {  	_ =	swait.ge [sflag:s20], $0x1F40  }
0x28: {  	[sflag:s20] =	ssyncset.done $0x0  }
0x29: {  	[sflag:s20] =	ssyncadd.s32 $0xFFFFE0C0  }
0x2a: {  	[spmem:s3] =	stream.indirect.scatter.add.f32 [tilespmem:s17], [sflag:$0x3], $0x40, s12, s16, $0xb8;
	[tilespmem:$0x1CAC0] =	vst v63  }
0x2b: {  	_ =	swait.ge [sflag:s21], $0x1F40  }
0x2c: {  	[sflag:s21] =	ssyncset.done $0x0  }
0x2d: {  	[sflag:s21] =	ssyncadd.s32 $0xFFFFE0C0  }
0x2e: {  	[tilespmem:s17], [sflag:$0x1] =	stream.indirect.gather [spmem:s2], $0x40, s22, s16, $0xb8;
	[tilespmem:$0x1CAC0] =	vst v63  }
0x2f: {  	_ =	swait.ge [sflag:s23], $0x1F40  }
0x30: {  	[sflag:s23] =	ssyncset.done $0x0  }
0x31: {  	[sflag:s23] =	ssyncadd.s32 $0xFFFFE0C0  }
0x32: {  	[spmem:s3] =	stream.indirect.scatter.add.f32 [tilespmem:s19], [sflag:$0x4], $0x40, s24, s16, $0xb8;
	[tilespmem:$0x1CAC0] =	vst v63  }
0x33: {  	_ =	swait.ge [sflag:s25], $0x1F40  }
0x34: {  	[sflag:s25] =	ssyncset.done $0x0  }
0x35: {  	s1 =	simm.s32 $0x180;
	[sflag:s25] =	ssyncadd.s32 $0xFFFFE0C0  }
0x36: {  	[tilespmem:s19], [sflag:$0x2] =	stream.indirect.gather [spmem:s2], $0x40, s1, s16, $0xb8;
	[tilespmem:$0x1CAC0] =	vst v63  }
0x37: {  	_ =	swait.ge [sflag:s20], $0x1F40  }
0x38: {  	[sflag:s20] =	ssyncset.done $0x0  }
0x39: {  	s0 =	simm.s32 $0x2900;
	[sflag:s20] =	ssyncadd.s32 $0xFFFFE0C0  }
0x3a: {  	[spmem:s3] =	stream.indirect.scatter.add.f32 [tilespmem:s17], [sflag:$0x3], $0x40, s0, s16, $0xb8;
	[tilespmem:$0x1CAC0] =	vst v63  }
0x3b: {  	_ =	swait.ge [sflag:s21], $0x1F40  }
0x3c: {  	[sflag:s21] =	ssyncset.done $0x0  }
0x3d: {  	s0 =	simm.s32 $0x200;
	[sflag:s21] =	ssyncadd.s32 $0xFFFFE0C0  }
0x3e: {  	[tilespmem:s17], [sflag:$0x1] =	stream.indirect.gather [spmem:s2], $0x40, s0, s16, $0xb8;
	[tilespmem:$0x1CAC0] =	vst v63  }
0x3f: {  	_ =	swait.ge [sflag:s23], $0x1F40  }
0x40: {  	[sflag:s23] =	ssyncset.done $0x0  }
0x41: {  	s31 =	simm.s32 $0xFFFF6C00;
	s1 =	simm.s32 $0x2980;
	[sflag:s23] =	ssyncadd.s32 $0xFFFFE0C0  }
.LBB2_2:
0x42: {  	[spmem:s3] =	stream.indirect.scatter.add.f32 [tilespmem:s19], [sflag:$0x4], $0x40, s1, s16, $0xb8;
	[tilespmem:$0x1CAC0] =	vst v63  }
0x43: {  	s1 =	smov.u32 s31  }
0x44: {  	p0 =	sne.s32 s31, $0xFFFFFC00;
	s31 =	sadd.s32 $0x400, s31;
	_ =	swait.ge [sflag:s25], $0x1F40  }
0x45: {  	s1 =	sshra.s32 s1, $0x2;
	[sflag:s25] =	ssyncset.done $0x0  }
0x46: {  	s0 =	sadd.s32 $0x2780, s1;
	[sflag:s25] =	ssyncadd.s32 $0xFFFFE0C0  }
0x47: {  	[tilespmem:s19], [sflag:$0x2] =	stream.indirect.gather [spmem:s2], $0x40, s0, s16, $0xb8;
	[tilespmem:$0x1CAC0] =	vst v63  }
0x48: {  	_ =	swait.ge [sflag:s20], $0x1F40  }
0x49: {  	[sflag:s20] =	ssyncset.done $0x0  }
0x4a: {  	s0 =	sadd.s32 $0x4F00, s1;
	[sflag:s20] =	ssyncadd.s32 $0xFFFFE0C0  }
0x4b: {  	[spmem:s3] =	stream.indirect.scatter.add.f32 [tilespmem:s17], [sflag:$0x3], $0x40, s0, s16, $0xb8;
	[tilespmem:$0x1CAC0] =	vst v63  }
0x4c: {  	_ =	swait.ge [sflag:s21], $0x1F40  }
0x4d: {  	[sflag:s21] =	ssyncset.done $0x0  }
.Ltmp0:
0x4e: {  	s0 =	sadd.s32 $0x2800, s1;
	[sflag:s21] =	ssyncadd.s32 $0xFFFFE0C0;
	(pc) =	sbr.rel @p0 .LBB2_2-.Ltmp0, $4  }
0x4f: {  	[tilespmem:s17], [sflag:$0x1] =	stream.indirect.gather [spmem:s2], $0x40, s0, s16, $0xb8;
	[tilespmem:$0x1CAC0] =	vst v63  }
0x50: {  	_ =	swait.ge [sflag:s23], $0x1F40  }
0x51: {  	[sflag:s23] =	ssyncset.done $0x0  }
0x52: {  	s1 =	sadd.s32 $0x4F80, s1;
	[sflag:s23] =	ssyncadd.s32 $0xFFFFE0C0  }
0x53: {  	[spmem:s3] =	stream.indirect.scatter.add.f32 [tilespmem:s19], [sflag:$0x4], $0x40, s1, s16, $0xb8;
	[tilespmem:$0x1CAC0] =	vst v63  }
0x54: {  	_ =	swait.ge [sflag:s25], $0x1F40  }
0x55: {  	[sflag:s25] =	ssyncset.done $0x0  }
0x56: {  	[sflag:s25] =	ssyncadd.s32 $0xFFFFE0C0  }
0x57: {  	[tilespmem:s19], [sflag:$0x2] =	stream.indirect.gather [spmem:s2], $0x40, s26, s16, $0xb8;
	[tilespmem:$0x1CAC0] =	vst v63  }
0x58: {  	_ =	swait.ge [sflag:s20], $0x1F40  }
0x59: {  	[sflag:s20] =	ssyncset.done $0x0  }
0x5a: {  	[sflag:s20] =	ssyncadd.s32 $0xFFFFE0C0  }
0x5b: {  	[spmem:s3] =	stream.indirect.scatter.add.f32 [tilespmem:s17], [sflag:$0x3], $0x40, s28, s16, $0xb8;
	[tilespmem:$0x1CAC0] =	vst v63  }
0x5c: {  	_ =	swait.ge [sflag:s21], $0x1F40  }
0x5d: {  	[sflag:s21] =	ssyncset.done $0x0  }
0x5e: {  	[sflag:s21] =	ssyncadd.s32 $0xFFFFE0C0  }
0x5f: {  	_ =	swait.ge [sflag:s23], $0x1F40  }
0x60: {  	[sflag:s23] =	ssyncset.done $0x0  }
0x61: {  	[sflag:s23] =	ssyncadd.s32 $0xFFFFE0C0  }
0x62: {  	[spmem:s3] =	stream.indirect.scatter.add.f32 [tilespmem:s19], [sflag:$0x4], $0x40, s29, s16, $0xb8;
	[tilespmem:$0x1CAC0] =	vst v63  }
0x63: {  	_ =	swait.ge [sflag:s25], $0x1F40  }
0x64: {  	s30 =	sadd.s32 $0x1, s30;
	[sflag:s25] =	ssyncset.done $0x0  }
0x65: {  	p0 =	sne.s32 s30, s10;
	[sflag:s25] =	ssyncadd.s32 $0xFFFFE0C0  }
.Ltmp1:
0x66: {  	[bflag:$0x0] =	sbarrier.arrive $0xFFFF;
	(pc) =	sbr.rel @p0 .LBB2_1-.Ltmp1, $4  }
0x67: {  	[hbm:s9], [sflag:s13] =	dma.local [spmem:s15], $0x1400  }
0x68: {  	_ =	swait.ge [sflag:s11], $0x1400  }
0x69: {  	[sflag:s11] =	ssyncset.done $0x0  }
0x6a: {  	[sflag:s11] =	ssyncadd.s32 $0xFFFFEC00  }
0x6b: {  	_ =	sfence.sel $0x180000  }
0x6c: {  	[bflag:$0x0] =	sbarrier.arrive $0xFFFF  }
0x6d: {  	_ =	strace $0x9000004A  }
0x6e: {  	s0 =	stileid.u32;
	[bflag:$0x2] =	sbarrier.arrive $0xFFFF  }
0x6f: {  	p0 =	sne.s32 s0, $0x0;
	s0 =	rddreg [dreg:$0x3]  }
0x70: {  	s0 =	sadd.s32 @!p0 $0x100000, s0  }
0x71: {  	[sflag:s0] =	ssyncadd.tile.s32 @!p0 $0x1;
	_ =	shalt  }
.Lfunc_end2:
_tile_overlayer_lowered:
.L_overlay_start_2:
0x72: {  	(tag) =	ssettag $0x2  }
0x73: {  	s0 =	rddreg [dreg:$0x0];
	s2 =	stileid.u32  }
0x74: {  	s1 =	rddreg [dreg:$0x1];
	p0 =	sne.s32 s2, $0x0  }
0x75: {  	s3 =	rddreg [dreg:$0x2];
	[bflag:$0x3] =	sbarrier.arrive $0xFFFF;
	s2 =	simm.s32 @!p0 $0x1C05  }
0x76: {  	[timem:s3], [sflag:s2] =	dma.local @!p0 [hbm:s0], s1  }
0x77: {  	s0 =	simm.s32 @!p0 $0x5  }
0x78: {  	_ =	swait.ge @!p0 [sflag:s0], s1  }
0x79: {  	s1 =	ssub.s32 @!p0 $0x0, s1;
	[sflag:s0] =	ssyncset.done @!p0 $0x0  }
0x7a: {  	[sflag:s0] =	ssyncadd.s32 @!p0 s1  }
0x7b: {  	[bflag:$0x3] =	sbarrier.arrive $0xFFFF  }
0x7c: {  	_ =	shalt  }

// kernel: kernel.7.cloned.1.call-start
scs
__scs_entry_jumppad:
0x0: {  	(pc) =	sbr.rel $0x88, $3  }
0x1: {  	(tag) =	ssettag $0x0;
	lr =	simm.s32 $0x1  }
0x2: {  	[smem:$0x3F97] =	sst lr;
	_ =	strace $0xD0000000  }
0x3: {  	_ = 	snop  }
0x4: {  	_ = 	snop  }
0x5: {  	_ = 	snop  }
0x6: {  	_ = 	snop  }
0x7: {  	_ = 	snop  }
__scs_overlays_trampoline_lowered:
0x8: {  	[smem:$0x3FA6] =	sst s0  }
0x9: {  	[smem:$0x3FA7] =	sst s1  }
0xa: {  	[smem:$0x3FA8] =	sst s2  }
0xb: {  	[smem:$0x3FA9] =	sst s3  }
0xc: {  	[smem:$0x3FAA] =	sst s4  }
0xd: {  	[smem:$0x3FAB] =	sst s5  }
0xe: {  	[smem:$0x3FAC] =	sst s6  }
0xf: {  	[smem:$0x3FAD] =	sst s7  }
0x10: {  	[smem:$0x3FAE] =	sst s8  }
0x11: {  	[smem:$0x3FAF] =	sst s9;
	s0 =	simm.s32 @!p0 $0x0  }
0x12: {  	s1 =	sld [smem:$0x3F95];
	s0 =	simm.s32 @p0 $0x1  }
0x13: {  	[smem:$0x3FB0] =	sst s0;
	s0 =	simm.s32 @!p1 $0x0  }
0x14: {  	s2 =	sld [smem:$0x3F94];
	s0 =	simm.s32 @p1 $0x1  }
0x15: {  	[smem:$0x3FB1] =	sst s0;
	s0 =	simm.s32 @!p2 $0x0  }
0x16: {  	s3 =	sld [smem:$0x3FDB];
	s0 =	simm.s32 @p2 $0x1  }
0x17: {  	s4 =	simm.s32 $0x1BF5;
	[smem:$0x3FB3] =	sst s0  }
0x18: {  	s0 =	sld [smem:$0x3F96];
	_ =	swait.ge [sflag:s4], $0x0  }
0x19: {  	s7 =	sld [smem:$0x3F97]  }
0x1a: {  	s8 =	sadd.s32 $0xFFFFE003, lr  }
0x1b: {  	s9 =	sadd.s32 $0xFFFFFEF7, lr;
	s5 =	simm.s32 $0xFFFFFFFF;
	p2 =	slt.u32 s8, $0xFFFFF086  }
0x1c: {  	p1 =	slt.u32 s9, $0xF7A;
	s5 =	simm.s32 @!p2 $0x0  }
0x1d: {  	s5 =	simm.s32 @p1 $0x1;
	p0 =	seq.s32 s7, s2  }
0x1e: {  	s7 =	smul.u32 @!p0 $0xF7A, s2;
	p2 =	seq.s32 @!p0 s5, $0x0  }
0x1f: {  	s9 =	smul.u32 $0xF7A, s1;
	s8 =	simm.s32 @!p0 $0x1BF5;
	p2 =	por !p2, p0  }
0x20: {  	[sflag:s8] =	ssyncset.s32 @!p0 $0xFFFFF086;
	s6 =	sadd.s32 @!p0 s3, s7;
	s7 =	simm.s32 @!p0 $0x108  }
0x21: {  	s3 =	sadd.s32 s3, s9;
	s6 =	sadd.s32 @!p0 $0x88, s6;
	s7 =	simm.s32 @p2 $0x1082  }
0x22: {  	[simem:s7], [sflag:s8] =	dma.local @!p0 [hbm:s6], $0xF7A  }
0x23: {  	s9 =	sor.u32 $0xD0000000, s2;
	s6 =	simm.s32 $0x108;
	_ =	swait.ge @!p0 [sflag:s8], $0x0  }
0x24: {  	s3 =	sadd.s32 $0x88, s3;
	s6 =	simm.s32 @!p1 $0x1082;
	[sflag:s4] =	ssyncset.s32 $0xFFFFF086  }
0x25: {  	[simem:s6], [sflag:s4] =	dma.local [hbm:s3], $0xF7A  }
0x26: {  	[smem:$0x3F97] =	sst s1;
	(tag) =	ssettag s2;
	_ =	strace s9  }
0x27: {  	s1 =	sld [smem:$0x3FA7]  }
0x28: {  	s2 =	sld [smem:$0x3FA8]  }
0x29: {  	s4 =	sld [smem:$0x3FAA]  }
0x2a: {  	p0 =	seq.s32 s5, $0x0;
	s5 =	sld [smem:$0x3FAB]  }
0x2b: {  	s6 =	sld [smem:$0x3FAC]  }
0x2c: {  	s7 =	sld [smem:$0x3FAD]  }
0x2d: {  	s3 =	simm.s32 $0x108;
	s8 =	sld [smem:$0x3FAE]  }
0x2e: {  	s3 =	simm.s32 @!p0 $0x1082;
	s9 =	sld [smem:$0x3FAF]  }
0x2f: {  	lr =	sadd.s32 s0, s3;
	s0 =	sld [smem:$0x3FA6]  }
0x30: {  	s3 =	sld [smem:$0x3FA9]  }
0x31: {  	[smem:$0x3FB2] =	sst s10  }
0x32: {  	s10 =	sld [smem:$0x3FB0];
	_ =	sdelay $0x3  }
0x33: {  	p0 =	seq.s32 s10, $0x1;
	s10 =	sld [smem:$0x3FB2];
	_ =	sdelay $0x3  }
0x34: {  	[smem:$0x3FB2] =	sst s10  }
0x35: {  	s10 =	sld [smem:$0x3FB1];
	_ =	sdelay $0x3  }
0x36: {  	p1 =	seq.s32 s10, $0x1;
	s10 =	sld [smem:$0x3FB2];
	_ =	sdelay $0x3  }
0x37: {  	[smem:$0x3FB2] =	sst s10  }
0x38: {  	s10 =	sld [smem:$0x3FB3]  }
0x39: {  	_ = 	snop;
	(pc) =	sbr.ind lr, $3  }
0x3a: {  	_ = 	snop  }
0x3b: {  	_ = 	snop  }
0x3c: {  	p2 =	seq.s32 s10, $0x1;
	s10 =	sld [smem:$0x3FB2]  }
0x3d: {  	_ =	shalt  }
0x3e: {  	_ =	shalt  }
0x3f: {  	_ =	shalt  }
0x40: {  	_ =	shalt  }
0x41: {  	_ =	shalt  }
0x42: {  	_ =	shalt  }
0x43: {  	_ =	shalt  }
0x44: {  	_ =	shalt  }
0x45: {  	_ =	shalt  }
0x46: {  	_ =	shalt  }
0x47: {  	_ =	shalt  }
0x48: {  	_ =	shalt  }
0x49: {  	_ =	shalt  }
0x4a: {  	_ =	shalt  }
0x4b: {  	_ =	shalt  }
0x4c: {  	_ =	shalt  }
0x4d: {  	_ =	shalt  }
0x4e: {  	_ =	shalt  }
0x4f: {  	_ =	shalt  }
0x50: {  	_ =	shalt  }
0x51: {  	_ =	shalt  }
0x52: {  	_ =	shalt  }
0x53: {  	_ =	shalt  }
0x54: {  	_ =	shalt  }
0x55: {  	_ =	shalt  }
0x56: {  	_ =	shalt  }
0x57: {  	_ =	shalt  }
0x58: {  	_ =	shalt  }
0x59: {  	_ =	shalt  }
0x5a: {  	_ =	shalt  }
0x5b: {  	_ =	shalt  }
0x5c: {  	_ =	shalt  }
0x5d: {  	_ =	shalt  }
0x5e: {  	_ =	shalt  }
0x5f: {  	_ =	shalt  }
0x60: {  	_ =	shalt  }
0x61: {  	_ =	shalt  }
0x62: {  	_ =	shalt  }
0x63: {  	_ =	shalt  }
0x64: {  	_ =	shalt  }
0x65: {  	_ =	shalt  }
0x66: {  	_ =	shalt  }
0x67: {  	_ =	shalt  }
0x68: {  	_ =	shalt  }
0x69: {  	_ =	shalt  }
0x6a: {  	_ =	shalt  }
0x6b: {  	_ =	shalt  }
0x6c: {  	_ =	shalt  }
0x6d: {  	_ =	shalt  }
0x6e: {  	_ =	shalt  }
0x6f: {  	_ =	shalt  }
0x70: {  	_ =	shalt  }
0x71: {  	_ =	shalt  }
0x72: {  	_ =	shalt  }
0x73: {  	_ =	shalt  }
0x74: {  	_ =	shalt  }
0x75: {  	_ =	shalt  }
0x76: {  	_ =	shalt  }
0x77: {  	_ =	shalt  }
0x78: {  	_ =	shalt  }
0x79: {  	_ =	shalt  }
0x7a: {  	_ =	shalt  }
0x7b: {  	_ =	shalt  }
0x7c: {  	_ =	shalt  }
0x7d: {  	_ =	shalt  }
0x7e: {  	_ =	shalt  }
0x7f: {  	_ =	shalt  }
0x80: {  	_ =	shalt  }
0x81: {  	_ =	shalt  }
0x82: {  	_ =	shalt  }
0x83: {  	_ =	shalt  }
0x84: {  	_ =	shalt  }
0x85: {  	_ =	shalt  }
0x86: {  	_ =	shalt  }
0x87: {  	_ =	shalt  }
.Lfunc_end0:
.L_simem_size_0:
called_computation_lowered:
.L_overlay_start_0:
0x88: {  	s2 =	sld [smem:$0x3FD9]  }
0x89: {  	s3 =	sld [smem:$0x3FFE];
	_ =	sdelay $0x1  }
0x8a: {  	s1 =	srdreg.scid  }
0x8b: {  	s0 =	sand.u32 $0x1, s1  }
0x8c: {  	s17 =	sshll.u32 s0, $0xA;
	s2 =	sadd.s32 s3, s2  }
0x8d: {  	s2 =	sadd.s32 s2, s17  }
0x8e: {  	[smem:$0x3FBE] =	sst s2  }
0x8f: {  	_ = 	snop  }
0x90: {  	s2 =	sld [smem:$0x3FD0];
	(tm) =	ssettm $0x1  }
0x91: {  	s18 =	sld [smem:$0x3FFB];
	_ =	sdelay $0x3  }
0x92: {  	_ =	strace s18  }
0x93: {  	s3 =	sld [smem:$0x3FFC];
	_ =	sdelay $0x3  }
0x94: {  	_ =	strace s3  }
0x95: {  	s3 =	sld [smem:$0x3FFD];
	_ =	sdelay $0x3  }
0x96: {  	_ =	strace s3  }
0x97: {  	_ =	strace $0x8FFFFFFF  }
0x98: {  	s19 =	sld [smem:$0x3FDB];
	_ =	sdelay $0x1  }
0x99: {  	s4 =	simm.s32 $_scs_section_size  }
0x9a: {  	s5 =	simm.s32 $_size__tile_overlayer_lowered;
	s6 =	simm.s32 $_tile_overlayer_lowered  }
0x9b: {  	s22 =	simm.s32 $0x1BFF;
	s21 =	sshll.u32 s6, $0x1;
	s3 =	sadd.s32 s4, s19  }
0x9c: {  	s7 =	simm.s32 $0x0;
	s20 =	sshll.u32 s5, $0x1;
	s5 =	sadd.s32 s21, s3  }
0x9d: {  	[timem:s7], [sflag:s22] =	dma.local [hbm:s5], s20  }
0x9e: {  	_ =	swait.ge [sflag:s22], s20  }
0x9f: {  	s4 =	ssub.s32 $0x0, s20;
	[sflag:s22] =	ssyncset.done $0x0  }
0xa0: {  	[sflag:s22] =	ssyncadd.s32 s4;
	_ =	sdelay $0x1  }
0xa1: {  	s23 =	simm.s32 $0x1B8B  }
0xa2: {  	_ =	swait.ge [sflag:s23], $0x1  }
0xa3: {  	[sflag:s23] =	ssyncset.done $0x0  }
0xa4: {  	s25 =	simm.s32 $0x1B8E;
	s24 =	sld [smem:$0x3FFE];
	[sflag:s23] =	ssyncadd.s32 $0xFFFFFFFF  }
0xa5: {  	s26 =	simm.s32 $execute0_lowered;
	[smem:$0x3FD2] =	sst s25  }
0xa6: {  	s5 =	sshll.u32 s26, $0x1;
	_ =	strace $0x80000046;
	[dreg:$0x1] =	wrdreg $0xFFFFFFFF  }
0xa7: {  	s28 =	simm.s32 $_size_execute0_lowered;
	s3 =	sadd.s32 s3, s5;
	[dreg:$0x0] =	wrdreg $0x0  }
0xa8: {  	s5 =	sshll.u32 s28, $0x1;
	[dreg:$0x2] =	wrdreg s3  }
0xa9: {  	[dreg:$0x3] =	wrdreg s5  }
0xaa: {  	[dreg:$0x4] =	wrdreg $0xC0  }
0xab: {  	_ =	task [dreg:s7], $0x5FFFF  }
0xac: {  	[dreg:$0x1] =	wrdreg $0xFFFFFFFF  }
0xad: {  	[dreg:$0x0] =	wrdreg $0x60  }
0xae: {  	[dreg:$0x2] =	wrdreg s24  }
0xaf: {  	[dreg:$0x3] =	wrdreg s2  }
0xb0: {  	[dreg:$0x4] =	wrdreg $0x96500  }
0xb1: {  	[dreg:$0x5] =	wrdreg $0x132900  }
0xb2: {  	[dreg:$0x6] =	wrdreg $0x1D2900  }
0xb3: {  	[dreg:$0x7] =	wrdreg $0x9  }
0xb4: {  	_ =	task.clear_ibuf [dreg:s7], $0x8FFFF;
	_ =	strace $0x90000046  }
0xb5: {  	s29 =	simm.s32 $0x9;
	_ =	strace $0x80000048  }
0xb6: {  	_ =	swait.ge [sflag:s29], $0x1  }
0xb7: {  	[sflag:s29] =	ssyncadd.s32 $0xFFFFFFFF  }
0xb8: {  	_ =	strace $0x90000048  }
0xb9: {  	_ =	sfence  }
0xba: {  	s30 =	sld [smem:$0x0];
	_ =	sdelay $0x2  }
0xbb: {  	s31 =	sshll.u32 s1, $0xD;
	s1 =	sshrl.u32 s1, $0x2  }
0xbc: {  	s3 =	sand.u32 $0x4000, s31;
	s1 =	sadd.s32 s1, s30  }
0xbd: {  	s0 =	sor.u32 s3, s0;
	s1 =	sshll.u32 s1, $0x11  }
0xbe: {  	s0 =	sor.u32 s1, s0  }
0xbf: {  	s0 =	sadd.s32 $0x8F2B, s0  }
0xc0: {  	[sflag:s0] =	ssyncadd.remote.s32 $0x1  }
0xc1: {  	_ =	sfence.sel $0xFFFF  }
0xc2: {  	[dreg:$0x0] =	wrdreg $0xFFFFFFFF;
	(pc) =	sbr.abs _section_cstart, $3  }
0xc3: {  	[dreg:$0x1] =	wrdreg $0xFFFFFFFF  }
0xc4: {  	_ =	task.clear_ibuf [dreg:s7], $0x2FFFF;
	_ =	strace $0x9FFFFFFF  }
0xc5: {  	(tm) =	ssettm $0x7FFFFFFF  }
tec
execute0_lowered:
.L_overlay_start_1:
0x0: {  	(tag) =	ssettag $0x1  }
0x1: {  	s0 =	rddreg [dreg:$0x0]  }
0x2: {  	s1 =	rddreg [dreg:$0x1]  }
0x3: {  	s2 =	rddreg [dreg:$0x2]  }
0x4: {  	s3 =	rddreg [dreg:$0x3]  }
0x5: {  	s4 =	rddreg [dreg:$0x4]  }
0x6: {  	s16 =	stileid.u32;
	s5 =	srdreg.scid;
	s20 =	simm.s32 $0x7D  }
0x7: {  	s21 =	simm.s32 $0x5000;
	s29 =	simm.s32 $0x2880;
	s30 =	simm.s32 $0x2  }
0x8: {  	s31 =	simm.s32 $0x5;
	s28 =	simm.s32 $0x4F80;
	s6 =	sand.u32 $0x1, s5  }
0x9: {  	s7 =	sshll.u32 s16, $0x1;
	s5 =	simm.s32 $0x0;
	s10 =	smul.u32 $0x9C40, s16  }
0xa: {  	s11 =	smul.u32 $0xA000, s16;
	s23 =	sadd.s32 $0x29C00, s0;
	s24 =	sadd.s32 $0x2B000, s0  }
0xb: {  	s14 =	smul.u32 $0x2800, s16;
	s26 =	sshll.u32 s16, $0x6;
	s7 =	sor.u32 s6, s7  }
0xc: {  	[smem:$0x7FF] =	sst s5;
	s22 =	smul.u32 $0xA0000, s6;
	s13 =	ssub.s32 $0x2, s6  }
0xd: {  	s6 =	smul.u32 $0x28000, s6;
	s16 =	sor.u32 $0x1C06, s26;
	s26 =	simm.s32 $0x3  }
0xe: {  	s7 =	smul.u32 $0x2800, s7;
	_ =	strace $0x80000047;
	[dreg:$0x6] =	wrdreg s23  }
0xf: {  	s8 =	sshrl.u32 s10, $0x3;
	[dreg:$0x7] =	wrdreg s24;
	s15 =	sshrl.u32 s13, $0x1  }
0x10: {  	s17 =	sadd.s32 s10, s2;
	s18 =	sadd.s32 s11, s3;
	s19 =	sadd.s32 s14, s4  }
0x11: {  	s23 =	simm.s32 $0x6F40;
	s24 =	simm.s32 $0x8E80;
	s12 =	sadd.s32 s8, s0  }
0x12: {  	s8 =	sadd.s32 s11, s22;
	s13 =	ssub.s32 s13, s15;
	s6 =	sadd.s32 s14, s6  }
0x13: {  	s14 =	simm.s32 $0x6;
	s15 =	simm.s32 $0x2800;
	s17 =	sshrl.u32 s17, $0x3  }
0x14: {  	s18 =	sshrl.u32 s18, $0x3;
	s19 =	sshrl.u32 s19, $0x3;
	s22 =	simm.s32 $0x4F00  }
0x15: {  	s7 =	sshrl.u32 s7, $0x3;
	s8 =	sshrl.u32 s8, $0x3;
	s10 =	sadd.s32 $0x2200, s12  }
0x16: {  	s6 =	sshrl.u32 s6, $0x3;
	s13 =	smax.u32 s13, $0x1;
	s9 =	sadd.s32 s7, s0  }
0x17: {  	s0 =	sadd.s32 s8, s0;
	s12 =	sadd.s32 s1, s6;
	s1 =	simm.s32 $0x0  }
0x18: {  	s25 =	sadd.s32 $0x15C00, s9;
	s9 =	sadd.s32 $0x1FC00, s9;
	s11 =	sadd.s32 $0x2B600, s0  }
0x19: {  	v0 =	vimm.f32 $1.000000000e+00;
	s0 =	simm.s32 $0x4;
	[dreg:$0x8] =	wrdreg s25;
	s25 =	simm.s32 $0x1  }
.LBB2_1:
0x1a: {  	s6 =	rddreg [dreg:$0x8]  }
0x1b: {  	[tilespmem:s5], [sflag:$0x6] =	stream.linear.gather [hbm4b:s6+s5], $0x2800, $0x38;
	[tilespmem:$0x1FA90] =	vst v63  }
0x1c: {  	_ =	swait.ge [sflag:s14], $0x2800  }
0x1d: {  	[sflag:s14] =	ssyncset.done $0x0  }
0x1e: {  	[sflag:s14] =	ssyncadd.s32 $0xFFFFD800  }
0x1f: {  	[tilespmem:s15], [sflag:$0x6] =	stream.linear.gather [hbm4b:s9+s5], $0x2800, $0x38;
	[tilespmem:$0x1FA90] =	vst v63  }
0x20: {  	_ =	swait.ge [sflag:s14], $0x2800  }
0x21: {  	[sflag:s14] =	ssyncset.done $0x0  }
0x22: {  	[sflag:s14] =	ssyncadd.s32 $0xFFFFD800  }
0x23: {  	[spmem:s17], [sflag:s16] =	dma.local [hbm:s10], $0x1388  }
0x24: {  	_ =	swait.ge [sflag:s14], $0x1388  }
0x25: {  	[sflag:s14] =	ssyncset.done $0x0  }
0x26: {  	s7 =	rddreg [dreg:$0x6];
	[sflag:s14] =	ssyncadd.s32 $0xFFFFEC78  }
0x27: {  	[spmem:s18], [sflag:s16] =	dma.local [hbm:s7], $0x1400  }
0x28: {  	_ =	swait.ge [sflag:s14], $0x1400  }
0x29: {  	[sflag:s14] =	ssyncset.done $0x0  }
0x2a: {  	s8 =	rddreg [dreg:$0x7];
	[sflag:s14] =	ssyncadd.s32 $0xFFFFEC00  }
0x2b: {  	[spmem:s19], [sflag:s16] =	dma.local [hbm:s8], $0x500  }
0x2c: {  	_ =	swait.ge [sflag:s14], $0x500  }
0x2d: {  	[sflag:s14] =	ssyncset.done $0x0  }
0x2e: {  	[sflag:s14] =	ssyncadd.s32 $0xFFFFFB00  }
0x2f: {  	[tilespmem:$0x8E80] =	vst v0  }
0x30: {  	[tilespmem:$0x8E90] =	vst v0  }
0x31: {  	[tilespmem:$0x8EA0] =	vst v0  }
0x32: {  	[tilespmem:$0x8EB0] =	vst v0  }
0x33: {  	[tilespmem:$0x8EC0] =	vst v0  }
0x34: {  	[tilespmem:$0x8ED0] =	vst v0  }
0x35: {  	[tilespmem:$0x8EE0] =	vst v0  }
0x36: {  	[tilespmem:$0x8EF0] =	vst v0  }
0x37: {  	[tilespmem:$0x8F00] =	vst v0  }
0x38: {  	[tilespmem:$0x8F10] =	vst v0  }
0x39: {  	[tilespmem:$0x8F20] =	vst v0  }
0x3a: {  	[tilespmem:$0x8F30] =	vst v0  }
0x3b: {  	[tilespmem:$0x8F40] =	vst v0  }
0x3c: {  	[tilespmem:$0x8F50] =	vst v0  }
0x3d: {  	[tilespmem:$0x8F60] =	vst v0  }
0x3e: {  	[tilespmem:$0x8F70] =	vst v0  }
0x3f: {  	[tilespmem:$0x8F80] =	vst v0  }
0x40: {  	[tilespmem:$0x8F90] =	vst v0  }
0x41: {  	[tilespmem:$0x8FA0] =	vst v0  }
0x42: {  	[tilespmem:$0x8FB0] =	vst v0  }
0x43: {  	[tilespmem:$0x8FC0] =	vst v0  }
0x44: {  	[tilespmem:$0x8FD0] =	vst v0  }
0x45: {  	[tilespmem:$0x8FE0] =	vst v0  }
0x46: {  	[tilespmem:$0x8FF0] =	vst v0  }
0x47: {  	[tilespmem:$0x9000] =	vst v0  }
0x48: {  	[tilespmem:$0x9010] =	vst v0  }
0x49: {  	[tilespmem:$0x9020] =	vst v0  }
0x4a: {  	[tilespmem:$0x9030] =	vst v0  }
0x4b: {  	[tilespmem:$0x9040] =	vst v0  }
0x4c: {  	[tilespmem:$0x9050] =	vst v0  }
0x4d: {  	[tilespmem:$0x9060] =	vst v0  }
0x4e: {  	[tilespmem:$0x9070] =	vst v0  }
0x4f: {  	[tilespmem:$0x9080] =	vst v0  }
0x50: {  	[tilespmem:$0x9090] =	vst v0  }
0x51: {  	[tilespmem:$0x90A0] =	vst v0  }
0x52: {  	[tilespmem:$0x90B0] =	vst v0  }
0x53: {  	[tilespmem:$0x90C0] =	vst v0  }
0x54: {  	[tilespmem:$0x90D0] =	vst v0  }
0x55: {  	[tilespmem:$0x90E0] =	vst v0  }
0x56: {  	[tilespmem:$0x90F0] =	vst v0  }
0x57: {  	[tilespmem:$0x9100] =	vst v0  }
0x58: {  	[tilespmem:$0x9110] =	vst v0  }
0x59: {  	[tilespmem:$0x9120] =	vst v0  }
0x5a: {  	[tilespmem:$0x9130] =	vst v0  }
0x5b: {  	[tilespmem:$0x9140] =	vst v0  }
0x5c: {  	[tilespmem:$0x9150] =	vst v0  }
0x5d: {  	[tilespmem:$0x9160] =	vst v0  }
0x5e: {  	[tilespmem:$0x9170] =	vst v0  }
0x5f: {  	[tilespmem:$0x9180] =	vst v0  }
0x60: {  	[tilespmem:$0x9190] =	vst v0  }
0x61: {  	[tilespmem:$0x91A0] =	vst v0  }
0x62: {  	[tilespmem:$0x91B0] =	vst v0  }
0x63: {  	[tilespmem:$0x91C0] =	vst v0  }
0x64: {  	[tilespmem:$0x91D0] =	vst v0  }
0x65: {  	[tilespmem:$0x91E0] =	vst v0  }
0x66: {  	[tilespmem:$0x91F0] =	vst v0  }
0x67: {  	[tilespmem:$0x9200] =	vst v0  }
0x68: {  	[tilespmem:$0x9210] =	vst v0  }
0x69: {  	[tilespmem:$0x9220] =	vst v0  }
0x6a: {  	[tilespmem:$0x9230] =	vst v0  }
0x6b: {  	[tilespmem:$0x9240] =	vst v0  }
0x6c: {  	[tilespmem:$0x9250] =	vst v0  }
0x6d: {  	[tilespmem:$0x9260] =	vst v0  }
0x6e: {  	[tilespmem:$0x9270] =	vst v0  }
0x6f: {  	[tilespmem:$0x9280] =	vst v0  }
0x70: {  	[tilespmem:$0x9290] =	vst v0  }
0x71: {  	[tilespmem:$0x92A0] =	vst v0  }
0x72: {  	[tilespmem:$0x92B0] =	vst v0  }
0x73: {  	[tilespmem:$0x92C0] =	vst v0  }
0x74: {  	[tilespmem:$0x92D0] =	vst v0  }
0x75: {  	[tilespmem:$0x92E0] =	vst v0  }
0x76: {  	[tilespmem:$0x92F0] =	vst v0  }
0x77: {  	[tilespmem:$0x9300] =	vst v0  }
0x78: {  	[tilespmem:$0x9310] =	vst v0  }
0x79: {  	[tilespmem:$0x9320] =	vst v0  }
0x7a: {  	[tilespmem:$0x9330] =	vst v0  }
0x7b: {  	[tilespmem:$0x9340] =	vst v0  }
0x7c: {  	[tilespmem:$0x9350] =	vst v0  }
0x7d: {  	[tilespmem:$0x9360] =	vst v0  }
0x7e: {  	[tilespmem:$0x9370] =	vst v0  }
0x7f: {  	[tilespmem:$0x9380] =	vst v0  }
0x80: {  	[tilespmem:$0x9390] =	vst v0  }
0x81: {  	[tilespmem:$0x93A0] =	vst v0  }
0x82: {  	[tilespmem:$0x93B0] =	vst v0  }
0x83: {  	[tilespmem:$0x93C0] =	vst v0  }
0x84: {  	[tilespmem:$0x93D0] =	vst v0  }
0x85: {  	[tilespmem:$0x93E0] =	vst v0  }
0x86: {  	[tilespmem:$0x93F0] =	vst v0  }
0x87: {  	[tilespmem:$0x9400] =	vst v0  }
0x88: {  	[tilespmem:$0x9410] =	vst v0  }
0x89: {  	[tilespmem:$0x9420] =	vst v0  }
0x8a: {  	[tilespmem:$0x9430] =	vst v0  }
0x8b: {  	[tilespmem:$0x9440] =	vst v0  }
0x8c: {  	[tilespmem:$0x9450] =	vst v0  }
0x8d: {  	[tilespmem:$0x9460] =	vst v0  }
0x8e: {  	[tilespmem:$0x9470] =	vst v0  }
0x8f: {  	[tilespmem:$0x9480] =	vst v0  }
0x90: {  	[tilespmem:$0x9490] =	vst v0  }
0x91: {  	[tilespmem:$0x94A0] =	vst v0  }
0x92: {  	[tilespmem:$0x94B0] =	vst v0  }
0x93: {  	[tilespmem:$0x94C0] =	vst v0  }
0x94: {  	[tilespmem:$0x94D0] =	vst v0  }
0x95: {  	[tilespmem:$0x94E0] =	vst v0  }
0x96: {  	[tilespmem:$0x94F0] =	vst v0  }
0x97: {  	[tilespmem:$0x9500] =	vst v0  }
0x98: {  	[tilespmem:$0x9510] =	vst v0  }
0x99: {  	[tilespmem:$0x9520] =	vst v0  }
0x9a: {  	[tilespmem:$0x9530] =	vst v0  }
0x9b: {  	[tilespmem:$0x9540] =	vst v0  }
0x9c: {  	[tilespmem:$0x9550] =	vst v0  }
0x9d: {  	[tilespmem:$0x9560] =	vst v0  }
0x9e: {  	[tilespmem:$0x9570] =	vst v0  }
0x9f: {  	[tilespmem:$0x9580] =	vst v0  }
0xa0: {  	[tilespmem:$0x9590] =	vst v0  }
0xa1: {  	[tilespmem:$0x95A0] =	vst v0  }
0xa2: {  	[tilespmem:$0x95B0] =	vst v0  }
0xa3: {  	[tilespmem:$0x95C0] =	vst v0  }
0xa4: {  	[tilespmem:$0x95D0] =	vst v0  }
0xa5: {  	[tilespmem:$0x95E0] =	vst v0  }
0xa6: {  	[tilespmem:$0x95F0] =	vst v0  }
0xa7: {  	[tilespmem:$0x9600] =	vst v0  }
0xa8: {  	[tilespmem:$0x9610] =	vst v0  }
0xa9: {  	[tilespmem:$0x9620] =	vst v0  }
0xaa: {  	[tilespmem:$0x9630] =	vst v0  }
0xab: {  	[tilespmem:$0x9640] =	vst v0  }
0xac: {  	[bflag:$0x0] =	sbarrier.arrive $0xFFFF  }
0xad: {  	[tilespmem:s21], [sflag:$0x1] =	stream.indirect.gather [spmem:s2], $0x40, s5, s20, $0xb8;
	[tilespmem:$0x1FA90] =	vst v63  }
0xae: {  	s7 =	simm.s32 $0x80  }
0xaf: {  	[tilespmem:s23], [sflag:$0x2] =	stream.indirect.gather [spmem:s2], $0x40, s7, s20, $0xb8;
	[tilespmem:$0x1FA90] =	vst v63  }
0xb0: {  	_ = 	snop  }
0xb1: {  	[spmem:s4] =	stream.indirect.scatter.add.f32 [tilespmem:s24], [sflag:$0x5], $0x10, s15, s20, $0xb8;
	[tilespmem:$0x1FA90] =	vst v63  }
0xb2: {  	_ =	swait.ge [sflag:s25], $0x1F40  }
0xb3: {  	[sflag:s25] =	ssyncset.done $0x0  }
0xb4: {  	[sflag:s25] =	ssyncadd.s32 $0xFFFFE0C0  }
0xb5: {  	[spmem:s3] =	stream.indirect.scatter.add.f32 [tilespmem:s21], [sflag:$0x3], $0x40, s15, s20, $0xb8;
	[tilespmem:$0x1FA90] =	vst v63  }
0xb6: {  	_ =	swait.ge [sflag:s26], $0x1F40  }
0xb7: {  	[sflag:s26] =	ssyncset.done $0x0  }
0xb8: {  	s8 =	simm.s32 $0x100;
	[sflag:s26] =	ssyncadd.s32 $0xFFFFE0C0  }
0xb9: {  	[tilespmem:s21], [sflag:$0x1] =	stream.indirect.gather [spmem:s2], $0x40, s8, s20, $0xb8;
	[tilespmem:$0x1FA90] =	vst v63  }
0xba: {  	_ = 	snop  }
0xbb: {  	[spmem:s4] =	stream.indirect.scatter.add.f32 [tilespmem:s24], [sflag:$0x5], $0x10, s29, s20, $0xb8;
	[tilespmem:$0x1FA90] =	vst v63  }
0xbc: {  	_ =	swait.ge [sflag:s30], $0x1F40  }
0xbd: {  	[sflag:s30] =	ssyncset.done $0x0  }
0xbe: {  	[sflag:s30] =	ssyncadd.s32 $0xFFFFE0C0  }
0xbf: {  	[spmem:s3] =	stream.indirect.scatter.add.f32 [tilespmem:s23], [sflag:$0x4], $0x40, s29, s20, $0xb8;
	[tilespmem:$0x1FA90] =	vst v63  }
0xc0: {  	_ =	swait.ge [sflag:s31], $0x7D0  }
0xc1: {  	[sflag:s31] =	ssyncset.done $0x0  }
0xc2: {  	[sflag:s31] =	ssyncadd.s32 $0xFFFFF830  }
0xc3: {  	_ =	swait.ge [sflag:s0], $0x1F40  }
0xc4: {  	[sflag:s0] =	ssyncset.done $0x0  }
0xc5: {  	s7 =	simm.s32 $0x180;
	[sflag:s0] =	ssyncadd.s32 $0xFFFFE0C0  }
0xc6: {  	[tilespmem:s23], [sflag:$0x2] =	stream.indirect.gather [spmem:s2], $0x40, s7, s20, $0xb8;
	[tilespmem:$0x1FA90] =	vst v63  }
0xc7: {  	s8 =	simm.s32 $0x2900  }
0xc8: {  	[spmem:s4] =	stream.indirect.scatter.add.f32 [tilespmem:s24], [sflag:$0x5], $0x10, s8, s20, $0xb8;
	[tilespmem:$0x1FA90] =	vst v63  }
0xc9: {  	_ =	swait.ge [sflag:s25], $0x1F40  }
0xca: {  	[sflag:s25] =	ssyncset.done $0x0  }
0xcb: {  	[sflag:s25] =	ssyncadd.s32 $0xFFFFE0C0  }
0xcc: {  	[spmem:s3] =	stream.indirect.scatter.add.f32 [tilespmem:s21], [sflag:$0x3], $0x40, s8, s20, $0xb8;
	[tilespmem:$0x1FA90] =	vst v63  }
0xcd: {  	_ =	swait.ge [sflag:s31], $0x7D0  }
0xce: {  	[sflag:s31] =	ssyncset.done $0x0  }
0xcf: {  	[sflag:s31] =	ssyncadd.s32 $0xFFFFF830  }
0xd0: {  	_ =	swait.ge [sflag:s26], $0x1F40  }
0xd1: {  	[sflag:s26] =	ssyncset.done $0x0  }
0xd2: {  	s7 =	simm.s32 $0x200;
	[sflag:s26] =	ssyncadd.s32 $0xFFFFE0C0  }
0xd3: {  	[tilespmem:s21], [sflag:$0x1] =	stream.indirect.gather [spmem:s2], $0x40, s7, s20, $0xb8;
	[tilespmem:$0x1FA90] =	vst v63  }
0xd4: {  	s8 =	simm.s32 $0x2980  }
0xd5: {  	[spmem:s4] =	stream.indirect.scatter.add.f32 [tilespmem:s24], [sflag:$0x5], $0x10, s8, s20, $0xb8;
	[tilespmem:$0x1FA90] =	vst v63  }
0xd6: {  	_ =	swait.ge [sflag:s30], $0x1F40  }
0xd7: {  	[sflag:s30] =	ssyncset.done $0x0  }
0xd8: {  	[sflag:s30] =	ssyncadd.s32 $0xFFFFE0C0  }
0xd9: {  	[spmem:s3] =	stream.indirect.scatter.add.f32 [tilespmem:s23], [sflag:$0x4], $0x40, s8, s20, $0xb8;
	[tilespmem:$0x1FA90] =	vst v63  }
0xda: {  	_ =	swait.ge [sflag:s31], $0x7D0  }
0xdb: {  	s6 =	simm.s32 $0xFFFF6C00;
	[sflag:s31] =	ssyncset.done $0x0  }
.LBB2_2:
0xdc: {  	p0 =	sne.s32 s6, $0xFFFFFC00  }
0xdd: {  	[sflag:s31] =	ssyncadd.s32 $0xFFFFF830;
	s7 =	smov.u32 s6;
	s6 =	sadd.s32 $0x400, s6  }
0xde: {  	_ =	swait.ge [sflag:s0], $0x1F40  }
0xdf: {  	s7 =	sshra.s32 s7, $0x2;
	[sflag:s0] =	ssyncset.done $0x0  }
0xe0: {  	s8 =	sadd.s32 $0x2780, s7;
	[sflag:s0] =	ssyncadd.s32 $0xFFFFE0C0  }
0xe1: {  	[tilespmem:s23], [sflag:$0x2] =	stream.indirect.gather [spmem:s2], $0x40, s8, s20, $0xb8;
	[tilespmem:$0x1FA90] =	vst v63  }
0xe2: {  	s8 =	sadd.s32 $0x4F00, s7  }
0xe3: {  	[spmem:s4] =	stream.indirect.scatter.add.f32 [tilespmem:s24], [sflag:$0x5], $0x10, s8, s20, $0xb8;
	[tilespmem:$0x1FA90] =	vst v63  }
0xe4: {  	_ =	swait.ge [sflag:s25], $0x1F40  }
0xe5: {  	[sflag:s25] =	ssyncset.done $0x0  }
0xe6: {  	[sflag:s25] =	ssyncadd.s32 $0xFFFFE0C0  }
0xe7: {  	[spmem:s3] =	stream.indirect.scatter.add.f32 [tilespmem:s21], [sflag:$0x3], $0x40, s8, s20, $0xb8;
	[tilespmem:$0x1FA90] =	vst v63  }
0xe8: {  	_ =	swait.ge [sflag:s31], $0x7D0  }
0xe9: {  	[sflag:s31] =	ssyncset.done $0x0  }
0xea: {  	[sflag:s31] =	ssyncadd.s32 $0xFFFFF830  }
0xeb: {  	_ =	swait.ge [sflag:s26], $0x1F40  }
0xec: {  	[sflag:s26] =	ssyncset.done $0x0  }
0xed: {  	s8 =	sadd.s32 $0x2800, s7;
	[sflag:s26] =	ssyncadd.s32 $0xFFFFE0C0  }
0xee: {  	[tilespmem:s21], [sflag:$0x1] =	stream.indirect.gather [spmem:s2], $0x40, s8, s20, $0xb8;
	[tilespmem:$0x1FA90] =	vst v63  }
0xef: {  	s7 =	sadd.s32 $0x4F80, s7  }
0xf0: {  	[spmem:s4] =	stream.indirect.scatter.add.f32 [tilespmem:s24], [sflag:$0x5], $0x10, s7, s20, $0xb8;
	[tilespmem:$0x1FA90] =	vst v63  }
0xf1: {  	_ =	swait.ge [sflag:s30], $0x1F40  }
.Ltmp0:
0xf2: {  	[sflag:s30] =	ssyncset.done $0x0;
	(pc) =	sbr.rel @p0 .LBB2_2-.Ltmp0, $4  }
0xf3: {  	[sflag:s30] =	ssyncadd.s32 $0xFFFFE0C0  }
0xf4: {  	[spmem:s3] =	stream.indirect.scatter.add.f32 [tilespmem:s23], [sflag:$0x4], $0x40, s7, s20, $0xb8;
	[tilespmem:$0x1FA90] =	vst v63  }
0xf5: {  	_ =	swait.ge [sflag:s31], $0x7D0  }
0xf6: {  	[sflag:s31] =	ssyncset.done $0x0  }
0xf7: {  	[sflag:s31] =	ssyncadd.s32 $0xFFFFF830  }
0xf8: {  	_ =	swait.ge [sflag:s0], $0x1F40  }
0xf9: {  	[sflag:s0] =	ssyncset.done $0x0  }
0xfa: {  	s6 =	simm.s32 $0x2780;
	[sflag:s0] =	ssyncadd.s32 $0xFFFFE0C0  }
0xfb: {  	[tilespmem:s23], [sflag:$0x2] =	stream.indirect.gather [spmem:s2], $0x40, s6, s20, $0xb8;
	[tilespmem:$0x1FA90] =	vst v63  }
0xfc: {  	_ = 	snop  }
0xfd: {  	[spmem:s4] =	stream.indirect.scatter.add.f32 [tilespmem:s24], [sflag:$0x5], $0x10, s22, s20, $0xb8;
	[tilespmem:$0x1FA90] =	vst v63  }
0xfe: {  	_ =	swait.ge [sflag:s25], $0x1F40  }
0xff: {  	[sflag:s25] =	ssyncset.done $0x0  }
0x100: {  	[sflag:s25] =	ssyncadd.s32 $0xFFFFE0C0  }
0x101: {  	[spmem:s3] =	stream.indirect.scatter.add.f32 [tilespmem:s21], [sflag:$0x3], $0x40, s22, s20, $0xb8;
	[tilespmem:$0x1FA90] =	vst v63  }
0x102: {  	_ =	swait.ge [sflag:s31], $0x7D0  }
0x103: {  	[sflag:s31] =	ssyncset.done $0x0  }
0x104: {  	[sflag:s31] =	ssyncadd.s32 $0xFFFFF830  }
0x105: {  	_ =	swait.ge [sflag:s26], $0x1F40  }
0x106: {  	[sflag:s26] =	ssyncset.done $0x0  }
0x107: {  	[sflag:s26] =	ssyncadd.s32 $0xFFFFE0C0  }
0x108: {  	[spmem:s4] =	stream.indirect.scatter.add.f32 [tilespmem:s24], [sflag:$0x5], $0x10, s28, s20, $0xb8;
	[tilespmem:$0x1FA90] =	vst v63  }
0x109: {  	_ =	swait.ge [sflag:s30], $0x1F40  }
0x10a: {  	[sflag:s30] =	ssyncset.done $0x0  }
0x10b: {  	[sflag:s30] =	ssyncadd.s32 $0xFFFFE0C0  }
0x10c: {  	[spmem:s3] =	stream.indirect.scatter.add.f32 [tilespmem:s23], [sflag:$0x4], $0x40, s28, s20, $0xb8;
	[tilespmem:$0x1FA90] =	vst v63  }
0x10d: {  	_ =	swait.ge [sflag:s31], $0x7D0  }
0x10e: {  	[sflag:s31] =	ssyncset.done $0x0  }
0x10f: {  	[sflag:s31] =	ssyncadd.s32 $0xFFFFF830  }
0x110: {  	_ =	swait.ge [sflag:s0], $0x1F40  }
0x111: {  	[sflag:s0] =	ssyncset.done $0x0  }
0x112: {  	[sflag:s0] =	ssyncadd.s32 $0xFFFFE0C0  }
0x113: {  	_ =	swait.ge [sflag:s31], $0x7D0  }
0x114: {  	[sflag:s31] =	ssyncset.done $0x0  }
0x115: {  	[sflag:s31] =	ssyncadd.s32 $0xFFFFF830  }
0x116: {  	[bflag:$0x0] =	sbarrier.arrive $0xFFFF  }
0x117: {  	[hbm:s11], [sflag:s16] =	dma.local [spmem:s18], $0x1400  }
0x118: {  	s1 =	sadd.s32 $0x1, s1;
	_ =	swait.ge [sflag:s14], $0x1400  }
0x119: {  	p0 =	sne.s32 s1, s13;
	[sflag:s14] =	ssyncset.done $0x0  }
.Ltmp1:
0x11a: {  	[sflag:s14] =	ssyncadd.s32 $0xFFFFEC00;
	(pc) =	sbr.rel @p0 .LBB2_1-.Ltmp1, $4  }
0x11b: {  	[hbm:s12], [sflag:s16] =	dma.local [spmem:s19], $0x500  }
0x11c: {  	_ =	swait.ge [sflag:s14], $0x500  }
0x11d: {  	[sflag:s14] =	ssyncset.done $0x0  }
0x11e: {  	[sflag:s14] =	ssyncadd.s32 $0xFFFFFB00  }
0x11f: {  	_ =	sfence.sel $0x180000  }
0x120: {  	[bflag:$0x0] =	sbarrier.arrive $0xFFFF  }
0x121: {  	_ =	strace $0x90000047  }
0x122: {  	s0 =	stileid.u32;
	[bflag:$0x2] =	sbarrier.arrive $0xFFFF  }
0x123: {  	p0 =	sne.s32 s0, $0x0;
	s0 =	rddreg [dreg:$0x5]  }
0x124: {  	s0 =	sadd.s32 @!p0 $0x100000, s0  }
0x125: {  	[sflag:s0] =	ssyncadd.tile.s32 @!p0 $0x1;
	_ =	shalt  }
.Lfunc_end2:
_tile_overlayer_lowered:
.L_overlay_start_2:
0x126: {  	(tag) =	ssettag $0x2  }
0x127: {  	s0 =	rddreg [dreg:$0x0];
	s2 =	stileid.u32  }
0x128: {  	s1 =	rddreg [dreg:$0x1];
	p0 =	sne.s32 s2, $0x0  }
0x129: {  	s3 =	rddreg [dreg:$0x2];
	[bflag:$0x3] =	sbarrier.arrive $0xFFFF;
	s2 =	simm.s32 @!p0 $0x1C06  }
0x12a: {  	[timem:s3], [sflag:s2] =	dma.local @!p0 [hbm:s0], s1  }
0x12b: {  	s0 =	simm.s32 @!p0 $0x6  }
0x12c: {  	_ =	swait.ge @!p0 [sflag:s0], s1  }
0x12d: {  	s1 =	ssub.s32 @!p0 $0x0, s1;
	[sflag:s0] =	ssyncset.done @!p0 $0x0  }
0x12e: {  	[sflag:s0] =	ssyncadd.s32 @!p0 s1  }
0x12f: {  	[bflag:$0x3] =	sbarrier.arrive $0xFFFF  }
0x130: {  	_ =	shalt  }

</sc_bundles>
